<compile_context>
chip_gen: v7x
topology: tpu7x:2x2x1
jax: 0.10.2.dev20260603
libtpu: 0.0.44.dev20260713+nightly
codegen_flags: <defaults>
</compile_context>

<pallas_src>
import jax
import jax.numpy as jnp
from jax import lax
from jax.experimental import pallas as pl
from jax.experimental.pallas import tpu as pltpu
from jax.experimental.pallas import tpu_sc as plsc

_V = 1000
_C = 128
_B = 1024
_L = 200
_LANES = 16
_NB = 13

_NW = 32
_BPW = _B // _NW
_NS = 4

_CH0 = 104
_CH1 = _L - _CH0


def _sc_body(x_hbm, mask_hbm, tab_hbm, out_hbm,
             idx_all, mask_all, r0, r1, r2, r3, tab_sh,
             g0, g1, g2, g3, o0, o1, o2, o3):
    sid = lax.axis_index("s")
    wid = sid * 2 + lax.axis_index("c")
    iota = lax.broadcasted_iota(jnp.int32, (_LANES,), 0)
    perms = [(iota + s) & 15 for s in range(_LANES)]
    b0 = wid * _BPW
    rows = (r0, r1, r2, r3)
    gsems = (g0, g1, g2, g3)
    osems = (o0, o1, o2, o3)

    def start_gather(i, rows_v, sem):
        pltpu.async_copy(tab_sh.at[idx_all.at[i, pl.ds(0, _CH0)]],
                         rows_v.at[pl.ds(0, _CH0)], sem)
        pltpu.async_copy(tab_sh.at[idx_all.at[i, pl.ds(_CH0, _CH1)]],
                         rows_v.at[pl.ds(_CH0, _CH1)], sem)

    def wait_gather(i, rows_v, sem):
        pltpu.make_async_copy(tab_sh.at[idx_all.at[i, pl.ds(0, _CH0)]],
                              rows_v.at[pl.ds(0, _CH0)], sem).wait()
        pltpu.make_async_copy(tab_sh.at[idx_all.at[i, pl.ds(_CH0, _CH1)]],
                              rows_v.at[pl.ds(_CH0, _CH1)], sem).wait()

    pltpu.sync_copy(x_hbm.at[pl.ds(b0, _BPW)], idx_all)

    @pl.when(sid == 0)
    def _():
        pltpu.sync_copy(tab_hbm, tab_sh)

    pltpu.sync_copy(mask_hbm.at[pl.ds(b0, _BPW)], mask_all)
    plsc.subcore_barrier()

    start_gather(0, rows[0], gsems[0])
    start_gather(1, rows[1], gsems[1])

    def per_quad(q, carry):
        for par in range(_NS):
            i = _NS * q + par
            rows_cur = rows[par]
            nxt = (par + 2) % _NS

            @pl.when(i >= 2)
            def _():
                pltpu.make_async_copy(rows[nxt], out_hbm.at[b0 + i - 2],
                                      osems[nxt]).wait()

            @pl.when(i + 2 < _BPW)
            def _():
                start_gather(i + 2, rows[nxt], gsems[nxt])

            wait_gather(i, rows_cur, gsems[par])

            ivec = jnp.full((_LANES,), i, jnp.int32)

            def per_lb(lb, cc, rows_cur=rows_cur, ivec=ivec):
                l0 = lb * 16
                lvec = jnp.minimum(iota + l0, _L - 1)
                valid = iota < (_L - l0)
                m = plsc.load_gather(mask_all, [ivec, lvec])

                @plsc.parallel_loop(0, _C // 16)
                def _ct(ct, lvec=lvec, m=m, valid=valid, rows_cur=rows_cur):
                    c0 = ct * 16
                    for s in range(_LANES):
                        cvec = perms[s] + c0
                        vals = plsc.load_gather(rows_cur, [lvec, cvec]) * m
                        plsc.store_scatter(rows_cur, [lvec, cvec], vals,
                                           mask=valid)

                return cc

            lax.fori_loop(0, _NB, per_lb, 0)

            pltpu.async_copy(rows_cur, out_hbm.at[b0 + i], osems[par])
        return carry

    lax.fori_loop(0, _BPW // _NS, per_quad, 0)

    for par in (2, 3):
        pltpu.make_async_copy(rows[par], out_hbm.at[b0 + _BPW - 4 + par],
                              osems[par]).wait()


def kernel(x, mask, emb_weight):
    x32 = x.astype(jnp.int32)
    mask2 = mask.reshape(_B, _L)
    mesh = plsc.VectorSubcoreMesh(core_axis_name="c", subcore_axis_name="s")
    run = pl.kernel(
        _sc_body,
        out_type=jax.ShapeDtypeStruct((_B, _L, _C), jnp.float32),
        mesh=mesh,
        compiler_params=pltpu.CompilerParams(
            needs_layout_passes=False, use_tc_tiling_on_sc=False),
        scratch_types=[
            pltpu.VMEM((_BPW, _L), jnp.int32),
            pltpu.VMEM((_BPW, _L), jnp.float32),
            pltpu.VMEM((_L, _C), jnp.float32),
            pltpu.VMEM((_L, _C), jnp.float32),
            pltpu.VMEM((_L, _C), jnp.float32),
            pltpu.VMEM((_L, _C), jnp.float32),
            pltpu.VMEM_SHARED((_V, _C), jnp.float32),
            pltpu.SemaphoreType.DMA,
            pltpu.SemaphoreType.DMA,
            pltpu.SemaphoreType.DMA,
            pltpu.SemaphoreType.DMA,
            pltpu.SemaphoreType.DMA,
            pltpu.SemaphoreType.DMA,
            pltpu.SemaphoreType.DMA,
            pltpu.SemaphoreType.DMA,
        ],
    )
    y = run(x32, mask2, emb_weight)
    return jnp.swapaxes(y, 1, 2)

# --- scband reference (transcript-rebuilt; emitter-appended) ---
"""Pipeline reference for scband-phoneme-embedding2-38087769981286 (READ-ONLY COPY).

The authoritative reference and input builder live on the scoring server;
editing this copy changes nothing except your own understanding.
"""

import jax, jax.numpy as jnp
import numpy as np

NUM_VOCAB = 1000
CHANNELS = 128
B = 1024
L = 200


def setup_inputs(seed: int = 0) -> dict:
    key = jax.random.key(seed)
    k1, k2, k3 = jax.random.split(key, 3)
    x = jax.random.randint(k1, (B, L), 0, NUM_VOCAB, dtype=jnp.int64)
    mask = jax.random.uniform(k2, (B, 1, L), dtype=jnp.float32)
    # embedding table, padding_idx=0 means row 0 is zeros
    emb_weight = jax.random.normal(k3, (NUM_VOCAB, CHANNELS), dtype=jnp.float32)
    emb_weight = emb_weight.at[0].set(0.0)
    return {"x": x, "mask": mask, "emb_weight": emb_weight}


def reference(x, mask, emb_weight):
    # nn.Embedding with padding_idx=0: row 0 acts as zeros
    table = emb_weight.at[0].set(0.0)
    out = jnp.take(table, x, axis=0)          # [B, L, C]
    out = jnp.swapaxes(out, -1, -2)            # [B, C, L]
    out = out * mask                           # broadcast [B, 1, L]
    return out

if __name__ == "__main__":
    import jax
    _d = setup_inputs()
    print(jax.jit(kernel)(*tuple(_d.values())))

</pallas_src>

<mosaic_0001>
#map = affine_map<(d0, d1) -> (0, 0)>
#map1 = affine_map<(d0, d1) -> (0, 0, 0)>
module attributes {stable_mosaic.version = 14 : i64} {
  func.func @_sc_body(%arg0: i32, %arg1: i32, %arg2: memref<1024x200xi32, #tpu.memory_space<hbm>>, %arg3: memref<1024x200xf32, #tpu.memory_space<hbm>>, %arg4: memref<1000x128xf32, #tpu.memory_space<hbm>>, %arg5: memref<1024x200x128xf32, #tpu.memory_space<hbm>>, %arg6: memref<32x200xi32, #tpu.memory_space<vmem>>, %arg7: memref<32x200xf32, #tpu.memory_space<vmem>>, %arg8: memref<200x128xf32, #tpu.memory_space<vmem>>, %arg9: memref<200x128xf32, #tpu.memory_space<vmem>>, %arg10: memref<200x128xf32, #tpu.memory_space<vmem>>, %arg11: memref<200x128xf32, #tpu.memory_space<vmem>>, %arg12: memref<1000x128xf32, #tpu.memory_space<vmem_shared>>, %arg13: memref<!tpu.dma_semaphore, #tpu.memory_space<semaphore_mem>>, %arg14: memref<!tpu.dma_semaphore, #tpu.memory_space<semaphore_mem>>, %arg15: memref<!tpu.dma_semaphore, #tpu.memory_space<semaphore_mem>>, %arg16: memref<!tpu.dma_semaphore, #tpu.memory_space<semaphore_mem>>, %arg17: memref<!tpu.dma_semaphore, #tpu.memory_space<semaphore_mem>>, %arg18: memref<!tpu.dma_semaphore, #tpu.memory_space<semaphore_mem>>, %arg19: memref<!tpu.dma_semaphore, #tpu.memory_space<semaphore_mem>>, %arg20: memref<!tpu.dma_semaphore, #tpu.memory_space<semaphore_mem>>) attributes {dimension_semantics = [#tpu.dimension_semantics<core_parallel>, #tpu.dimension_semantics<subcore_parallel>], iteration_bounds = array<i64: 2, 16>, scalar_prefetch = 0 : i64, scratch_operands = 15 : i64, tpu.core_type = #tpu.core_type<sc_vector_subcore>, window_params = [{transform_indices = #map}, {transform_indices = #map}, {transform_indices = #map}, {transform_indices = #map1}]} {
    %mul3A = arith.constant 2 : i32
    %mul3A_0 = arith.muli %arg1, %mul3A : i32
    %add3A = arith.addi %mul3A_0, %arg0 : i32
    %iota3A = tpu.iota {dimensions = array<i32: 0>} : vector<16xi32>
    %add3A_1 = arith.constant 0 : i32
    %add3A_2 = vector.broadcast %add3A_1 : i32 to vector<16xi32>
    %add3A_3 = arith.addi %iota3A, %add3A_2 : vector<16xi32>
    %and3A = arith.constant 15 : i32
    %and3A_4 = vector.broadcast %and3A : i32 to vector<16xi32>
    %and3A_5 = arith.andi %add3A_3, %and3A_4 : vector<16xi32>
    %add3A_6 = arith.constant 1 : i32
    %add3A_7 = vector.broadcast %add3A_6 : i32 to vector<16xi32>
    %add3A_8 = arith.addi %iota3A, %add3A_7 : vector<16xi32>
    %and3A_9 = arith.constant 15 : i32
    %and3A_10 = vector.broadcast %and3A_9 : i32 to vector<16xi32>
    %and3A_11 = arith.andi %add3A_8, %and3A_10 : vector<16xi32>
    %add3A_12 = arith.constant 2 : i32
    %add3A_13 = vector.broadcast %add3A_12 : i32 to vector<16xi32>
    %add3A_14 = arith.addi %iota3A, %add3A_13 : vector<16xi32>
    %and3A_15 = arith.constant 15 : i32
    %and3A_16 = vector.broadcast %and3A_15 : i32 to vector<16xi32>
    %and3A_17 = arith.andi %add3A_14, %and3A_16 : vector<16xi32>
    %add3A_18 = arith.constant 3 : i32
    %add3A_19 = vector.broadcast %add3A_18 : i32 to vector<16xi32>
    %add3A_20 = arith.addi %iota3A, %add3A_19 : vector<16xi32>
    %and3A_21 = arith.constant 15 : i32
    %and3A_22 = vector.broadcast %and3A_21 : i32 to vector<16xi32>
    %and3A_23 = arith.andi %add3A_20, %and3A_22 : vector<16xi32>
    %add3A_24 = arith.constant 4 : i32
    %add3A_25 = vector.broadcast %add3A_24 : i32 to vector<16xi32>
    %add3A_26 = arith.addi %iota3A, %add3A_25 : vector<16xi32>
    %and3A_27 = arith.constant 15 : i32
    %and3A_28 = vector.broadcast %and3A_27 : i32 to vector<16xi32>
    %and3A_29 = arith.andi %add3A_26, %and3A_28 : vector<16xi32>
    %add3A_30 = arith.constant 5 : i32
    %add3A_31 = vector.broadcast %add3A_30 : i32 to vector<16xi32>
    %add3A_32 = arith.addi %iota3A, %add3A_31 : vector<16xi32>
    %and3A_33 = arith.constant 15 : i32
    %and3A_34 = vector.broadcast %and3A_33 : i32 to vector<16xi32>
    %and3A_35 = arith.andi %add3A_32, %and3A_34 : vector<16xi32>
    %add3A_36 = arith.constant 6 : i32
    %add3A_37 = vector.broadcast %add3A_36 : i32 to vector<16xi32>
    %add3A_38 = arith.addi %iota3A, %add3A_37 : vector<16xi32>
    %and3A_39 = arith.constant 15 : i32
    %and3A_40 = vector.broadcast %and3A_39 : i32 to vector<16xi32>
    %and3A_41 = arith.andi %add3A_38, %and3A_40 : vector<16xi32>
    %add3A_42 = arith.constant 7 : i32
    %add3A_43 = vector.broadcast %add3A_42 : i32 to vector<16xi32>
    %add3A_44 = arith.addi %iota3A, %add3A_43 : vector<16xi32>
    %and3A_45 = arith.constant 15 : i32
    %and3A_46 = vector.broadcast %and3A_45 : i32 to vector<16xi32>
    %and3A_47 = arith.andi %add3A_44, %and3A_46 : vector<16xi32>
    %add3A_48 = arith.constant 8 : i32
    %add3A_49 = vector.broadcast %add3A_48 : i32 to vector<16xi32>
    %add3A_50 = arith.addi %iota3A, %add3A_49 : vector<16xi32>
    %and3A_51 = arith.constant 15 : i32
    %and3A_52 = vector.broadcast %and3A_51 : i32 to vector<16xi32>
    %and3A_53 = arith.andi %add3A_50, %and3A_52 : vector<16xi32>
    %add3A_54 = arith.constant 9 : i32
    %add3A_55 = vector.broadcast %add3A_54 : i32 to vector<16xi32>
    %add3A_56 = arith.addi %iota3A, %add3A_55 : vector<16xi32>
    %and3A_57 = arith.constant 15 : i32
    %and3A_58 = vector.broadcast %and3A_57 : i32 to vector<16xi32>
    %and3A_59 = arith.andi %add3A_56, %and3A_58 : vector<16xi32>
    %add3A_60 = arith.constant 10 : i32
    %add3A_61 = vector.broadcast %add3A_60 : i32 to vector<16xi32>
    %add3A_62 = arith.addi %iota3A, %add3A_61 : vector<16xi32>
    %and3A_63 = arith.constant 15 : i32
    %and3A_64 = vector.broadcast %and3A_63 : i32 to vector<16xi32>
    %and3A_65 = arith.andi %add3A_62, %and3A_64 : vector<16xi32>
    %add3A_66 = arith.constant 11 : i32
    %add3A_67 = vector.broadcast %add3A_66 : i32 to vector<16xi32>
    %add3A_68 = arith.addi %iota3A, %add3A_67 : vector<16xi32>
    %and3A_69 = arith.constant 15 : i32
    %and3A_70 = vector.broadcast %and3A_69 : i32 to vector<16xi32>
    %and3A_71 = arith.andi %add3A_68, %and3A_70 : vector<16xi32>
    %add3A_72 = arith.constant 12 : i32
    %add3A_73 = vector.broadcast %add3A_72 : i32 to vector<16xi32>
    %add3A_74 = arith.addi %iota3A, %add3A_73 : vector<16xi32>
    %and3A_75 = arith.constant 15 : i32
    %and3A_76 = vector.broadcast %and3A_75 : i32 to vector<16xi32>
    %and3A_77 = arith.andi %add3A_74, %and3A_76 : vector<16xi32>
    %add3A_78 = arith.constant 13 : i32
    %add3A_79 = vector.broadcast %add3A_78 : i32 to vector<16xi32>
    %add3A_80 = arith.addi %iota3A, %add3A_79 : vector<16xi32>
    %and3A_81 = arith.constant 15 : i32
    %and3A_82 = vector.broadcast %and3A_81 : i32 to vector<16xi32>
    %and3A_83 = arith.andi %add3A_80, %and3A_82 : vector<16xi32>
    %add3A_84 = arith.constant 14 : i32
    %add3A_85 = vector.broadcast %add3A_84 : i32 to vector<16xi32>
    %add3A_86 = arith.addi %iota3A, %add3A_85 : vector<16xi32>
    %and3A_87 = arith.constant 15 : i32
    %and3A_88 = vector.broadcast %and3A_87 : i32 to vector<16xi32>
    %and3A_89 = arith.andi %add3A_86, %and3A_88 : vector<16xi32>
    %add3A_90 = arith.constant 15 : i32
    %add3A_91 = vector.broadcast %add3A_90 : i32 to vector<16xi32>
    %add3A_92 = arith.addi %iota3A, %add3A_91 : vector<16xi32>
    %and3A_93 = arith.constant 15 : i32
    %and3A_94 = vector.broadcast %and3A_93 : i32 to vector<16xi32>
    %and3A_95 = arith.andi %add3A_92, %and3A_94 : vector<16xi32>
    %mul3A_96 = arith.constant 32 : i32
    %mul3A_97 = arith.muli %add3A, %mul3A_96 : i32
    "tpu.region"() ({
      %run_scoped3A = tpu.sem_alloc : memref<!tpu.dma_semaphore, #tpu.memory_space<semaphore_mem>>
      %dma_start3A_170 = arith.constant 0 : i32
      %dma_start3A_171 = tpu.memref_slice %arg2[%mul3A_97, %dma_start3A_170] : memref<1024x200xi32, #tpu.memory_space<hbm>> -> memref<32x200xi32, #tpu.memory_space<hbm>>
      %dma_start3A_172 = arith.constant 0 : i32
      %dma_start3A_173 = tpu.memref_slice %arg2[%mul3A_97, %dma_start3A_172] : memref<1024x200xi32, #tpu.memory_space<hbm>> -> memref<32x200xi32, #tpu.memory_space<hbm>>
      tpu.enqueue_dma source(%dma_start3A_173 : memref<32x200xi32, #tpu.memory_space<hbm>>) target(%arg6 : memref<32x200xi32, #tpu.memory_space<vmem>>) target_semaphore(%run_scoped3A : memref<!tpu.dma_semaphore, #tpu.memory_space<semaphore_mem>>)
      %dma_wait3A_174 = arith.constant 0 : i32
      %dma_wait3A_175 = tpu.memref_slice %arg2[%mul3A_97, %dma_wait3A_174] : memref<1024x200xi32, #tpu.memory_space<hbm>> -> memref<32x200xi32, #tpu.memory_space<hbm>>
      %dma_wait3A_176 = arith.constant 0 : i32
      %dma_wait3A_177 = tpu.memref_slice %arg2[%mul3A_97, %dma_wait3A_176] : memref<1024x200xi32, #tpu.memory_space<hbm>> -> memref<32x200xi32, #tpu.memory_space<hbm>>
      tpu.wait_dma2 semaphore(%run_scoped3A : memref<!tpu.dma_semaphore, #tpu.memory_space<semaphore_mem>>) src(%dma_wait3A_177 : memref<32x200xi32, #tpu.memory_space<hbm>>) dst(%arg6 : memref<32x200xi32, #tpu.memory_space<vmem>>)
      tpu.yield
    }) : () -> ()
    %eq3A = arith.constant 0 : i32
    %eq3A_98 = arith.cmpi eq, %arg1, %eq3A : i32
    %convert_element_type3A = arith.extui %eq3A_98 : i1 to i32
    %cond3A = arith.constant 0 : i32
    %cond3A_99 = arith.cmpi ne, %convert_element_type3A, %cond3A : i32
    scf.if %cond3A_99 {
      "tpu.region"() ({
        %run_scoped3A = tpu.sem_alloc : memref<!tpu.dma_semaphore, #tpu.memory_space<semaphore_mem>>
        tpu.enqueue_dma source(%arg4 : memref<1000x128xf32, #tpu.memory_space<hbm>>) target(%arg12 : memref<1000x128xf32, #tpu.memory_space<vmem_shared>>) target_semaphore(%run_scoped3A : memref<!tpu.dma_semaphore, #tpu.memory_space<semaphore_mem>>)
        tpu.wait_dma2 semaphore(%run_scoped3A : memref<!tpu.dma_semaphore, #tpu.memory_space<semaphore_mem>>) src(%arg4 : memref<1000x128xf32, #tpu.memory_space<hbm>>) dst(%arg12 : memref<1000x128xf32, #tpu.memory_space<vmem_shared>>)
        tpu.yield
      }) : () -> ()
    } else {
    }
    "tpu.region"() ({
      %run_scoped3A = tpu.sem_alloc : memref<!tpu.dma_semaphore, #tpu.memory_space<semaphore_mem>>
      %dma_start3A_170 = arith.constant 0 : i32
      %dma_start3A_171 = tpu.memref_slice %arg3[%mul3A_97, %dma_start3A_170] : memref<1024x200xf32, #tpu.memory_space<hbm>> -> memref<32x200xf32, #tpu.memory_space<hbm>>
      %dma_start3A_172 = arith.constant 0 : i32
      %dma_start3A_173 = tpu.memref_slice %arg3[%mul3A_97, %dma_start3A_172] : memref<1024x200xf32, #tpu.memory_space<hbm>> -> memref<32x200xf32, #tpu.memory_space<hbm>>
      tpu.enqueue_dma source(%dma_start3A_173 : memref<32x200xf32, #tpu.memory_space<hbm>>) target(%arg7 : memref<32x200xf32, #tpu.memory_space<vmem>>) target_semaphore(%run_scoped3A : memref<!tpu.dma_semaphore, #tpu.memory_space<semaphore_mem>>)
      %dma_wait3A_174 = arith.constant 0 : i32
      %dma_wait3A_175 = tpu.memref_slice %arg3[%mul3A_97, %dma_wait3A_174] : memref<1024x200xf32, #tpu.memory_space<hbm>> -> memref<32x200xf32, #tpu.memory_space<hbm>>
      %dma_wait3A_176 = arith.constant 0 : i32
      %dma_wait3A_177 = tpu.memref_slice %arg3[%mul3A_97, %dma_wait3A_176] : memref<1024x200xf32, #tpu.memory_space<hbm>> -> memref<32x200xf32, #tpu.memory_space<hbm>>
      tpu.wait_dma2 semaphore(%run_scoped3A : memref<!tpu.dma_semaphore, #tpu.memory_space<semaphore_mem>>) src(%dma_wait3A_177 : memref<32x200xf32, #tpu.memory_space<hbm>>) dst(%arg7 : memref<32x200xf32, #tpu.memory_space<vmem>>)
      tpu.yield
    }) : () -> ()
    %barrier3A = arith.constant 0 : index
    tpu.barrier barrier_id(%barrier3A)
    %dma_start3A = arith.constant 0 : i32
    %dma_start3A_100 = arith.constant 0 : i32
    %dma_start3A_101 = arith.constant 0 : i32
    %dma_start3A_102 = tpu.memref_slice %arg8[%dma_start3A_100, %dma_start3A_101] : memref<200x128xf32, #tpu.memory_space<vmem>> -> memref<104x128xf32, #tpu.memory_space<vmem>>
    %dma_start3A_103 = arith.constant 0 : i32
    %dma_start3A_104 = tpu.memref_slice %arg6[%dma_start3A, %dma_start3A_103] : memref<32x200xi32, #tpu.memory_space<vmem>> -> memref<1x104xi32, #tpu.memory_space<vmem>>
    %dma_start3A_105 = tpu.memref_squeeze %dma_start3A_104 : memref<1x104xi32, #tpu.memory_space<vmem>> -> memref<104xi32, #tpu.memory_space<vmem>>
    %dma_start3A_106 = arith.constant 0 : i32
    %dma_start3A_107 = arith.constant 0 : i32
    %dma_start3A_108 = tpu.memref_slice %arg12[%dma_start3A_106, %dma_start3A_107] : memref<1000x128xf32, #tpu.memory_space<vmem_shared>> -> memref<1000x128xf32, #tpu.memory_space<vmem_shared>>
    tpu.enqueue_indirect_dma source(%dma_start3A_108 : memref<1000x128xf32, #tpu.memory_space<vmem_shared>>) target(%dma_start3A_102 : memref<104x128xf32, #tpu.memory_space<vmem>>) offsets(%dma_start3A_105 : memref<104xi32, #tpu.memory_space<vmem>>) semaphore(%arg13 : memref<!tpu.dma_semaphore, #tpu.memory_space<semaphore_mem>>)
    %dma_start3A_109 = arith.constant 0 : i32
    %dma_start3A_110 = arith.constant 104 : i32
    %dma_start3A_111 = arith.constant 0 : i32
    %dma_start3A_112 = tpu.memref_slice %arg8[%dma_start3A_110, %dma_start3A_111] : memref<200x128xf32, #tpu.memory_space<vmem>> -> memref<96x128xf32, #tpu.memory_space<vmem>>
    %dma_start3A_113 = arith.constant 104 : i32
    %dma_start3A_114 = tpu.memref_slice %arg6[%dma_start3A_109, %dma_start3A_113] : memref<32x200xi32, #tpu.memory_space<vmem>> -> memref<1x96xi32, #tpu.memory_space<vmem>>
    %dma_start3A_115 = tpu.memref_squeeze %dma_start3A_114 : memref<1x96xi32, #tpu.memory_space<vmem>> -> memref<96xi32, #tpu.memory_space<vmem>>
    %dma_start3A_116 = arith.constant 0 : i32
    %dma_start3A_117 = arith.constant 0 : i32
    %dma_start3A_118 = tpu.memref_slice %arg12[%dma_start3A_116, %dma_start3A_117] : memref<1000x128xf32, #tpu.memory_space<vmem_shared>> -> memref<1000x128xf32, #tpu.memory_space<vmem_shared>>
    tpu.enqueue_indirect_dma source(%dma_start3A_118 : memref<1000x128xf32, #tpu.memory_space<vmem_shared>>) target(%dma_start3A_112 : memref<96x128xf32, #tpu.memory_space<vmem>>) offsets(%dma_start3A_115 : memref<96xi32, #tpu.memory_space<vmem>>) semaphore(%arg13 : memref<!tpu.dma_semaphore, #tpu.memory_space<semaphore_mem>>)
    %dma_start3A_119 = arith.constant 1 : i32
    %dma_start3A_120 = arith.constant 0 : i32
    %dma_start3A_121 = arith.constant 0 : i32
    %dma_start3A_122 = tpu.memref_slice %arg9[%dma_start3A_120, %dma_start3A_121] : memref<200x128xf32, #tpu.memory_space<vmem>> -> memref<104x128xf32, #tpu.memory_space<vmem>>
    %dma_start3A_123 = arith.constant 0 : i32
    %dma_start3A_124 = tpu.memref_slice %arg6[%dma_start3A_119, %dma_start3A_123] : memref<32x200xi32, #tpu.memory_space<vmem>> -> memref<1x104xi32, #tpu.memory_space<vmem>>
    %dma_start3A_125 = tpu.memref_squeeze %dma_start3A_124 : memref<1x104xi32, #tpu.memory_space<vmem>> -> memref<104xi32, #tpu.memory_space<vmem>>
    %dma_start3A_126 = arith.constant 0 : i32
    %dma_start3A_127 = arith.constant 0 : i32
    %dma_start3A_128 = tpu.memref_slice %arg12[%dma_start3A_126, %dma_start3A_127] : memref<1000x128xf32, #tpu.memory_space<vmem_shared>> -> memref<1000x128xf32, #tpu.memory_space<vmem_shared>>
    tpu.enqueue_indirect_dma source(%dma_start3A_128 : memref<1000x128xf32, #tpu.memory_space<vmem_shared>>) target(%dma_start3A_122 : memref<104x128xf32, #tpu.memory_space<vmem>>) offsets(%dma_start3A_125 : memref<104xi32, #tpu.memory_space<vmem>>) semaphore(%arg14 : memref<!tpu.dma_semaphore, #tpu.memory_space<semaphore_mem>>)
    %dma_start3A_129 = arith.constant 1 : i32
    %dma_start3A_130 = arith.constant 104 : i32
    %dma_start3A_131 = arith.constant 0 : i32
    %dma_start3A_132 = tpu.memref_slice %arg9[%dma_start3A_130, %dma_start3A_131] : memref<200x128xf32, #tpu.memory_space<vmem>> -> memref<96x128xf32, #tpu.memory_space<vmem>>
    %dma_start3A_133 = arith.constant 104 : i32
    %dma_start3A_134 = tpu.memref_slice %arg6[%dma_start3A_129, %dma_start3A_133] : memref<32x200xi32, #tpu.memory_space<vmem>> -> memref<1x96xi32, #tpu.memory_space<vmem>>
    %dma_start3A_135 = tpu.memref_squeeze %dma_start3A_134 : memref<1x96xi32, #tpu.memory_space<vmem>> -> memref<96xi32, #tpu.memory_space<vmem>>
    %dma_start3A_136 = arith.constant 0 : i32
    %dma_start3A_137 = arith.constant 0 : i32
    %dma_start3A_138 = tpu.memref_slice %arg12[%dma_start3A_136, %dma_start3A_137] : memref<1000x128xf32, #tpu.memory_space<vmem_shared>> -> memref<1000x128xf32, #tpu.memory_space<vmem_shared>>
    tpu.enqueue_indirect_dma source(%dma_start3A_138 : memref<1000x128xf32, #tpu.memory_space<vmem_shared>>) target(%dma_start3A_132 : memref<96x128xf32, #tpu.memory_space<vmem>>) offsets(%dma_start3A_135 : memref<96xi32, #tpu.memory_space<vmem>>) semaphore(%arg14 : memref<!tpu.dma_semaphore, #tpu.memory_space<semaphore_mem>>)
    %scan3A = arith.constant 0 : i32
    %scan3A_139 = arith.constant 0 : i32
    %scan3A_140 = arith.constant 8 : i32
    %scan3A_141 = arith.addi %scan3A_139, %scan3A_140 : i32
    %scan3A_142 = arith.constant 1 : i32
    scf.for %scan3A_170 = %scan3A_139 to %scan3A_141 step %scan3A_142  : i32 {
      %mul3A_171 = arith.constant 4 : i32
      %mul3A_172 = arith.muli %mul3A_171, %scan3A_170 : i32
      %add3A_173 = arith.constant 0 : i32
      %add3A_174 = arith.addi %mul3A_172, %add3A_173 : i32
      %ge3A = arith.constant 2 : i32
      %ge3A_175 = arith.cmpi sge, %add3A_174, %ge3A : i32
      %convert_element_type3A_176 = arith.extui %ge3A_175 : i1 to i32
      %cond3A_177 = arith.constant 0 : i32
      %cond3A_178 = arith.cmpi ne, %convert_element_type3A_176, %cond3A_177 : i32
      scf.if %cond3A_178 {
        %add3A_368 = arith.addi %mul3A_97, %add3A_174 : i32
        %sub3A_369 = arith.constant 2 : i32
        %sub3A_370 = arith.subi %add3A_368, %sub3A_369 : i32
        %dma_wait3A_371 = arith.constant 0 : i32
        %dma_wait3A_372 = arith.constant 0 : i32
        %dma_wait3A_373 = tpu.memref_slice %arg5[%sub3A_370, %dma_wait3A_371, %dma_wait3A_372] : memref<1024x200x128xf32, #tpu.memory_space<hbm>> -> memref<1x200x128xf32, #tpu.memory_space<hbm>>
        %dma_wait3A_374 = tpu.memref_squeeze %dma_wait3A_373 : memref<1x200x128xf32, #tpu.memory_space<hbm>> -> memref<200x128xf32, #tpu.memory_space<hbm>>
        %dma_wait3A_375 = arith.constant 0 : i32
        %dma_wait3A_376 = arith.constant 0 : i32
        %dma_wait3A_377 = tpu.memref_slice %arg5[%sub3A_370, %dma_wait3A_375, %dma_wait3A_376] : memref<1024x200x128xf32, #tpu.memory_space<hbm>> -> memref<1x200x128xf32, #tpu.memory_space<hbm>>
        %dma_wait3A_378 = tpu.memref_squeeze %dma_wait3A_377 : memref<1x200x128xf32, #tpu.memory_space<hbm>> -> memref<200x128xf32, #tpu.memory_space<hbm>>
        tpu.wait_dma2 semaphore(%arg19 : memref<!tpu.dma_semaphore, #tpu.memory_space<semaphore_mem>>) src(%arg10 : memref<200x128xf32, #tpu.memory_space<vmem>>) dst(%dma_wait3A_378 : memref<200x128xf32, #tpu.memory_space<hbm>>)
      } else {
      }
      %add3A_179 = arith.constant 2 : i32
      %add3A_180 = arith.addi %add3A_174, %add3A_179 : i32
      %lt3A = arith.constant 32 : i32
      %lt3A_181 = arith.cmpi slt, %add3A_180, %lt3A : i32
      %convert_element_type3A_182 = arith.extui %lt3A_181 : i1 to i32
      %cond3A_183 = arith.constant 0 : i32
      %cond3A_184 = arith.cmpi ne, %convert_element_type3A_182, %cond3A_183 : i32
      scf.if %cond3A_184 {
        %add3A_368 = arith.constant 2 : i32
        %add3A_369 = arith.addi %add3A_174, %add3A_368 : i32
        %dma_start3A_370 = arith.constant 0 : i32
        %dma_start3A_371 = arith.constant 0 : i32
        %dma_start3A_372 = tpu.memref_slice %arg10[%dma_start3A_370, %dma_start3A_371] : memref<200x128xf32, #tpu.memory_space<vmem>> -> memref<104x128xf32, #tpu.memory_space<vmem>>
        %dma_start3A_373 = arith.constant 0 : i32
        %dma_start3A_374 = tpu.memref_slice %arg6[%add3A_369, %dma_start3A_373] : memref<32x200xi32, #tpu.memory_space<vmem>> -> memref<1x104xi32, #tpu.memory_space<vmem>>
        %dma_start3A_375 = tpu.memref_squeeze %dma_start3A_374 : memref<1x104xi32, #tpu.memory_space<vmem>> -> memref<104xi32, #tpu.memory_space<vmem>>
        %dma_start3A_376 = arith.constant 0 : i32
        %dma_start3A_377 = arith.constant 0 : i32
        %dma_start3A_378 = tpu.memref_slice %arg12[%dma_start3A_376, %dma_start3A_377] : memref<1000x128xf32, #tpu.memory_space<vmem_shared>> -> memref<1000x128xf32, #tpu.memory_space<vmem_shared>>
        tpu.enqueue_indirect_dma source(%dma_start3A_378 : memref<1000x128xf32, #tpu.memory_space<vmem_shared>>) target(%dma_start3A_372 : memref<104x128xf32, #tpu.memory_space<vmem>>) offsets(%dma_start3A_375 : memref<104xi32, #tpu.memory_space<vmem>>) semaphore(%arg15 : memref<!tpu.dma_semaphore, #tpu.memory_space<semaphore_mem>>)
        %dma_start3A_379 = arith.constant 104 : i32
        %dma_start3A_380 = arith.constant 0 : i32
        %dma_start3A_381 = tpu.memref_slice %arg10[%dma_start3A_379, %dma_start3A_380] : memref<200x128xf32, #tpu.memory_space<vmem>> -> memref<96x128xf32, #tpu.memory_space<vmem>>
        %dma_start3A_382 = arith.constant 104 : i32
        %dma_start3A_383 = tpu.memref_slice %arg6[%add3A_369, %dma_start3A_382] : memref<32x200xi32, #tpu.memory_space<vmem>> -> memref<1x96xi32, #tpu.memory_space<vmem>>
        %dma_start3A_384 = tpu.memref_squeeze %dma_start3A_383 : memref<1x96xi32, #tpu.memory_space<vmem>> -> memref<96xi32, #tpu.memory_space<vmem>>
        %dma_start3A_385 = arith.constant 0 : i32
        %dma_start3A_386 = arith.constant 0 : i32
        %dma_start3A_387 = tpu.memref_slice %arg12[%dma_start3A_385, %dma_start3A_386] : memref<1000x128xf32, #tpu.memory_space<vmem_shared>> -> memref<1000x128xf32, #tpu.memory_space<vmem_shared>>
        tpu.enqueue_indirect_dma source(%dma_start3A_387 : memref<1000x128xf32, #tpu.memory_space<vmem_shared>>) target(%dma_start3A_381 : memref<96x128xf32, #tpu.memory_space<vmem>>) offsets(%dma_start3A_384 : memref<96xi32, #tpu.memory_space<vmem>>) semaphore(%arg15 : memref<!tpu.dma_semaphore, #tpu.memory_space<semaphore_mem>>)
      } else {
      }
      %dma_wait3A_185 = arith.constant 0 : i32
      %dma_wait3A_186 = arith.constant 0 : i32
      %dma_wait3A_187 = tpu.memref_slice %arg8[%dma_wait3A_185, %dma_wait3A_186] : memref<200x128xf32, #tpu.memory_space<vmem>> -> memref<104x128xf32, #tpu.memory_space<vmem>>
      %dma_wait3A_188 = arith.constant 0 : i32
      %dma_wait3A_189 = tpu.memref_slice %arg6[%add3A_174, %dma_wait3A_188] : memref<32x200xi32, #tpu.memory_space<vmem>> -> memref<1x104xi32, #tpu.memory_space<vmem>>
      %dma_wait3A_190 = tpu.memref_squeeze %dma_wait3A_189 : memref<1x104xi32, #tpu.memory_space<vmem>> -> memref<104xi32, #tpu.memory_space<vmem>>
      %dma_wait3A_191 = arith.constant 0 : i32
      %dma_wait3A_192 = arith.constant 0 : i32
      %dma_wait3A_193 = tpu.memref_slice %arg12[%dma_wait3A_191, %dma_wait3A_192] : memref<1000x128xf32, #tpu.memory_space<vmem_shared>> -> memref<1000x128xf32, #tpu.memory_space<vmem_shared>>
      tpu.wait_indirect_dma semaphore(%arg13 : memref<!tpu.dma_semaphore, #tpu.memory_space<semaphore_mem>>) src(%dma_wait3A_193 : memref<1000x128xf32, #tpu.memory_space<vmem_shared>>) dst(%dma_wait3A_187 : memref<104x128xf32, #tpu.memory_space<vmem>>)
      %dma_wait3A_194 = arith.constant 104 : i32
      %dma_wait3A_195 = arith.constant 0 : i32
      %dma_wait3A_196 = tpu.memref_slice %arg8[%dma_wait3A_194, %dma_wait3A_195] : memref<200x128xf32, #tpu.memory_space<vmem>> -> memref<96x128xf32, #tpu.memory_space<vmem>>
      %dma_wait3A_197 = arith.constant 104 : i32
      %dma_wait3A_198 = tpu.memref_slice %arg6[%add3A_174, %dma_wait3A_197] : memref<32x200xi32, #tpu.memory_space<vmem>> -> memref<1x96xi32, #tpu.memory_space<vmem>>
      %dma_wait3A_199 = tpu.memref_squeeze %dma_wait3A_198 : memref<1x96xi32, #tpu.memory_space<vmem>> -> memref<96xi32, #tpu.memory_space<vmem>>
      %dma_wait3A_200 = arith.constant 0 : i32
      %dma_wait3A_201 = arith.constant 0 : i32
      %dma_wait3A_202 = tpu.memref_slice %arg12[%dma_wait3A_200, %dma_wait3A_201] : memref<1000x128xf32, #tpu.memory_space<vmem_shared>> -> memref<1000x128xf32, #tpu.memory_space<vmem_shared>>
      tpu.wait_indirect_dma semaphore(%arg13 : memref<!tpu.dma_semaphore, #tpu.memory_space<semaphore_mem>>) src(%dma_wait3A_202 : memref<1000x128xf32, #tpu.memory_space<vmem_shared>>) dst(%dma_wait3A_196 : memref<96x128xf32, #tpu.memory_space<vmem>>)
      %broadcast_in_dim3A = vector.broadcast %add3A_174 : i32 to vector<16xi32>
      %scan3A_203 = arith.constant 0 : i32
      %scan3A_204 = arith.constant 0 : i32
      %scan3A_205 = arith.constant 13 : i32
      %scan3A_206 = arith.addi %scan3A_204, %scan3A_205 : i32
      %scan3A_207 = arith.constant 1 : i32
      scf.for %scan3A_368 = %scan3A_204 to %scan3A_206 step %scan3A_207  : i32 {
        %mul3A_369 = arith.constant 16 : i32
        %mul3A_370 = arith.muli %scan3A_368, %mul3A_369 : i32
        %add3A_371 = vector.broadcast %mul3A_370 : i32 to vector<16xi32>
        %add3A_372 = arith.addi %iota3A, %add3A_371 : vector<16xi32>
        %min3A = arith.constant 199 : i32
        %min3A_373 = vector.broadcast %min3A : i32 to vector<16xi32>
        %min3A_374 = arith.minsi %add3A_372, %min3A_373 : vector<16xi32>
        %sub3A_375 = arith.constant 200 : i32
        %sub3A_376 = arith.subi %sub3A_375, %mul3A_370 : i32
        %lt3A_377 = vector.broadcast %sub3A_376 : i32 to vector<16xi32>
        %lt3A_378 = arith.cmpi slt, %iota3A, %lt3A_377 : vector<16xi32>
        %gather3A = tpu.vector_load_idx %arg7[%broadcast_in_dim3A, %min3A_374] : memref<32x200xf32, #tpu.memory_space<vmem>>[vector<16xi32>, vector<16xi32>], vector<16xf32>,
        %parallel_loop3A = arith.constant 0 : i32
        %parallel_loop3A_379 = arith.constant 8 : i32
        %parallel_loop3A_380 = arith.constant 1 : i32
        scf.for %parallel_loop3A_381 = %parallel_loop3A to %parallel_loop3A_379 step %parallel_loop3A_380  : i32 {
          %parallel_loop3A_382 = arith.constant 16 : i32
          %parallel_loop3A_383 = arith.muli %parallel_loop3A_381, %parallel_loop3A_382 : i32
          %parallel_loop3A_384 = vector.broadcast %parallel_loop3A_383 : i32 to vector<16xi32>
          %parallel_loop3A_385 = arith.addi %and3A_5, %parallel_loop3A_384 : vector<16xi32>
          %parallel_loop3A_386 = tpu.vector_load_idx %arg8[%min3A_374, %parallel_loop3A_385] : memref<200x128xf32, #tpu.memory_space<vmem>>[vector<16xi32>, vector<16xi32>], vector<16xf32>,
          %parallel_loop3A_387 = arith.mulf %parallel_loop3A_386, %gather3A : vector<16xf32>
          tpu.vector_store_idx %arg8[%min3A_374, %parallel_loop3A_385], %parallel_loop3A_387 masked %lt3A_378 : memref<200x128xf32, #tpu.memory_space<vmem>>[vector<16xi32>, vector<16xi32>], vector<16xf32>, vector<16xi1>
          %parallel_loop3A_388 = vector.broadcast %parallel_loop3A_383 : i32 to vector<16xi32>
          %parallel_loop3A_389 = arith.addi %and3A_11, %parallel_loop3A_388 : vector<16xi32>
          %parallel_loop3A_390 = tpu.vector_load_idx %arg8[%min3A_374, %parallel_loop3A_389] : memref<200x128xf32, #tpu.memory_space<vmem>>[vector<16xi32>, vector<16xi32>], vector<16xf32>,
          %parallel_loop3A_391 = arith.mulf %parallel_loop3A_390, %gather3A : vector<16xf32>
          tpu.vector_store_idx %arg8[%min3A_374, %parallel_loop3A_389], %parallel_loop3A_391 masked %lt3A_378 : memref<200x128xf32, #tpu.memory_space<vmem>>[vector<16xi32>, vector<16xi32>], vector<16xf32>, vector<16xi1>
          %parallel_loop3A_392 = vector.broadcast %parallel_loop3A_383 : i32 to vector<16xi32>
          %parallel_loop3A_393 = arith.addi %and3A_17, %parallel_loop3A_392 : vector<16xi32>
          %parallel_loop3A_394 = tpu.vector_load_idx %arg8[%min3A_374, %parallel_loop3A_393] : memref<200x128xf32, #tpu.memory_space<vmem>>[vector<16xi32>, vector<16xi32>], vector<16xf32>,
          %parallel_loop3A_395 = arith.mulf %parallel_loop3A_394, %gather3A : vector<16xf32>
          tpu.vector_store_idx %arg8[%min3A_374, %parallel_loop3A_393], %parallel_loop3A_395 masked %lt3A_378 : memref<200x128xf32, #tpu.memory_space<vmem>>[vector<16xi32>, vector<16xi32>], vector<16xf32>, vector<16xi1>
          %parallel_loop3A_396 = vector.broadcast %parallel_loop3A_383 : i32 to vector<16xi32>
          %parallel_loop3A_397 = arith.addi %and3A_23, %parallel_loop3A_396 : vector<16xi32>
          %parallel_loop3A_398 = tpu.vector_load_idx %arg8[%min3A_374, %parallel_loop3A_397] : memref<200x128xf32, #tpu.memory_space<vmem>>[vector<16xi32>, vector<16xi32>], vector<16xf32>,
          %parallel_loop3A_399 = arith.mulf %parallel_loop3A_398, %gather3A : vector<16xf32>
          tpu.vector_store_idx %arg8[%min3A_374, %parallel_loop3A_397], %parallel_loop3A_399 masked %lt3A_378 : memref<200x128xf32, #tpu.memory_space<vmem>>[vector<16xi32>, vector<16xi32>], vector<16xf32>, vector<16xi1>
          %parallel_loop3A_400 = vector.broadcast %parallel_loop3A_383 : i32 to vector<16xi32>
          %parallel_loop3A_401 = arith.addi %and3A_29, %parallel_loop3A_400 : vector<16xi32>
          %parallel_loop3A_402 = tpu.vector_load_idx %arg8[%min3A_374, %parallel_loop3A_401] : memref<200x128xf32, #tpu.memory_space<vmem>>[vector<16xi32>, vector<16xi32>], vector<16xf32>,
          %parallel_loop3A_403 = arith.mulf %parallel_loop3A_402, %gather3A : vector<16xf32>
          tpu.vector_store_idx %arg8[%min3A_374, %parallel_loop3A_401], %parallel_loop3A_403 masked %lt3A_378 : memref<200x128xf32, #tpu.memory_space<vmem>>[vector<16xi32>, vector<16xi32>], vector<16xf32>, vector<16xi1>
          %parallel_loop3A_404 = vector.broadcast %parallel_loop3A_383 : i32 to vector<16xi32>
          %parallel_loop3A_405 = arith.addi %and3A_35, %parallel_loop3A_404 : vector<16xi32>
          %parallel_loop3A_406 = tpu.vector_load_idx %arg8[%min3A_374, %parallel_loop3A_405] : memref<200x128xf32, #tpu.memory_space<vmem>>[vector<16xi32>, vector<16xi32>], vector<16xf32>,
          %parallel_loop3A_407 = arith.mulf %parallel_loop3A_406, %gather3A : vector<16xf32>
          tpu.vector_store_idx %arg8[%min3A_374, %parallel_loop3A_405], %parallel_loop3A_407 masked %lt3A_378 : memref<200x128xf32, #tpu.memory_space<vmem>>[vector<16xi32>, vector<16xi32>], vector<16xf32>, vector<16xi1>
          %parallel_loop3A_408 = vector.broadcast %parallel_loop3A_383 : i32 to vector<16xi32>
          %parallel_loop3A_409 = arith.addi %and3A_41, %parallel_loop3A_408 : vector<16xi32>
          %parallel_loop3A_410 = tpu.vector_load_idx %arg8[%min3A_374, %parallel_loop3A_409] : memref<200x128xf32, #tpu.memory_space<vmem>>[vector<16xi32>, vector<16xi32>], vector<16xf32>,
          %parallel_loop3A_411 = arith.mulf %parallel_loop3A_410, %gather3A : vector<16xf32>
          tpu.vector_store_idx %arg8[%min3A_374, %parallel_loop3A_409], %parallel_loop3A_411 masked %lt3A_378 : memref<200x128xf32, #tpu.memory_space<vmem>>[vector<16xi32>, vector<16xi32>], vector<16xf32>, vector<16xi1>
          %parallel_loop3A_412 = vector.broadcast %parallel_loop3A_383 : i32 to vector<16xi32>
          %parallel_loop3A_413 = arith.addi %and3A_47, %parallel_loop3A_412 : vector<16xi32>
          %parallel_loop3A_414 = tpu.vector_load_idx %arg8[%min3A_374, %parallel_loop3A_413] : memref<200x128xf32, #tpu.memory_space<vmem>>[vector<16xi32>, vector<16xi32>], vector<16xf32>,
          %parallel_loop3A_415 = arith.mulf %parallel_loop3A_414, %gather3A : vector<16xf32>
          tpu.vector_store_idx %arg8[%min3A_374, %parallel_loop3A_413], %parallel_loop3A_415 masked %lt3A_378 : memref<200x128xf32, #tpu.memory_space<vmem>>[vector<16xi32>, vector<16xi32>], vector<16xf32>, vector<16xi1>
          %parallel_loop3A_416 = vector.broadcast %parallel_loop3A_383 : i32 to vector<16xi32>
          %parallel_loop3A_417 = arith.addi %and3A_53, %parallel_loop3A_416 : vector<16xi32>
          %parallel_loop3A_418 = tpu.vector_load_idx %arg8[%min3A_374, %parallel_loop3A_417] : memref<200x128xf32, #tpu.memory_space<vmem>>[vector<16xi32>, vector<16xi32>], vector<16xf32>,
          %parallel_loop3A_419 = arith.mulf %parallel_loop3A_418, %gather3A : vector<16xf32>
          tpu.vector_store_idx %arg8[%min3A_374, %parallel_loop3A_417], %parallel_loop3A_419 masked %lt3A_378 : memref<200x128xf32, #tpu.memory_space<vmem>>[vector<16xi32>, vector<16xi32>], vector<16xf32>, vector<16xi1>
          %parallel_loop3A_420 = vector.broadcast %parallel_loop3A_383 : i32 to vector<16xi32>
          %parallel_loop3A_421 = arith.addi %and3A_59, %parallel_loop3A_420 : vector<16xi32>
          %parallel_loop3A_422 = tpu.vector_load_idx %arg8[%min3A_374, %parallel_loop3A_421] : memref<200x128xf32, #tpu.memory_space<vmem>>[vector<16xi32>, vector<16xi32>], vector<16xf32>,
          %parallel_loop3A_423 = arith.mulf %parallel_loop3A_422, %gather3A : vector<16xf32>
          tpu.vector_store_idx %arg8[%min3A_374, %parallel_loop3A_421], %parallel_loop3A_423 masked %lt3A_378 : memref<200x128xf32, #tpu.memory_space<vmem>>[vector<16xi32>, vector<16xi32>], vector<16xf32>, vector<16xi1>
          %parallel_loop3A_424 = vector.broadcast %parallel_loop3A_383 : i32 to vector<16xi32>
          %parallel_loop3A_425 = arith.addi %and3A_65, %parallel_loop3A_424 : vector<16xi32>
          %parallel_loop3A_426 = tpu.vector_load_idx %arg8[%min3A_374, %parallel_loop3A_425] : memref<200x128xf32, #tpu.memory_space<vmem>>[vector<16xi32>, vector<16xi32>], vector<16xf32>,
          %parallel_loop3A_427 = arith.mulf %parallel_loop3A_426, %gather3A : vector<16xf32>
          tpu.vector_store_idx %arg8[%min3A_374, %parallel_loop3A_425], %parallel_loop3A_427 masked %lt3A_378 : memref<200x128xf32, #tpu.memory_space<vmem>>[vector<16xi32>, vector<16xi32>], vector<16xf32>, vector<16xi1>
          %parallel_loop3A_428 = vector.broadcast %parallel_loop3A_383 : i32 to vector<16xi32>
          %parallel_loop3A_429 = arith.addi %and3A_71, %parallel_loop3A_428 : vector<16xi32>
          %parallel_loop3A_430 = tpu.vector_load_idx %arg8[%min3A_374, %parallel_loop3A_429] : memref<200x128xf32, #tpu.memory_space<vmem>>[vector<16xi32>, vector<16xi32>], vector<16xf32>,
          %parallel_loop3A_431 = arith.mulf %parallel_loop3A_430, %gather3A : vector<16xf32>
          tpu.vector_store_idx %arg8[%min3A_374, %parallel_loop3A_429], %parallel_loop3A_431 masked %lt3A_378 : memref<200x128xf32, #tpu.memory_space<vmem>>[vector<16xi32>, vector<16xi32>], vector<16xf32>, vector<16xi1>
          %parallel_loop3A_432 = vector.broadcast %parallel_loop3A_383 : i32 to vector<16xi32>
          %parallel_loop3A_433 = arith.addi %and3A_77, %parallel_loop3A_432 : vector<16xi32>
          %parallel_loop3A_434 = tpu.vector_load_idx %arg8[%min3A_374, %parallel_loop3A_433] : memref<200x128xf32, #tpu.memory_space<vmem>>[vector<16xi32>, vector<16xi32>], vector<16xf32>,
          %parallel_loop3A_435 = arith.mulf %parallel_loop3A_434, %gather3A : vector<16xf32>
          tpu.vector_store_idx %arg8[%min3A_374, %parallel_loop3A_433], %parallel_loop3A_435 masked %lt3A_378 : memref<200x128xf32, #tpu.memory_space<vmem>>[vector<16xi32>, vector<16xi32>], vector<16xf32>, vector<16xi1>
          %parallel_loop3A_436 = vector.broadcast %parallel_loop3A_383 : i32 to vector<16xi32>
          %parallel_loop3A_437 = arith.addi %and3A_83, %parallel_loop3A_436 : vector<16xi32>
          %parallel_loop3A_438 = tpu.vector_load_idx %arg8[%min3A_374, %parallel_loop3A_437] : memref<200x128xf32, #tpu.memory_space<vmem>>[vector<16xi32>, vector<16xi32>], vector<16xf32>,
          %parallel_loop3A_439 = arith.mulf %parallel_loop3A_438, %gather3A : vector<16xf32>
          tpu.vector_store_idx %arg8[%min3A_374, %parallel_loop3A_437], %parallel_loop3A_439 masked %lt3A_378 : memref<200x128xf32, #tpu.memory_space<vmem>>[vector<16xi32>, vector<16xi32>], vector<16xf32>, vector<16xi1>
          %parallel_loop3A_440 = vector.broadcast %parallel_loop3A_383 : i32 to vector<16xi32>
          %parallel_loop3A_441 = arith.addi %and3A_89, %parallel_loop3A_440 : vector<16xi32>
          %parallel_loop3A_442 = tpu.vector_load_idx %arg8[%min3A_374, %parallel_loop3A_441] : memref<200x128xf32, #tpu.memory_space<vmem>>[vector<16xi32>, vector<16xi32>], vector<16xf32>,
          %parallel_loop3A_443 = arith.mulf %parallel_loop3A_442, %gather3A : vector<16xf32>
          tpu.vector_store_idx %arg8[%min3A_374, %parallel_loop3A_441], %parallel_loop3A_443 masked %lt3A_378 : memref<200x128xf32, #tpu.memory_space<vmem>>[vector<16xi32>, vector<16xi32>], vector<16xf32>, vector<16xi1>
          %parallel_loop3A_444 = vector.broadcast %parallel_loop3A_383 : i32 to vector<16xi32>
          %parallel_loop3A_445 = arith.addi %and3A_95, %parallel_loop3A_444 : vector<16xi32>
          %parallel_loop3A_446 = tpu.vector_load_idx %arg8[%min3A_374, %parallel_loop3A_445] : memref<200x128xf32, #tpu.memory_space<vmem>>[vector<16xi32>, vector<16xi32>], vector<16xf32>,
          %parallel_loop3A_447 = arith.mulf %parallel_loop3A_446, %gather3A : vector<16xf32>
          tpu.vector_store_idx %arg8[%min3A_374, %parallel_loop3A_445], %parallel_loop3A_447 masked %lt3A_378 : memref<200x128xf32, #tpu.memory_space<vmem>>[vector<16xi32>, vector<16xi32>], vector<16xf32>, vector<16xi1>
        } {sc.loop_unroll_factor = 1 : i64, sc.parallel_access}
      }
      %scan3A_208 = arith.constant 13 : i32
      %add3A_209 = arith.addi %mul3A_97, %add3A_174 : i32
      %dma_start3A_210 = arith.constant 0 : i32
      %dma_start3A_211 = arith.constant 0 : i32
      %dma_start3A_212 = tpu.memref_slice %arg5[%add3A_209, %dma_start3A_210, %dma_start3A_211] : memref<1024x200x128xf32, #tpu.memory_space<hbm>> -> memref<1x200x128xf32, #tpu.memory_space<hbm>>
      %dma_start3A_213 = tpu.memref_squeeze %dma_start3A_212 : memref<1x200x128xf32, #tpu.memory_space<hbm>> -> memref<200x128xf32, #tpu.memory_space<hbm>>
      %dma_start3A_214 = arith.constant 0 : i32
      %dma_start3A_215 = arith.constant 0 : i32
      %dma_start3A_216 = tpu.memref_slice %arg5[%add3A_209, %dma_start3A_214, %dma_start3A_215] : memref<1024x200x128xf32, #tpu.memory_space<hbm>> -> memref<1x200x128xf32, #tpu.memory_space<hbm>>
      %dma_start3A_217 = tpu.memref_squeeze %dma_start3A_216 : memref<1x200x128xf32, #tpu.memory_space<hbm>> -> memref<200x128xf32, #tpu.memory_space<hbm>>
      tpu.enqueue_dma source(%arg8 : memref<200x128xf32, #tpu.memory_space<vmem>>) target(%dma_start3A_217 : memref<200x128xf32, #tpu.memory_space<hbm>>) target_semaphore(%arg17 : memref<!tpu.dma_semaphore, #tpu.memory_space<semaphore_mem>>)
      %mul3A_218 = arith.constant 4 : i32
      %mul3A_219 = arith.muli %mul3A_218, %scan3A_170 : i32
      %add3A_220 = arith.constant 1 : i32
      %add3A_221 = arith.addi %mul3A_219, %add3A_220 : i32
      %ge3A_222 = arith.constant 2 : i32
      %ge3A_223 = arith.cmpi sge, %add3A_221, %ge3A_222 : i32
      %convert_element_type3A_224 = arith.extui %ge3A_223 : i1 to i32
      %cond3A_225 = arith.constant 0 : i32
      %cond3A_226 = arith.cmpi ne, %convert_element_type3A_224, %cond3A_225 : i32
      scf.if %cond3A_226 {
        %add3A_368 = arith.addi %mul3A_97, %add3A_221 : i32
        %sub3A_369 = arith.constant 2 : i32
        %sub3A_370 = arith.subi %add3A_368, %sub3A_369 : i32
        %dma_wait3A_371 = arith.constant 0 : i32
        %dma_wait3A_372 = arith.constant 0 : i32
        %dma_wait3A_373 = tpu.memref_slice %arg5[%sub3A_370, %dma_wait3A_371, %dma_wait3A_372] : memref<1024x200x128xf32, #tpu.memory_space<hbm>> -> memref<1x200x128xf32, #tpu.memory_space<hbm>>
        %dma_wait3A_374 = tpu.memref_squeeze %dma_wait3A_373 : memref<1x200x128xf32, #tpu.memory_space<hbm>> -> memref<200x128xf32, #tpu.memory_space<hbm>>
        %dma_wait3A_375 = arith.constant 0 : i32
        %dma_wait3A_376 = arith.constant 0 : i32
        %dma_wait3A_377 = tpu.memref_slice %arg5[%sub3A_370, %dma_wait3A_375, %dma_wait3A_376] : memref<1024x200x128xf32, #tpu.memory_space<hbm>> -> memref<1x200x128xf32, #tpu.memory_space<hbm>>
        %dma_wait3A_378 = tpu.memref_squeeze %dma_wait3A_377 : memref<1x200x128xf32, #tpu.memory_space<hbm>> -> memref<200x128xf32, #tpu.memory_space<hbm>>
        tpu.wait_dma2 semaphore(%arg20 : memref<!tpu.dma_semaphore, #tpu.memory_space<semaphore_mem>>) src(%arg11 : memref<200x128xf32, #tpu.memory_space<vmem>>) dst(%dma_wait3A_378 : memref<200x128xf32, #tpu.memory_space<hbm>>)
      } else {
      }
      %add3A_227 = arith.constant 2 : i32
      %add3A_228 = arith.addi %add3A_221, %add3A_227 : i32
      %lt3A_229 = arith.constant 32 : i32
      %lt3A_230 = arith.cmpi slt, %add3A_228, %lt3A_229 : i32
      %convert_element_type3A_231 = arith.extui %lt3A_230 : i1 to i32
      %cond3A_232 = arith.constant 0 : i32
      %cond3A_233 = arith.cmpi ne, %convert_element_type3A_231, %cond3A_232 : i32
      scf.if %cond3A_233 {
        %add3A_368 = arith.constant 2 : i32
        %add3A_369 = arith.addi %add3A_221, %add3A_368 : i32
        %dma_start3A_370 = arith.constant 0 : i32
        %dma_start3A_371 = arith.constant 0 : i32
        %dma_start3A_372 = tpu.memref_slice %arg11[%dma_start3A_370, %dma_start3A_371] : memref<200x128xf32, #tpu.memory_space<vmem>> -> memref<104x128xf32, #tpu.memory_space<vmem>>
        %dma_start3A_373 = arith.constant 0 : i32
        %dma_start3A_374 = tpu.memref_slice %arg6[%add3A_369, %dma_start3A_373] : memref<32x200xi32, #tpu.memory_space<vmem>> -> memref<1x104xi32, #tpu.memory_space<vmem>>
        %dma_start3A_375 = tpu.memref_squeeze %dma_start3A_374 : memref<1x104xi32, #tpu.memory_space<vmem>> -> memref<104xi32, #tpu.memory_space<vmem>>
        %dma_start3A_376 = arith.constant 0 : i32
        %dma_start3A_377 = arith.constant 0 : i32
        %dma_start3A_378 = tpu.memref_slice %arg12[%dma_start3A_376, %dma_start3A_377] : memref<1000x128xf32, #tpu.memory_space<vmem_shared>> -> memref<1000x128xf32, #tpu.memory_space<vmem_shared>>
        tpu.enqueue_indirect_dma source(%dma_start3A_378 : memref<1000x128xf32, #tpu.memory_space<vmem_shared>>) target(%dma_start3A_372 : memref<104x128xf32, #tpu.memory_space<vmem>>) offsets(%dma_start3A_375 : memref<104xi32, #tpu.memory_space<vmem>>) semaphore(%arg16 : memref<!tpu.dma_semaphore, #tpu.memory_space<semaphore_mem>>)
        %dma_start3A_379 = arith.constant 104 : i32
        %dma_start3A_380 = arith.constant 0 : i32
        %dma_start3A_381 = tpu.memref_slice %arg11[%dma_start3A_379, %dma_start3A_380] : memref<200x128xf32, #tpu.memory_space<vmem>> -> memref<96x128xf32, #tpu.memory_space<vmem>>
        %dma_start3A_382 = arith.constant 104 : i32
        %dma_start3A_383 = tpu.memref_slice %arg6[%add3A_369, %dma_start3A_382] : memref<32x200xi32, #tpu.memory_space<vmem>> -> memref<1x96xi32, #tpu.memory_space<vmem>>
        %dma_start3A_384 = tpu.memref_squeeze %dma_start3A_383 : memref<1x96xi32, #tpu.memory_space<vmem>> -> memref<96xi32, #tpu.memory_space<vmem>>
        %dma_start3A_385 = arith.constant 0 : i32
        %dma_start3A_386 = arith.constant 0 : i32
        %dma_start3A_387 = tpu.memref_slice %arg12[%dma_start3A_385, %dma_start3A_386] : memref<1000x128xf32, #tpu.memory_space<vmem_shared>> -> memref<1000x128xf32, #tpu.memory_space<vmem_shared>>
        tpu.enqueue_indirect_dma source(%dma_start3A_387 : memref<1000x128xf32, #tpu.memory_space<vmem_shared>>) target(%dma_start3A_381 : memref<96x128xf32, #tpu.memory_space<vmem>>) offsets(%dma_start3A_384 : memref<96xi32, #tpu.memory_space<vmem>>) semaphore(%arg16 : memref<!tpu.dma_semaphore, #tpu.memory_space<semaphore_mem>>)
      } else {
      }
      %dma_wait3A_234 = arith.constant 0 : i32
      %dma_wait3A_235 = arith.constant 0 : i32
      %dma_wait3A_236 = tpu.memref_slice %arg9[%dma_wait3A_234, %dma_wait3A_235] : memref<200x128xf32, #tpu.memory_space<vmem>> -> memref<104x128xf32, #tpu.memory_space<vmem>>
      %dma_wait3A_237 = arith.constant 0 : i32
      %dma_wait3A_238 = tpu.memref_slice %arg6[%add3A_221, %dma_wait3A_237] : memref<32x200xi32, #tpu.memory_space<vmem>> -> memref<1x104xi32, #tpu.memory_space<vmem>>
      %dma_wait3A_239 = tpu.memref_squeeze %dma_wait3A_238 : memref<1x104xi32, #tpu.memory_space<vmem>> -> memref<104xi32, #tpu.memory_space<vmem>>
      %dma_wait3A_240 = arith.constant 0 : i32
      %dma_wait3A_241 = arith.constant 0 : i32
      %dma_wait3A_242 = tpu.memref_slice %arg12[%dma_wait3A_240, %dma_wait3A_241] : memref<1000x128xf32, #tpu.memory_space<vmem_shared>> -> memref<1000x128xf32, #tpu.memory_space<vmem_shared>>
      tpu.wait_indirect_dma semaphore(%arg14 : memref<!tpu.dma_semaphore, #tpu.memory_space<semaphore_mem>>) src(%dma_wait3A_242 : memref<1000x128xf32, #tpu.memory_space<vmem_shared>>) dst(%dma_wait3A_236 : memref<104x128xf32, #tpu.memory_space<vmem>>)
      %dma_wait3A_243 = arith.constant 104 : i32
      %dma_wait3A_244 = arith.constant 0 : i32
      %dma_wait3A_245 = tpu.memref_slice %arg9[%dma_wait3A_243, %dma_wait3A_244] : memref<200x128xf32, #tpu.memory_space<vmem>> -> memref<96x128xf32, #tpu.memory_space<vmem>>
      %dma_wait3A_246 = arith.constant 104 : i32
      %dma_wait3A_247 = tpu.memref_slice %arg6[%add3A_221, %dma_wait3A_246] : memref<32x200xi32, #tpu.memory_space<vmem>> -> memref<1x96xi32, #tpu.memory_space<vmem>>
      %dma_wait3A_248 = tpu.memref_squeeze %dma_wait3A_247 : memref<1x96xi32, #tpu.memory_space<vmem>> -> memref<96xi32, #tpu.memory_space<vmem>>
      %dma_wait3A_249 = arith.constant 0 : i32
      %dma_wait3A_250 = arith.constant 0 : i32
      %dma_wait3A_251 = tpu.memref_slice %arg12[%dma_wait3A_249, %dma_wait3A_250] : memref<1000x128xf32, #tpu.memory_space<vmem_shared>> -> memref<1000x128xf32, #tpu.memory_space<vmem_shared>>
      tpu.wait_indirect_dma semaphore(%arg14 : memref<!tpu.dma_semaphore, #tpu.memory_space<semaphore_mem>>) src(%dma_wait3A_251 : memref<1000x128xf32, #tpu.memory_space<vmem_shared>>) dst(%dma_wait3A_245 : memref<96x128xf32, #tpu.memory_space<vmem>>)
      %broadcast_in_dim3A_252 = vector.broadcast %add3A_221 : i32 to vector<16xi32>
      %scan3A_253 = arith.constant 0 : i32
      %scan3A_254 = arith.constant 0 : i32
      %scan3A_255 = arith.constant 13 : i32
      %scan3A_256 = arith.addi %scan3A_254, %scan3A_255 : i32
      %scan3A_257 = arith.constant 1 : i32
      scf.for %scan3A_368 = %scan3A_254 to %scan3A_256 step %scan3A_257  : i32 {
        %mul3A_369 = arith.constant 16 : i32
        %mul3A_370 = arith.muli %scan3A_368, %mul3A_369 : i32
        %add3A_371 = vector.broadcast %mul3A_370 : i32 to vector<16xi32>
        %add3A_372 = arith.addi %iota3A, %add3A_371 : vector<16xi32>
        %min3A = arith.constant 199 : i32
        %min3A_373 = vector.broadcast %min3A : i32 to vector<16xi32>
        %min3A_374 = arith.minsi %add3A_372, %min3A_373 : vector<16xi32>
        %sub3A_375 = arith.constant 200 : i32
        %sub3A_376 = arith.subi %sub3A_375, %mul3A_370 : i32
        %lt3A_377 = vector.broadcast %sub3A_376 : i32 to vector<16xi32>
        %lt3A_378 = arith.cmpi slt, %iota3A, %lt3A_377 : vector<16xi32>
        %gather3A = tpu.vector_load_idx %arg7[%broadcast_in_dim3A_252, %min3A_374] : memref<32x200xf32, #tpu.memory_space<vmem>>[vector<16xi32>, vector<16xi32>], vector<16xf32>,
        %parallel_loop3A = arith.constant 0 : i32
        %parallel_loop3A_379 = arith.constant 8 : i32
        %parallel_loop3A_380 = arith.constant 1 : i32
        scf.for %parallel_loop3A_381 = %parallel_loop3A to %parallel_loop3A_379 step %parallel_loop3A_380  : i32 {
          %parallel_loop3A_382 = arith.constant 16 : i32
          %parallel_loop3A_383 = arith.muli %parallel_loop3A_381, %parallel_loop3A_382 : i32
          %parallel_loop3A_384 = vector.broadcast %parallel_loop3A_383 : i32 to vector<16xi32>
          %parallel_loop3A_385 = arith.addi %and3A_5, %parallel_loop3A_384 : vector<16xi32>
          %parallel_loop3A_386 = tpu.vector_load_idx %arg9[%min3A_374, %parallel_loop3A_385] : memref<200x128xf32, #tpu.memory_space<vmem>>[vector<16xi32>, vector<16xi32>], vector<16xf32>,
          %parallel_loop3A_387 = arith.mulf %parallel_loop3A_386, %gather3A : vector<16xf32>
          tpu.vector_store_idx %arg9[%min3A_374, %parallel_loop3A_385], %parallel_loop3A_387 masked %lt3A_378 : memref<200x128xf32, #tpu.memory_space<vmem>>[vector<16xi32>, vector<16xi32>], vector<16xf32>, vector<16xi1>
          %parallel_loop3A_388 = vector.broadcast %parallel_loop3A_383 : i32 to vector<16xi32>
          %parallel_loop3A_389 = arith.addi %and3A_11, %parallel_loop3A_388 : vector<16xi32>
          %parallel_loop3A_390 = tpu.vector_load_idx %arg9[%min3A_374, %parallel_loop3A_389] : memref<200x128xf32, #tpu.memory_space<vmem>>[vector<16xi32>, vector<16xi32>], vector<16xf32>,
          %parallel_loop3A_391 = arith.mulf %parallel_loop3A_390, %gather3A : vector<16xf32>
          tpu.vector_store_idx %arg9[%min3A_374, %parallel_loop3A_389], %parallel_loop3A_391 masked %lt3A_378 : memref<200x128xf32, #tpu.memory_space<vmem>>[vector<16xi32>, vector<16xi32>], vector<16xf32>, vector<16xi1>
          %parallel_loop3A_392 = vector.broadcast %parallel_loop3A_383 : i32 to vector<16xi32>
          %parallel_loop3A_393 = arith.addi %and3A_17, %parallel_loop3A_392 : vector<16xi32>
          %parallel_loop3A_394 = tpu.vector_load_idx %arg9[%min3A_374, %parallel_loop3A_393] : memref<200x128xf32, #tpu.memory_space<vmem>>[vector<16xi32>, vector<16xi32>], vector<16xf32>,
          %parallel_loop3A_395 = arith.mulf %parallel_loop3A_394, %gather3A : vector<16xf32>
          tpu.vector_store_idx %arg9[%min3A_374, %parallel_loop3A_393], %parallel_loop3A_395 masked %lt3A_378 : memref<200x128xf32, #tpu.memory_space<vmem>>[vector<16xi32>, vector<16xi32>], vector<16xf32>, vector<16xi1>
          %parallel_loop3A_396 = vector.broadcast %parallel_loop3A_383 : i32 to vector<16xi32>
          %parallel_loop3A_397 = arith.addi %and3A_23, %parallel_loop3A_396 : vector<16xi32>
          %parallel_loop3A_398 = tpu.vector_load_idx %arg9[%min3A_374, %parallel_loop3A_397] : memref<200x128xf32, #tpu.memory_space<vmem>>[vector<16xi32>, vector<16xi32>], vector<16xf32>,
          %parallel_loop3A_399 = arith.mulf %parallel_loop3A_398, %gather3A : vector<16xf32>
          tpu.vector_store_idx %arg9[%min3A_374, %parallel_loop3A_397], %parallel_loop3A_399 masked %lt3A_378 : memref<200x128xf32, #tpu.memory_space<vmem>>[vector<16xi32>, vector<16xi32>], vector<16xf32>, vector<16xi1>
          %parallel_loop3A_400 = vector.broadcast %parallel_loop3A_383 : i32 to vector<16xi32>
          %parallel_loop3A_401 = arith.addi %and3A_29, %parallel_loop3A_400 : vector<16xi32>
          %parallel_loop3A_402 = tpu.vector_load_idx %arg9[%min3A_374, %parallel_loop3A_401] : memref<200x128xf32, #tpu.memory_space<vmem>>[vector<16xi32>, vector<16xi32>], vector<16xf32>,
          %parallel_loop3A_403 = arith.mulf %parallel_loop3A_402, %gather3A : vector<16xf32>
          tpu.vector_store_idx %arg9[%min3A_374, %parallel_loop3A_401], %parallel_loop3A_403 masked %lt3A_378 : memref<200x128xf32, #tpu.memory_space<vmem>>[vector<16xi32>, vector<16xi32>], vector<16xf32>, vector<16xi1>
          %parallel_loop3A_404 = vector.broadcast %parallel_loop3A_383 : i32 to vector<16xi32>
          %parallel_loop3A_405 = arith.addi %and3A_35, %parallel_loop3A_404 : vector<16xi32>
          %parallel_loop3A_406 = tpu.vector_load_idx %arg9[%min3A_374, %parallel_loop3A_405] : memref<200x128xf32, #tpu.memory_space<vmem>>[vector<16xi32>, vector<16xi32>], vector<16xf32>,
          %parallel_loop3A_407 = arith.mulf %parallel_loop3A_406, %gather3A : vector<16xf32>
          tpu.vector_store_idx %arg9[%min3A_374, %parallel_loop3A_405], %parallel_loop3A_407 masked %lt3A_378 : memref<200x128xf32, #tpu.memory_space<vmem>>[vector<16xi32>, vector<16xi32>], vector<16xf32>, vector<16xi1>
          %parallel_loop3A_408 = vector.broadcast %parallel_loop3A_383 : i32 to vector<16xi32>
          %parallel_loop3A_409 = arith.addi %and3A_41, %parallel_loop3A_408 : vector<16xi32>
          %parallel_loop3A_410 = tpu.vector_load_idx %arg9[%min3A_374, %parallel_loop3A_409] : memref<200x128xf32, #tpu.memory_space<vmem>>[vector<16xi32>, vector<16xi32>], vector<16xf32>,
          %parallel_loop3A_411 = arith.mulf %parallel_loop3A_410, %gather3A : vector<16xf32>
          tpu.vector_store_idx %arg9[%min3A_374, %parallel_loop3A_409], %parallel_loop3A_411 masked %lt3A_378 : memref<200x128xf32, #tpu.memory_space<vmem>>[vector<16xi32>, vector<16xi32>], vector<16xf32>, vector<16xi1>
          %parallel_loop3A_412 = vector.broadcast %parallel_loop3A_383 : i32 to vector<16xi32>
          %parallel_loop3A_413 = arith.addi %and3A_47, %parallel_loop3A_412 : vector<16xi32>
          %parallel_loop3A_414 = tpu.vector_load_idx %arg9[%min3A_374, %parallel_loop3A_413] : memref<200x128xf32, #tpu.memory_space<vmem>>[vector<16xi32>, vector<16xi32>], vector<16xf32>,
          %parallel_loop3A_415 = arith.mulf %parallel_loop3A_414, %gather3A : vector<16xf32>
          tpu.vector_store_idx %arg9[%min3A_374, %parallel_loop3A_413], %parallel_loop3A_415 masked %lt3A_378 : memref<200x128xf32, #tpu.memory_space<vmem>>[vector<16xi32>, vector<16xi32>], vector<16xf32>, vector<16xi1>
          %parallel_loop3A_416 = vector.broadcast %parallel_loop3A_383 : i32 to vector<16xi32>
          %parallel_loop3A_417 = arith.addi %and3A_53, %parallel_loop3A_416 : vector<16xi32>
          %parallel_loop3A_418 = tpu.vector_load_idx %arg9[%min3A_374, %parallel_loop3A_417] : memref<200x128xf32, #tpu.memory_space<vmem>>[vector<16xi32>, vector<16xi32>], vector<16xf32>,
          %parallel_loop3A_419 = arith.mulf %parallel_loop3A_418, %gather3A : vector<16xf32>
          tpu.vector_store_idx %arg9[%min3A_374, %parallel_loop3A_417], %parallel_loop3A_419 masked %lt3A_378 : memref<200x128xf32, #tpu.memory_space<vmem>>[vector<16xi32>, vector<16xi32>], vector<16xf32>, vector<16xi1>
          %parallel_loop3A_420 = vector.broadcast %parallel_loop3A_383 : i32 to vector<16xi32>
          %parallel_loop3A_421 = arith.addi %and3A_59, %parallel_loop3A_420 : vector<16xi32>
          %parallel_loop3A_422 = tpu.vector_load_idx %arg9[%min3A_374, %parallel_loop3A_421] : memref<200x128xf32, #tpu.memory_space<vmem>>[vector<16xi32>, vector<16xi32>], vector<16xf32>,
          %parallel_loop3A_423 = arith.mulf %parallel_loop3A_422, %gather3A : vector<16xf32>
          tpu.vector_store_idx %arg9[%min3A_374, %parallel_loop3A_421], %parallel_loop3A_423 masked %lt3A_378 : memref<200x128xf32, #tpu.memory_space<vmem>>[vector<16xi32>, vector<16xi32>], vector<16xf32>, vector<16xi1>
          %parallel_loop3A_424 = vector.broadcast %parallel_loop3A_383 : i32 to vector<16xi32>
          %parallel_loop3A_425 = arith.addi %and3A_65, %parallel_loop3A_424 : vector<16xi32>
          %parallel_loop3A_426 = tpu.vector_load_idx %arg9[%min3A_374, %parallel_loop3A_425] : memref<200x128xf32, #tpu.memory_space<vmem>>[vector<16xi32>, vector<16xi32>], vector<16xf32>,
          %parallel_loop3A_427 = arith.mulf %parallel_loop3A_426, %gather3A : vector<16xf32>
          tpu.vector_store_idx %arg9[%min3A_374, %parallel_loop3A_425], %parallel_loop3A_427 masked %lt3A_378 : memref<200x128xf32, #tpu.memory_space<vmem>>[vector<16xi32>, vector<16xi32>], vector<16xf32>, vector<16xi1>
          %parallel_loop3A_428 = vector.broadcast %parallel_loop3A_383 : i32 to vector<16xi32>
          %parallel_loop3A_429 = arith.addi %and3A_71, %parallel_loop3A_428 : vector<16xi32>
          %parallel_loop3A_430 = tpu.vector_load_idx %arg9[%min3A_374, %parallel_loop3A_429] : memref<200x128xf32, #tpu.memory_space<vmem>>[vector<16xi32>, vector<16xi32>], vector<16xf32>,
          %parallel_loop3A_431 = arith.mulf %parallel_loop3A_430, %gather3A : vector<16xf32>
          tpu.vector_store_idx %arg9[%min3A_374, %parallel_loop3A_429], %parallel_loop3A_431 masked %lt3A_378 : memref<200x128xf32, #tpu.memory_space<vmem>>[vector<16xi32>, vector<16xi32>], vector<16xf32>, vector<16xi1>
          %parallel_loop3A_432 = vector.broadcast %parallel_loop3A_383 : i32 to vector<16xi32>
          %parallel_loop3A_433 = arith.addi %and3A_77, %parallel_loop3A_432 : vector<16xi32>
          %parallel_loop3A_434 = tpu.vector_load_idx %arg9[%min3A_374, %parallel_loop3A_433] : memref<200x128xf32, #tpu.memory_space<vmem>>[vector<16xi32>, vector<16xi32>], vector<16xf32>,
          %parallel_loop3A_435 = arith.mulf %parallel_loop3A_434, %gather3A : vector<16xf32>
          tpu.vector_store_idx %arg9[%min3A_374, %parallel_loop3A_433], %parallel_loop3A_435 masked %lt3A_378 : memref<200x128xf32, #tpu.memory_space<vmem>>[vector<16xi32>, vector<16xi32>], vector<16xf32>, vector<16xi1>
          %parallel_loop3A_436 = vector.broadcast %parallel_loop3A_383 : i32 to vector<16xi32>
          %parallel_loop3A_437 = arith.addi %and3A_83, %parallel_loop3A_436 : vector<16xi32>
          %parallel_loop3A_438 = tpu.vector_load_idx %arg9[%min3A_374, %parallel_loop3A_437] : memref<200x128xf32, #tpu.memory_space<vmem>>[vector<16xi32>, vector<16xi32>], vector<16xf32>,
          %parallel_loop3A_439 = arith.mulf %parallel_loop3A_438, %gather3A : vector<16xf32>
          tpu.vector_store_idx %arg9[%min3A_374, %parallel_loop3A_437], %parallel_loop3A_439 masked %lt3A_378 : memref<200x128xf32, #tpu.memory_space<vmem>>[vector<16xi32>, vector<16xi32>], vector<16xf32>, vector<16xi1>
          %parallel_loop3A_440 = vector.broadcast %parallel_loop3A_383 : i32 to vector<16xi32>
          %parallel_loop3A_441 = arith.addi %and3A_89, %parallel_loop3A_440 : vector<16xi32>
          %parallel_loop3A_442 = tpu.vector_load_idx %arg9[%min3A_374, %parallel_loop3A_441] : memref<200x128xf32, #tpu.memory_space<vmem>>[vector<16xi32>, vector<16xi32>], vector<16xf32>,
          %parallel_loop3A_443 = arith.mulf %parallel_loop3A_442, %gather3A : vector<16xf32>
          tpu.vector_store_idx %arg9[%min3A_374, %parallel_loop3A_441], %parallel_loop3A_443 masked %lt3A_378 : memref<200x128xf32, #tpu.memory_space<vmem>>[vector<16xi32>, vector<16xi32>], vector<16xf32>, vector<16xi1>
          %parallel_loop3A_444 = vector.broadcast %parallel_loop3A_383 : i32 to vector<16xi32>
          %parallel_loop3A_445 = arith.addi %and3A_95, %parallel_loop3A_444 : vector<16xi32>
          %parallel_loop3A_446 = tpu.vector_load_idx %arg9[%min3A_374, %parallel_loop3A_445] : memref<200x128xf32, #tpu.memory_space<vmem>>[vector<16xi32>, vector<16xi32>], vector<16xf32>,
          %parallel_loop3A_447 = arith.mulf %parallel_loop3A_446, %gather3A : vector<16xf32>
          tpu.vector_store_idx %arg9[%min3A_374, %parallel_loop3A_445], %parallel_loop3A_447 masked %lt3A_378 : memref<200x128xf32, #tpu.memory_space<vmem>>[vector<16xi32>, vector<16xi32>], vector<16xf32>, vector<16xi1>
        } {sc.loop_unroll_factor = 1 : i64, sc.parallel_access}
      }
      %scan3A_258 = arith.constant 13 : i32
      %add3A_259 = arith.addi %mul3A_97, %add3A_221 : i32
      %dma_start3A_260 = arith.constant 0 : i32
      %dma_start3A_261 = arith.constant 0 : i32
      %dma_start3A_262 = tpu.memref_slice %arg5[%add3A_259, %dma_start3A_260, %dma_start3A_261] : memref<1024x200x128xf32, #tpu.memory_space<hbm>> -> memref<1x200x128xf32, #tpu.memory_space<hbm>>
      %dma_start3A_263 = tpu.memref_squeeze %dma_start3A_262 : memref<1x200x128xf32, #tpu.memory_space<hbm>> -> memref<200x128xf32, #tpu.memory_space<hbm>>
      %dma_start3A_264 = arith.constant 0 : i32
      %dma_start3A_265 = arith.constant 0 : i32
      %dma_start3A_266 = tpu.memref_slice %arg5[%add3A_259, %dma_start3A_264, %dma_start3A_265] : memref<1024x200x128xf32, #tpu.memory_space<hbm>> -> memref<1x200x128xf32, #tpu.memory_space<hbm>>
      %dma_start3A_267 = tpu.memref_squeeze %dma_start3A_266 : memref<1x200x128xf32, #tpu.memory_space<hbm>> -> memref<200x128xf32, #tpu.memory_space<hbm>>
      tpu.enqueue_dma source(%arg9 : memref<200x128xf32, #tpu.memory_space<vmem>>) target(%dma_start3A_267 : memref<200x128xf32, #tpu.memory_space<hbm>>) target_semaphore(%arg18 : memref<!tpu.dma_semaphore, #tpu.memory_space<semaphore_mem>>)
      %mul3A_268 = arith.constant 4 : i32
      %mul3A_269 = arith.muli %mul3A_268, %scan3A_170 : i32
      %add3A_270 = arith.constant 2 : i32
      %add3A_271 = arith.addi %mul3A_269, %add3A_270 : i32
      %ge3A_272 = arith.constant 2 : i32
      %ge3A_273 = arith.cmpi sge, %add3A_271, %ge3A_272 : i32
      %convert_element_type3A_274 = arith.extui %ge3A_273 : i1 to i32
      %cond3A_275 = arith.constant 0 : i32
      %cond3A_276 = arith.cmpi ne, %convert_element_type3A_274, %cond3A_275 : i32
      scf.if %cond3A_276 {
        %add3A_368 = arith.addi %mul3A_97, %add3A_271 : i32
        %sub3A_369 = arith.constant 2 : i32
        %sub3A_370 = arith.subi %add3A_368, %sub3A_369 : i32
        %dma_wait3A_371 = arith.constant 0 : i32
        %dma_wait3A_372 = arith.constant 0 : i32
        %dma_wait3A_373 = tpu.memref_slice %arg5[%sub3A_370, %dma_wait3A_371, %dma_wait3A_372] : memref<1024x200x128xf32, #tpu.memory_space<hbm>> -> memref<1x200x128xf32, #tpu.memory_space<hbm>>
        %dma_wait3A_374 = tpu.memref_squeeze %dma_wait3A_373 : memref<1x200x128xf32, #tpu.memory_space<hbm>> -> memref<200x128xf32, #tpu.memory_space<hbm>>
        %dma_wait3A_375 = arith.constant 0 : i32
        %dma_wait3A_376 = arith.constant 0 : i32
        %dma_wait3A_377 = tpu.memref_slice %arg5[%sub3A_370, %dma_wait3A_375, %dma_wait3A_376] : memref<1024x200x128xf32, #tpu.memory_space<hbm>> -> memref<1x200x128xf32, #tpu.memory_space<hbm>>
        %dma_wait3A_378 = tpu.memref_squeeze %dma_wait3A_377 : memref<1x200x128xf32, #tpu.memory_space<hbm>> -> memref<200x128xf32, #tpu.memory_space<hbm>>
        tpu.wait_dma2 semaphore(%arg17 : memref<!tpu.dma_semaphore, #tpu.memory_space<semaphore_mem>>) src(%arg8 : memref<200x128xf32, #tpu.memory_space<vmem>>) dst(%dma_wait3A_378 : memref<200x128xf32, #tpu.memory_space<hbm>>)
      } else {
      }
      %add3A_277 = arith.constant 2 : i32
      %add3A_278 = arith.addi %add3A_271, %add3A_277 : i32
      %lt3A_279 = arith.constant 32 : i32
      %lt3A_280 = arith.cmpi slt, %add3A_278, %lt3A_279 : i32
      %convert_element_type3A_281 = arith.extui %lt3A_280 : i1 to i32
      %cond3A_282 = arith.constant 0 : i32
      %cond3A_283 = arith.cmpi ne, %convert_element_type3A_281, %cond3A_282 : i32
      scf.if %cond3A_283 {
        %add3A_368 = arith.constant 2 : i32
        %add3A_369 = arith.addi %add3A_271, %add3A_368 : i32
        %dma_start3A_370 = arith.constant 0 : i32
        %dma_start3A_371 = arith.constant 0 : i32
        %dma_start3A_372 = tpu.memref_slice %arg8[%dma_start3A_370, %dma_start3A_371] : memref<200x128xf32, #tpu.memory_space<vmem>> -> memref<104x128xf32, #tpu.memory_space<vmem>>
        %dma_start3A_373 = arith.constant 0 : i32
        %dma_start3A_374 = tpu.memref_slice %arg6[%add3A_369, %dma_start3A_373] : memref<32x200xi32, #tpu.memory_space<vmem>> -> memref<1x104xi32, #tpu.memory_space<vmem>>
        %dma_start3A_375 = tpu.memref_squeeze %dma_start3A_374 : memref<1x104xi32, #tpu.memory_space<vmem>> -> memref<104xi32, #tpu.memory_space<vmem>>
        %dma_start3A_376 = arith.constant 0 : i32
        %dma_start3A_377 = arith.constant 0 : i32
        %dma_start3A_378 = tpu.memref_slice %arg12[%dma_start3A_376, %dma_start3A_377] : memref<1000x128xf32, #tpu.memory_space<vmem_shared>> -> memref<1000x128xf32, #tpu.memory_space<vmem_shared>>
        tpu.enqueue_indirect_dma source(%dma_start3A_378 : memref<1000x128xf32, #tpu.memory_space<vmem_shared>>) target(%dma_start3A_372 : memref<104x128xf32, #tpu.memory_space<vmem>>) offsets(%dma_start3A_375 : memref<104xi32, #tpu.memory_space<vmem>>) semaphore(%arg13 : memref<!tpu.dma_semaphore, #tpu.memory_space<semaphore_mem>>)
        %dma_start3A_379 = arith.constant 104 : i32
        %dma_start3A_380 = arith.constant 0 : i32
        %dma_start3A_381 = tpu.memref_slice %arg8[%dma_start3A_379, %dma_start3A_380] : memref<200x128xf32, #tpu.memory_space<vmem>> -> memref<96x128xf32, #tpu.memory_space<vmem>>
        %dma_start3A_382 = arith.constant 104 : i32
        %dma_start3A_383 = tpu.memref_slice %arg6[%add3A_369, %dma_start3A_382] : memref<32x200xi32, #tpu.memory_space<vmem>> -> memref<1x96xi32, #tpu.memory_space<vmem>>
        %dma_start3A_384 = tpu.memref_squeeze %dma_start3A_383 : memref<1x96xi32, #tpu.memory_space<vmem>> -> memref<96xi32, #tpu.memory_space<vmem>>
        %dma_start3A_385 = arith.constant 0 : i32
        %dma_start3A_386 = arith.constant 0 : i32
        %dma_start3A_387 = tpu.memref_slice %arg12[%dma_start3A_385, %dma_start3A_386] : memref<1000x128xf32, #tpu.memory_space<vmem_shared>> -> memref<1000x128xf32, #tpu.memory_space<vmem_shared>>
        tpu.enqueue_indirect_dma source(%dma_start3A_387 : memref<1000x128xf32, #tpu.memory_space<vmem_shared>>) target(%dma_start3A_381 : memref<96x128xf32, #tpu.memory_space<vmem>>) offsets(%dma_start3A_384 : memref<96xi32, #tpu.memory_space<vmem>>) semaphore(%arg13 : memref<!tpu.dma_semaphore, #tpu.memory_space<semaphore_mem>>)
      } else {
      }
      %dma_wait3A_284 = arith.constant 0 : i32
      %dma_wait3A_285 = arith.constant 0 : i32
      %dma_wait3A_286 = tpu.memref_slice %arg10[%dma_wait3A_284, %dma_wait3A_285] : memref<200x128xf32, #tpu.memory_space<vmem>> -> memref<104x128xf32, #tpu.memory_space<vmem>>
      %dma_wait3A_287 = arith.constant 0 : i32
      %dma_wait3A_288 = tpu.memref_slice %arg6[%add3A_271, %dma_wait3A_287] : memref<32x200xi32, #tpu.memory_space<vmem>> -> memref<1x104xi32, #tpu.memory_space<vmem>>
      %dma_wait3A_289 = tpu.memref_squeeze %dma_wait3A_288 : memref<1x104xi32, #tpu.memory_space<vmem>> -> memref<104xi32, #tpu.memory_space<vmem>>
      %dma_wait3A_290 = arith.constant 0 : i32
      %dma_wait3A_291 = arith.constant 0 : i32
      %dma_wait3A_292 = tpu.memref_slice %arg12[%dma_wait3A_290, %dma_wait3A_291] : memref<1000x128xf32, #tpu.memory_space<vmem_shared>> -> memref<1000x128xf32, #tpu.memory_space<vmem_shared>>
      tpu.wait_indirect_dma semaphore(%arg15 : memref<!tpu.dma_semaphore, #tpu.memory_space<semaphore_mem>>) src(%dma_wait3A_292 : memref<1000x128xf32, #tpu.memory_space<vmem_shared>>) dst(%dma_wait3A_286 : memref<104x128xf32, #tpu.memory_space<vmem>>)
      %dma_wait3A_293 = arith.constant 104 : i32
      %dma_wait3A_294 = arith.constant 0 : i32
      %dma_wait3A_295 = tpu.memref_slice %arg10[%dma_wait3A_293, %dma_wait3A_294] : memref<200x128xf32, #tpu.memory_space<vmem>> -> memref<96x128xf32, #tpu.memory_space<vmem>>
      %dma_wait3A_296 = arith.constant 104 : i32
      %dma_wait3A_297 = tpu.memref_slice %arg6[%add3A_271, %dma_wait3A_296] : memref<32x200xi32, #tpu.memory_space<vmem>> -> memref<1x96xi32, #tpu.memory_space<vmem>>
      %dma_wait3A_298 = tpu.memref_squeeze %dma_wait3A_297 : memref<1x96xi32, #tpu.memory_space<vmem>> -> memref<96xi32, #tpu.memory_space<vmem>>
      %dma_wait3A_299 = arith.constant 0 : i32
      %dma_wait3A_300 = arith.constant 0 : i32
      %dma_wait3A_301 = tpu.memref_slice %arg12[%dma_wait3A_299, %dma_wait3A_300] : memref<1000x128xf32, #tpu.memory_space<vmem_shared>> -> memref<1000x128xf32, #tpu.memory_space<vmem_shared>>
      tpu.wait_indirect_dma semaphore(%arg15 : memref<!tpu.dma_semaphore, #tpu.memory_space<semaphore_mem>>) src(%dma_wait3A_301 : memref<1000x128xf32, #tpu.memory_space<vmem_shared>>) dst(%dma_wait3A_295 : memref<96x128xf32, #tpu.memory_space<vmem>>)
      %broadcast_in_dim3A_302 = vector.broadcast %add3A_271 : i32 to vector<16xi32>
      %scan3A_303 = arith.constant 0 : i32
      %scan3A_304 = arith.constant 0 : i32
      %scan3A_305 = arith.constant 13 : i32
      %scan3A_306 = arith.addi %scan3A_304, %scan3A_305 : i32
      %scan3A_307 = arith.constant 1 : i32
      scf.for %scan3A_368 = %scan3A_304 to %scan3A_306 step %scan3A_307  : i32 {
        %mul3A_369 = arith.constant 16 : i32
        %mul3A_370 = arith.muli %scan3A_368, %mul3A_369 : i32
        %add3A_371 = vector.broadcast %mul3A_370 : i32 to vector<16xi32>
        %add3A_372 = arith.addi %iota3A, %add3A_371 : vector<16xi32>
        %min3A = arith.constant 199 : i32
        %min3A_373 = vector.broadcast %min3A : i32 to vector<16xi32>
        %min3A_374 = arith.minsi %add3A_372, %min3A_373 : vector<16xi32>
        %sub3A_375 = arith.constant 200 : i32
        %sub3A_376 = arith.subi %sub3A_375, %mul3A_370 : i32
        %lt3A_377 = vector.broadcast %sub3A_376 : i32 to vector<16xi32>
        %lt3A_378 = arith.cmpi slt, %iota3A, %lt3A_377 : vector<16xi32>
        %gather3A = tpu.vector_load_idx %arg7[%broadcast_in_dim3A_302, %min3A_374] : memref<32x200xf32, #tpu.memory_space<vmem>>[vector<16xi32>, vector<16xi32>], vector<16xf32>,
        %parallel_loop3A = arith.constant 0 : i32
        %parallel_loop3A_379 = arith.constant 8 : i32
        %parallel_loop3A_380 = arith.constant 1 : i32
        scf.for %parallel_loop3A_381 = %parallel_loop3A to %parallel_loop3A_379 step %parallel_loop3A_380  : i32 {
          %parallel_loop3A_382 = arith.constant 16 : i32
          %parallel_loop3A_383 = arith.muli %parallel_loop3A_381, %parallel_loop3A_382 : i32
          %parallel_loop3A_384 = vector.broadcast %parallel_loop3A_383 : i32 to vector<16xi32>
          %parallel_loop3A_385 = arith.addi %and3A_5, %parallel_loop3A_384 : vector<16xi32>
          %parallel_loop3A_386 = tpu.vector_load_idx %arg10[%min3A_374, %parallel_loop3A_385] : memref<200x128xf32, #tpu.memory_space<vmem>>[vector<16xi32>, vector<16xi32>], vector<16xf32>,
          %parallel_loop3A_387 = arith.mulf %parallel_loop3A_386, %gather3A : vector<16xf32>
          tpu.vector_store_idx %arg10[%min3A_374, %parallel_loop3A_385], %parallel_loop3A_387 masked %lt3A_378 : memref<200x128xf32, #tpu.memory_space<vmem>>[vector<16xi32>, vector<16xi32>], vector<16xf32>, vector<16xi1>
          %parallel_loop3A_388 = vector.broadcast %parallel_loop3A_383 : i32 to vector<16xi32>
          %parallel_loop3A_389 = arith.addi %and3A_11, %parallel_loop3A_388 : vector<16xi32>
          %parallel_loop3A_390 = tpu.vector_load_idx %arg10[%min3A_374, %parallel_loop3A_389] : memref<200x128xf32, #tpu.memory_space<vmem>>[vector<16xi32>, vector<16xi32>], vector<16xf32>,
          %parallel_loop3A_391 = arith.mulf %parallel_loop3A_390, %gather3A : vector<16xf32>
          tpu.vector_store_idx %arg10[%min3A_374, %parallel_loop3A_389], %parallel_loop3A_391 masked %lt3A_378 : memref<200x128xf32, #tpu.memory_space<vmem>>[vector<16xi32>, vector<16xi32>], vector<16xf32>, vector<16xi1>
          %parallel_loop3A_392 = vector.broadcast %parallel_loop3A_383 : i32 to vector<16xi32>
          %parallel_loop3A_393 = arith.addi %and3A_17, %parallel_loop3A_392 : vector<16xi32>
          %parallel_loop3A_394 = tpu.vector_load_idx %arg10[%min3A_374, %parallel_loop3A_393] : memref<200x128xf32, #tpu.memory_space<vmem>>[vector<16xi32>, vector<16xi32>], vector<16xf32>,
          %parallel_loop3A_395 = arith.mulf %parallel_loop3A_394, %gather3A : vector<16xf32>
          tpu.vector_store_idx %arg10[%min3A_374, %parallel_loop3A_393], %parallel_loop3A_395 masked %lt3A_378 : memref<200x128xf32, #tpu.memory_space<vmem>>[vector<16xi32>, vector<16xi32>], vector<16xf32>, vector<16xi1>
          %parallel_loop3A_396 = vector.broadcast %parallel_loop3A_383 : i32 to vector<16xi32>
          %parallel_loop3A_397 = arith.addi %and3A_23, %parallel_loop3A_396 : vector<16xi32>
          %parallel_loop3A_398 = tpu.vector_load_idx %arg10[%min3A_374, %parallel_loop3A_397] : memref<200x128xf32, #tpu.memory_space<vmem>>[vector<16xi32>, vector<16xi32>], vector<16xf32>,
          %parallel_loop3A_399 = arith.mulf %parallel_loop3A_398, %gather3A : vector<16xf32>
          tpu.vector_store_idx %arg10[%min3A_374, %parallel_loop3A_397], %parallel_loop3A_399 masked %lt3A_378 : memref<200x128xf32, #tpu.memory_space<vmem>>[vector<16xi32>, vector<16xi32>], vector<16xf32>, vector<16xi1>
          %parallel_loop3A_400 = vector.broadcast %parallel_loop3A_383 : i32 to vector<16xi32>
          %parallel_loop3A_401 = arith.addi %and3A_29, %parallel_loop3A_400 : vector<16xi32>
          %parallel_loop3A_402 = tpu.vector_load_idx %arg10[%min3A_374, %parallel_loop3A_401] : memref<200x128xf32, #tpu.memory_space<vmem>>[vector<16xi32>, vector<16xi32>], vector<16xf32>,
          %parallel_loop3A_403 = arith.mulf %parallel_loop3A_402, %gather3A : vector<16xf32>
          tpu.vector_store_idx %arg10[%min3A_374, %parallel_loop3A_401], %parallel_loop3A_403 masked %lt3A_378 : memref<200x128xf32, #tpu.memory_space<vmem>>[vector<16xi32>, vector<16xi32>], vector<16xf32>, vector<16xi1>
          %parallel_loop3A_404 = vector.broadcast %parallel_loop3A_383 : i32 to vector<16xi32>
          %parallel_loop3A_405 = arith.addi %and3A_35, %parallel_loop3A_404 : vector<16xi32>
          %parallel_loop3A_406 = tpu.vector_load_idx %arg10[%min3A_374, %parallel_loop3A_405] : memref<200x128xf32, #tpu.memory_space<vmem>>[vector<16xi32>, vector<16xi32>], vector<16xf32>,
          %parallel_loop3A_407 = arith.mulf %parallel_loop3A_406, %gather3A : vector<16xf32>
          tpu.vector_store_idx %arg10[%min3A_374, %parallel_loop3A_405], %parallel_loop3A_407 masked %lt3A_378 : memref<200x128xf32, #tpu.memory_space<vmem>>[vector<16xi32>, vector<16xi32>], vector<16xf32>, vector<16xi1>
          %parallel_loop3A_408 = vector.broadcast %parallel_loop3A_383 : i32 to vector<16xi32>
          %parallel_loop3A_409 = arith.addi %and3A_41, %parallel_loop3A_408 : vector<16xi32>
          %parallel_loop3A_410 = tpu.vector_load_idx %arg10[%min3A_374, %parallel_loop3A_409] : memref<200x128xf32, #tpu.memory_space<vmem>>[vector<16xi32>, vector<16xi32>], vector<16xf32>,
          %parallel_loop3A_411 = arith.mulf %parallel_loop3A_410, %gather3A : vector<16xf32>
          tpu.vector_store_idx %arg10[%min3A_374, %parallel_loop3A_409], %parallel_loop3A_411 masked %lt3A_378 : memref<200x128xf32, #tpu.memory_space<vmem>>[vector<16xi32>, vector<16xi32>], vector<16xf32>, vector<16xi1>
          %parallel_loop3A_412 = vector.broadcast %parallel_loop3A_383 : i32 to vector<16xi32>
          %parallel_loop3A_413 = arith.addi %and3A_47, %parallel_loop3A_412 : vector<16xi32>
          %parallel_loop3A_414 = tpu.vector_load_idx %arg10[%min3A_374, %parallel_loop3A_413] : memref<200x128xf32, #tpu.memory_space<vmem>>[vector<16xi32>, vector<16xi32>], vector<16xf32>,
          %parallel_loop3A_415 = arith.mulf %parallel_loop3A_414, %gather3A : vector<16xf32>
          tpu.vector_store_idx %arg10[%min3A_374, %parallel_loop3A_413], %parallel_loop3A_415 masked %lt3A_378 : memref<200x128xf32, #tpu.memory_space<vmem>>[vector<16xi32>, vector<16xi32>], vector<16xf32>, vector<16xi1>
          %parallel_loop3A_416 = vector.broadcast %parallel_loop3A_383 : i32 to vector<16xi32>
          %parallel_loop3A_417 = arith.addi %and3A_53, %parallel_loop3A_416 : vector<16xi32>
          %parallel_loop3A_418 = tpu.vector_load_idx %arg10[%min3A_374, %parallel_loop3A_417] : memref<200x128xf32, #tpu.memory_space<vmem>>[vector<16xi32>, vector<16xi32>], vector<16xf32>,
          %parallel_loop3A_419 = arith.mulf %parallel_loop3A_418, %gather3A : vector<16xf32>
          tpu.vector_store_idx %arg10[%min3A_374, %parallel_loop3A_417], %parallel_loop3A_419 masked %lt3A_378 : memref<200x128xf32, #tpu.memory_space<vmem>>[vector<16xi32>, vector<16xi32>], vector<16xf32>, vector<16xi1>
          %parallel_loop3A_420 = vector.broadcast %parallel_loop3A_383 : i32 to vector<16xi32>
          %parallel_loop3A_421 = arith.addi %and3A_59, %parallel_loop3A_420 : vector<16xi32>
          %parallel_loop3A_422 = tpu.vector_load_idx %arg10[%min3A_374, %parallel_loop3A_421] : memref<200x128xf32, #tpu.memory_space<vmem>>[vector<16xi32>, vector<16xi32>], vector<16xf32>,
          %parallel_loop3A_423 = arith.mulf %parallel_loop3A_422, %gather3A : vector<16xf32>
          tpu.vector_store_idx %arg10[%min3A_374, %parallel_loop3A_421], %parallel_loop3A_423 masked %lt3A_378 : memref<200x128xf32, #tpu.memory_space<vmem>>[vector<16xi32>, vector<16xi32>], vector<16xf32>, vector<16xi1>
          %parallel_loop3A_424 = vector.broadcast %parallel_loop3A_383 : i32 to vector<16xi32>
          %parallel_loop3A_425 = arith.addi %and3A_65, %parallel_loop3A_424 : vector<16xi32>
          %parallel_loop3A_426 = tpu.vector_load_idx %arg10[%min3A_374, %parallel_loop3A_425] : memref<200x128xf32, #tpu.memory_space<vmem>>[vector<16xi32>, vector<16xi32>], vector<16xf32>,
          %parallel_loop3A_427 = arith.mulf %parallel_loop3A_426, %gather3A : vector<16xf32>
          tpu.vector_store_idx %arg10[%min3A_374, %parallel_loop3A_425], %parallel_loop3A_427 masked %lt3A_378 : memref<200x128xf32, #tpu.memory_space<vmem>>[vector<16xi32>, vector<16xi32>], vector<16xf32>, vector<16xi1>
          %parallel_loop3A_428 = vector.broadcast %parallel_loop3A_383 : i32 to vector<16xi32>
          %parallel_loop3A_429 = arith.addi %and3A_71, %parallel_loop3A_428 : vector<16xi32>
          %parallel_loop3A_430 = tpu.vector_load_idx %arg10[%min3A_374, %parallel_loop3A_429] : memref<200x128xf32, #tpu.memory_space<vmem>>[vector<16xi32>, vector<16xi32>], vector<16xf32>,
          %parallel_loop3A_431 = arith.mulf %parallel_loop3A_430, %gather3A : vector<16xf32>
          tpu.vector_store_idx %arg10[%min3A_374, %parallel_loop3A_429], %parallel_loop3A_431 masked %lt3A_378 : memref<200x128xf32, #tpu.memory_space<vmem>>[vector<16xi32>, vector<16xi32>], vector<16xf32>, vector<16xi1>
          %parallel_loop3A_432 = vector.broadcast %parallel_loop3A_383 : i32 to vector<16xi32>
          %parallel_loop3A_433 = arith.addi %and3A_77, %parallel_loop3A_432 : vector<16xi32>
          %parallel_loop3A_434 = tpu.vector_load_idx %arg10[%min3A_374, %parallel_loop3A_433] : memref<200x128xf32, #tpu.memory_space<vmem>>[vector<16xi32>, vector<16xi32>], vector<16xf32>,
          %parallel_loop3A_435 = arith.mulf %parallel_loop3A_434, %gather3A : vector<16xf32>
          tpu.vector_store_idx %arg10[%min3A_374, %parallel_loop3A_433], %parallel_loop3A_435 masked %lt3A_378 : memref<200x128xf32, #tpu.memory_space<vmem>>[vector<16xi32>, vector<16xi32>], vector<16xf32>, vector<16xi1>
          %parallel_loop3A_436 = vector.broadcast %parallel_loop3A_383 : i32 to vector<16xi32>
          %parallel_loop3A_437 = arith.addi %and3A_83, %parallel_loop3A_436 : vector<16xi32>
          %parallel_loop3A_438 = tpu.vector_load_idx %arg10[%min3A_374, %parallel_loop3A_437] : memref<200x128xf32, #tpu.memory_space<vmem>>[vector<16xi32>, vector<16xi32>], vector<16xf32>,
          %parallel_loop3A_439 = arith.mulf %parallel_loop3A_438, %gather3A : vector<16xf32>
          tpu.vector_store_idx %arg10[%min3A_374, %parallel_loop3A_437], %parallel_loop3A_439 masked %lt3A_378 : memref<200x128xf32, #tpu.memory_space<vmem>>[vector<16xi32>, vector<16xi32>], vector<16xf32>, vector<16xi1>
          %parallel_loop3A_440 = vector.broadcast %parallel_loop3A_383 : i32 to vector<16xi32>
          %parallel_loop3A_441 = arith.addi %and3A_89, %parallel_loop3A_440 : vector<16xi32>
          %parallel_loop3A_442 = tpu.vector_load_idx %arg10[%min3A_374, %parallel_loop3A_441] : memref<200x128xf32, #tpu.memory_space<vmem>>[vector<16xi32>, vector<16xi32>], vector<16xf32>,
          %parallel_loop3A_443 = arith.mulf %parallel_loop3A_442, %gather3A : vector<16xf32>
          tpu.vector_store_idx %arg10[%min3A_374, %parallel_loop3A_441], %parallel_loop3A_443 masked %lt3A_378 : memref<200x128xf32, #tpu.memory_space<vmem>>[vector<16xi32>, vector<16xi32>], vector<16xf32>, vector<16xi1>
          %parallel_loop3A_444 = vector.broadcast %parallel_loop3A_383 : i32 to vector<16xi32>
          %parallel_loop3A_445 = arith.addi %and3A_95, %parallel_loop3A_444 : vector<16xi32>
          %parallel_loop3A_446 = tpu.vector_load_idx %arg10[%min3A_374, %parallel_loop3A_445] : memref<200x128xf32, #tpu.memory_space<vmem>>[vector<16xi32>, vector<16xi32>], vector<16xf32>,
          %parallel_loop3A_447 = arith.mulf %parallel_loop3A_446, %gather3A : vector<16xf32>
          tpu.vector_store_idx %arg10[%min3A_374, %parallel_loop3A_445], %parallel_loop3A_447 masked %lt3A_378 : memref<200x128xf32, #tpu.memory_space<vmem>>[vector<16xi32>, vector<16xi32>], vector<16xf32>, vector<16xi1>
        } {sc.loop_unroll_factor = 1 : i64, sc.parallel_access}
      }
      %scan3A_308 = arith.constant 13 : i32
      %add3A_309 = arith.addi %mul3A_97, %add3A_271 : i32
      %dma_start3A_310 = arith.constant 0 : i32
      %dma_start3A_311 = arith.constant 0 : i32
      %dma_start3A_312 = tpu.memref_slice %arg5[%add3A_309, %dma_start3A_310, %dma_start3A_311] : memref<1024x200x128xf32, #tpu.memory_space<hbm>> -> memref<1x200x128xf32, #tpu.memory_space<hbm>>
      %dma_start3A_313 = tpu.memref_squeeze %dma_start3A_312 : memref<1x200x128xf32, #tpu.memory_space<hbm>> -> memref<200x128xf32, #tpu.memory_space<hbm>>
      %dma_start3A_314 = arith.constant 0 : i32
      %dma_start3A_315 = arith.constant 0 : i32
      %dma_start3A_316 = tpu.memref_slice %arg5[%add3A_309, %dma_start3A_314, %dma_start3A_315] : memref<1024x200x128xf32, #tpu.memory_space<hbm>> -> memref<1x200x128xf32, #tpu.memory_space<hbm>>
      %dma_start3A_317 = tpu.memref_squeeze %dma_start3A_316 : memref<1x200x128xf32, #tpu.memory_space<hbm>> -> memref<200x128xf32, #tpu.memory_space<hbm>>
      tpu.enqueue_dma source(%arg10 : memref<200x128xf32, #tpu.memory_space<vmem>>) target(%dma_start3A_317 : memref<200x128xf32, #tpu.memory_space<hbm>>) target_semaphore(%arg19 : memref<!tpu.dma_semaphore, #tpu.memory_space<semaphore_mem>>)
      %mul3A_318 = arith.constant 4 : i32
      %mul3A_319 = arith.muli %mul3A_318, %scan3A_170 : i32
      %add3A_320 = arith.constant 3 : i32
      %add3A_321 = arith.addi %mul3A_319, %add3A_320 : i32
      %ge3A_322 = arith.constant 2 : i32
      %ge3A_323 = arith.cmpi sge, %add3A_321, %ge3A_322 : i32
      %convert_element_type3A_324 = arith.extui %ge3A_323 : i1 to i32
      %cond3A_325 = arith.constant 0 : i32
      %cond3A_326 = arith.cmpi ne, %convert_element_type3A_324, %cond3A_325 : i32
      scf.if %cond3A_326 {
        %add3A_368 = arith.addi %mul3A_97, %add3A_321 : i32
        %sub3A_369 = arith.constant 2 : i32
        %sub3A_370 = arith.subi %add3A_368, %sub3A_369 : i32
        %dma_wait3A_371 = arith.constant 0 : i32
        %dma_wait3A_372 = arith.constant 0 : i32
        %dma_wait3A_373 = tpu.memref_slice %arg5[%sub3A_370, %dma_wait3A_371, %dma_wait3A_372] : memref<1024x200x128xf32, #tpu.memory_space<hbm>> -> memref<1x200x128xf32, #tpu.memory_space<hbm>>
        %dma_wait3A_374 = tpu.memref_squeeze %dma_wait3A_373 : memref<1x200x128xf32, #tpu.memory_space<hbm>> -> memref<200x128xf32, #tpu.memory_space<hbm>>
        %dma_wait3A_375 = arith.constant 0 : i32
        %dma_wait3A_376 = arith.constant 0 : i32
        %dma_wait3A_377 = tpu.memref_slice %arg5[%sub3A_370, %dma_wait3A_375, %dma_wait3A_376] : memref<1024x200x128xf32, #tpu.memory_space<hbm>> -> memref<1x200x128xf32, #tpu.memory_space<hbm>>
        %dma_wait3A_378 = tpu.memref_squeeze %dma_wait3A_377 : memref<1x200x128xf32, #tpu.memory_space<hbm>> -> memref<200x128xf32, #tpu.memory_space<hbm>>
        tpu.wait_dma2 semaphore(%arg18 : memref<!tpu.dma_semaphore, #tpu.memory_space<semaphore_mem>>) src(%arg9 : memref<200x128xf32, #tpu.memory_space<vmem>>) dst(%dma_wait3A_378 : memref<200x128xf32, #tpu.memory_space<hbm>>)
      } else {
      }
      %add3A_327 = arith.constant 2 : i32
      %add3A_328 = arith.addi %add3A_321, %add3A_327 : i32
      %lt3A_329 = arith.constant 32 : i32
      %lt3A_330 = arith.cmpi slt, %add3A_328, %lt3A_329 : i32
      %convert_element_type3A_331 = arith.extui %lt3A_330 : i1 to i32
      %cond3A_332 = arith.constant 0 : i32
      %cond3A_333 = arith.cmpi ne, %convert_element_type3A_331, %cond3A_332 : i32
      scf.if %cond3A_333 {
        %add3A_368 = arith.constant 2 : i32
        %add3A_369 = arith.addi %add3A_321, %add3A_368 : i32
        %dma_start3A_370 = arith.constant 0 : i32
        %dma_start3A_371 = arith.constant 0 : i32
        %dma_start3A_372 = tpu.memref_slice %arg9[%dma_start3A_370, %dma_start3A_371] : memref<200x128xf32, #tpu.memory_space<vmem>> -> memref<104x128xf32, #tpu.memory_space<vmem>>
        %dma_start3A_373 = arith.constant 0 : i32
        %dma_start3A_374 = tpu.memref_slice %arg6[%add3A_369, %dma_start3A_373] : memref<32x200xi32, #tpu.memory_space<vmem>> -> memref<1x104xi32, #tpu.memory_space<vmem>>
        %dma_start3A_375 = tpu.memref_squeeze %dma_start3A_374 : memref<1x104xi32, #tpu.memory_space<vmem>> -> memref<104xi32, #tpu.memory_space<vmem>>
        %dma_start3A_376 = arith.constant 0 : i32
        %dma_start3A_377 = arith.constant 0 : i32
        %dma_start3A_378 = tpu.memref_slice %arg12[%dma_start3A_376, %dma_start3A_377] : memref<1000x128xf32, #tpu.memory_space<vmem_shared>> -> memref<1000x128xf32, #tpu.memory_space<vmem_shared>>
        tpu.enqueue_indirect_dma source(%dma_start3A_378 : memref<1000x128xf32, #tpu.memory_space<vmem_shared>>) target(%dma_start3A_372 : memref<104x128xf32, #tpu.memory_space<vmem>>) offsets(%dma_start3A_375 : memref<104xi32, #tpu.memory_space<vmem>>) semaphore(%arg14 : memref<!tpu.dma_semaphore, #tpu.memory_space<semaphore_mem>>)
        %dma_start3A_379 = arith.constant 104 : i32
        %dma_start3A_380 = arith.constant 0 : i32
        %dma_start3A_381 = tpu.memref_slice %arg9[%dma_start3A_379, %dma_start3A_380] : memref<200x128xf32, #tpu.memory_space<vmem>> -> memref<96x128xf32, #tpu.memory_space<vmem>>
        %dma_start3A_382 = arith.constant 104 : i32
        %dma_start3A_383 = tpu.memref_slice %arg6[%add3A_369, %dma_start3A_382] : memref<32x200xi32, #tpu.memory_space<vmem>> -> memref<1x96xi32, #tpu.memory_space<vmem>>
        %dma_start3A_384 = tpu.memref_squeeze %dma_start3A_383 : memref<1x96xi32, #tpu.memory_space<vmem>> -> memref<96xi32, #tpu.memory_space<vmem>>
        %dma_start3A_385 = arith.constant 0 : i32
        %dma_start3A_386 = arith.constant 0 : i32
        %dma_start3A_387 = tpu.memref_slice %arg12[%dma_start3A_385, %dma_start3A_386] : memref<1000x128xf32, #tpu.memory_space<vmem_shared>> -> memref<1000x128xf32, #tpu.memory_space<vmem_shared>>
        tpu.enqueue_indirect_dma source(%dma_start3A_387 : memref<1000x128xf32, #tpu.memory_space<vmem_shared>>) target(%dma_start3A_381 : memref<96x128xf32, #tpu.memory_space<vmem>>) offsets(%dma_start3A_384 : memref<96xi32, #tpu.memory_space<vmem>>) semaphore(%arg14 : memref<!tpu.dma_semaphore, #tpu.memory_space<semaphore_mem>>)
      } else {
      }
      %dma_wait3A_334 = arith.constant 0 : i32
      %dma_wait3A_335 = arith.constant 0 : i32
      %dma_wait3A_336 = tpu.memref_slice %arg11[%dma_wait3A_334, %dma_wait3A_335] : memref<200x128xf32, #tpu.memory_space<vmem>> -> memref<104x128xf32, #tpu.memory_space<vmem>>
      %dma_wait3A_337 = arith.constant 0 : i32
      %dma_wait3A_338 = tpu.memref_slice %arg6[%add3A_321, %dma_wait3A_337] : memref<32x200xi32, #tpu.memory_space<vmem>> -> memref<1x104xi32, #tpu.memory_space<vmem>>
      %dma_wait3A_339 = tpu.memref_squeeze %dma_wait3A_338 : memref<1x104xi32, #tpu.memory_space<vmem>> -> memref<104xi32, #tpu.memory_space<vmem>>
      %dma_wait3A_340 = arith.constant 0 : i32
      %dma_wait3A_341 = arith.constant 0 : i32
      %dma_wait3A_342 = tpu.memref_slice %arg12[%dma_wait3A_340, %dma_wait3A_341] : memref<1000x128xf32, #tpu.memory_space<vmem_shared>> -> memref<1000x128xf32, #tpu.memory_space<vmem_shared>>
      tpu.wait_indirect_dma semaphore(%arg16 : memref<!tpu.dma_semaphore, #tpu.memory_space<semaphore_mem>>) src(%dma_wait3A_342 : memref<1000x128xf32, #tpu.memory_space<vmem_shared>>) dst(%dma_wait3A_336 : memref<104x128xf32, #tpu.memory_space<vmem>>)
      %dma_wait3A_343 = arith.constant 104 : i32
      %dma_wait3A_344 = arith.constant 0 : i32
      %dma_wait3A_345 = tpu.memref_slice %arg11[%dma_wait3A_343, %dma_wait3A_344] : memref<200x128xf32, #tpu.memory_space<vmem>> -> memref<96x128xf32, #tpu.memory_space<vmem>>
      %dma_wait3A_346 = arith.constant 104 : i32
      %dma_wait3A_347 = tpu.memref_slice %arg6[%add3A_321, %dma_wait3A_346] : memref<32x200xi32, #tpu.memory_space<vmem>> -> memref<1x96xi32, #tpu.memory_space<vmem>>
      %dma_wait3A_348 = tpu.memref_squeeze %dma_wait3A_347 : memref<1x96xi32, #tpu.memory_space<vmem>> -> memref<96xi32, #tpu.memory_space<vmem>>
      %dma_wait3A_349 = arith.constant 0 : i32
      %dma_wait3A_350 = arith.constant 0 : i32
      %dma_wait3A_351 = tpu.memref_slice %arg12[%dma_wait3A_349, %dma_wait3A_350] : memref<1000x128xf32, #tpu.memory_space<vmem_shared>> -> memref<1000x128xf32, #tpu.memory_space<vmem_shared>>
      tpu.wait_indirect_dma semaphore(%arg16 : memref<!tpu.dma_semaphore, #tpu.memory_space<semaphore_mem>>) src(%dma_wait3A_351 : memref<1000x128xf32, #tpu.memory_space<vmem_shared>>) dst(%dma_wait3A_345 : memref<96x128xf32, #tpu.memory_space<vmem>>)
      %broadcast_in_dim3A_352 = vector.broadcast %add3A_321 : i32 to vector<16xi32>
      %scan3A_353 = arith.constant 0 : i32
      %scan3A_354 = arith.constant 0 : i32
      %scan3A_355 = arith.constant 13 : i32
      %scan3A_356 = arith.addi %scan3A_354, %scan3A_355 : i32
      %scan3A_357 = arith.constant 1 : i32
      scf.for %scan3A_368 = %scan3A_354 to %scan3A_356 step %scan3A_357  : i32 {
        %mul3A_369 = arith.constant 16 : i32
        %mul3A_370 = arith.muli %scan3A_368, %mul3A_369 : i32
        %add3A_371 = vector.broadcast %mul3A_370 : i32 to vector<16xi32>
        %add3A_372 = arith.addi %iota3A, %add3A_371 : vector<16xi32>
        %min3A = arith.constant 199 : i32
        %min3A_373 = vector.broadcast %min3A : i32 to vector<16xi32>
        %min3A_374 = arith.minsi %add3A_372, %min3A_373 : vector<16xi32>
        %sub3A_375 = arith.constant 200 : i32
        %sub3A_376 = arith.subi %sub3A_375, %mul3A_370 : i32
        %lt3A_377 = vector.broadcast %sub3A_376 : i32 to vector<16xi32>
        %lt3A_378 = arith.cmpi slt, %iota3A, %lt3A_377 : vector<16xi32>
        %gather3A = tpu.vector_load_idx %arg7[%broadcast_in_dim3A_352, %min3A_374] : memref<32x200xf32, #tpu.memory_space<vmem>>[vector<16xi32>, vector<16xi32>], vector<16xf32>,
        %parallel_loop3A = arith.constant 0 : i32
        %parallel_loop3A_379 = arith.constant 8 : i32
        %parallel_loop3A_380 = arith.constant 1 : i32
        scf.for %parallel_loop3A_381 = %parallel_loop3A to %parallel_loop3A_379 step %parallel_loop3A_380  : i32 {
          %parallel_loop3A_382 = arith.constant 16 : i32
          %parallel_loop3A_383 = arith.muli %parallel_loop3A_381, %parallel_loop3A_382 : i32
          %parallel_loop3A_384 = vector.broadcast %parallel_loop3A_383 : i32 to vector<16xi32>
          %parallel_loop3A_385 = arith.addi %and3A_5, %parallel_loop3A_384 : vector<16xi32>
          %parallel_loop3A_386 = tpu.vector_load_idx %arg11[%min3A_374, %parallel_loop3A_385] : memref<200x128xf32, #tpu.memory_space<vmem>>[vector<16xi32>, vector<16xi32>], vector<16xf32>,
          %parallel_loop3A_387 = arith.mulf %parallel_loop3A_386, %gather3A : vector<16xf32>
          tpu.vector_store_idx %arg11[%min3A_374, %parallel_loop3A_385], %parallel_loop3A_387 masked %lt3A_378 : memref<200x128xf32, #tpu.memory_space<vmem>>[vector<16xi32>, vector<16xi32>], vector<16xf32>, vector<16xi1>
          %parallel_loop3A_388 = vector.broadcast %parallel_loop3A_383 : i32 to vector<16xi32>
          %parallel_loop3A_389 = arith.addi %and3A_11, %parallel_loop3A_388 : vector<16xi32>
          %parallel_loop3A_390 = tpu.vector_load_idx %arg11[%min3A_374, %parallel_loop3A_389] : memref<200x128xf32, #tpu.memory_space<vmem>>[vector<16xi32>, vector<16xi32>], vector<16xf32>,
          %parallel_loop3A_391 = arith.mulf %parallel_loop3A_390, %gather3A : vector<16xf32>
          tpu.vector_store_idx %arg11[%min3A_374, %parallel_loop3A_389], %parallel_loop3A_391 masked %lt3A_378 : memref<200x128xf32, #tpu.memory_space<vmem>>[vector<16xi32>, vector<16xi32>], vector<16xf32>, vector<16xi1>
          %parallel_loop3A_392 = vector.broadcast %parallel_loop3A_383 : i32 to vector<16xi32>
          %parallel_loop3A_393 = arith.addi %and3A_17, %parallel_loop3A_392 : vector<16xi32>
          %parallel_loop3A_394 = tpu.vector_load_idx %arg11[%min3A_374, %parallel_loop3A_393] : memref<200x128xf32, #tpu.memory_space<vmem>>[vector<16xi32>, vector<16xi32>], vector<16xf32>,
          %parallel_loop3A_395 = arith.mulf %parallel_loop3A_394, %gather3A : vector<16xf32>
          tpu.vector_store_idx %arg11[%min3A_374, %parallel_loop3A_393], %parallel_loop3A_395 masked %lt3A_378 : memref<200x128xf32, #tpu.memory_space<vmem>>[vector<16xi32>, vector<16xi32>], vector<16xf32>, vector<16xi1>
          %parallel_loop3A_396 = vector.broadcast %parallel_loop3A_383 : i32 to vector<16xi32>
          %parallel_loop3A_397 = arith.addi %and3A_23, %parallel_loop3A_396 : vector<16xi32>
          %parallel_loop3A_398 = tpu.vector_load_idx %arg11[%min3A_374, %parallel_loop3A_397] : memref<200x128xf32, #tpu.memory_space<vmem>>[vector<16xi32>, vector<16xi32>], vector<16xf32>,
          %parallel_loop3A_399 = arith.mulf %parallel_loop3A_398, %gather3A : vector<16xf32>
          tpu.vector_store_idx %arg11[%min3A_374, %parallel_loop3A_397], %parallel_loop3A_399 masked %lt3A_378 : memref<200x128xf32, #tpu.memory_space<vmem>>[vector<16xi32>, vector<16xi32>], vector<16xf32>, vector<16xi1>
          %parallel_loop3A_400 = vector.broadcast %parallel_loop3A_383 : i32 to vector<16xi32>
          %parallel_loop3A_401 = arith.addi %and3A_29, %parallel_loop3A_400 : vector<16xi32>
          %parallel_loop3A_402 = tpu.vector_load_idx %arg11[%min3A_374, %parallel_loop3A_401] : memref<200x128xf32, #tpu.memory_space<vmem>>[vector<16xi32>, vector<16xi32>], vector<16xf32>,
          %parallel_loop3A_403 = arith.mulf %parallel_loop3A_402, %gather3A : vector<16xf32>
          tpu.vector_store_idx %arg11[%min3A_374, %parallel_loop3A_401], %parallel_loop3A_403 masked %lt3A_378 : memref<200x128xf32, #tpu.memory_space<vmem>>[vector<16xi32>, vector<16xi32>], vector<16xf32>, vector<16xi1>
          %parallel_loop3A_404 = vector.broadcast %parallel_loop3A_383 : i32 to vector<16xi32>
          %parallel_loop3A_405 = arith.addi %and3A_35, %parallel_loop3A_404 : vector<16xi32>
          %parallel_loop3A_406 = tpu.vector_load_idx %arg11[%min3A_374, %parallel_loop3A_405] : memref<200x128xf32, #tpu.memory_space<vmem>>[vector<16xi32>, vector<16xi32>], vector<16xf32>,
          %parallel_loop3A_407 = arith.mulf %parallel_loop3A_406, %gather3A : vector<16xf32>
          tpu.vector_store_idx %arg11[%min3A_374, %parallel_loop3A_405], %parallel_loop3A_407 masked %lt3A_378 : memref<200x128xf32, #tpu.memory_space<vmem>>[vector<16xi32>, vector<16xi32>], vector<16xf32>, vector<16xi1>
          %parallel_loop3A_408 = vector.broadcast %parallel_loop3A_383 : i32 to vector<16xi32>
          %parallel_loop3A_409 = arith.addi %and3A_41, %parallel_loop3A_408 : vector<16xi32>
          %parallel_loop3A_410 = tpu.vector_load_idx %arg11[%min3A_374, %parallel_loop3A_409] : memref<200x128xf32, #tpu.memory_space<vmem>>[vector<16xi32>, vector<16xi32>], vector<16xf32>,
          %parallel_loop3A_411 = arith.mulf %parallel_loop3A_410, %gather3A : vector<16xf32>
          tpu.vector_store_idx %arg11[%min3A_374, %parallel_loop3A_409], %parallel_loop3A_411 masked %lt3A_378 : memref<200x128xf32, #tpu.memory_space<vmem>>[vector<16xi32>, vector<16xi32>], vector<16xf32>, vector<16xi1>
          %parallel_loop3A_412 = vector.broadcast %parallel_loop3A_383 : i32 to vector<16xi32>
          %parallel_loop3A_413 = arith.addi %and3A_47, %parallel_loop3A_412 : vector<16xi32>
          %parallel_loop3A_414 = tpu.vector_load_idx %arg11[%min3A_374, %parallel_loop3A_413] : memref<200x128xf32, #tpu.memory_space<vmem>>[vector<16xi32>, vector<16xi32>], vector<16xf32>,
          %parallel_loop3A_415 = arith.mulf %parallel_loop3A_414, %gather3A : vector<16xf32>
          tpu.vector_store_idx %arg11[%min3A_374, %parallel_loop3A_413], %parallel_loop3A_415 masked %lt3A_378 : memref<200x128xf32, #tpu.memory_space<vmem>>[vector<16xi32>, vector<16xi32>], vector<16xf32>, vector<16xi1>
          %parallel_loop3A_416 = vector.broadcast %parallel_loop3A_383 : i32 to vector<16xi32>
          %parallel_loop3A_417 = arith.addi %and3A_53, %parallel_loop3A_416 : vector<16xi32>
          %parallel_loop3A_418 = tpu.vector_load_idx %arg11[%min3A_374, %parallel_loop3A_417] : memref<200x128xf32, #tpu.memory_space<vmem>>[vector<16xi32>, vector<16xi32>], vector<16xf32>,
          %parallel_loop3A_419 = arith.mulf %parallel_loop3A_418, %gather3A : vector<16xf32>
          tpu.vector_store_idx %arg11[%min3A_374, %parallel_loop3A_417], %parallel_loop3A_419 masked %lt3A_378 : memref<200x128xf32, #tpu.memory_space<vmem>>[vector<16xi32>, vector<16xi32>], vector<16xf32>, vector<16xi1>
          %parallel_loop3A_420 = vector.broadcast %parallel_loop3A_383 : i32 to vector<16xi32>
          %parallel_loop3A_421 = arith.addi %and3A_59, %parallel_loop3A_420 : vector<16xi32>
          %parallel_loop3A_422 = tpu.vector_load_idx %arg11[%min3A_374, %parallel_loop3A_421] : memref<200x128xf32, #tpu.memory_space<vmem>>[vector<16xi32>, vector<16xi32>], vector<16xf32>,
          %parallel_loop3A_423 = arith.mulf %parallel_loop3A_422, %gather3A : vector<16xf32>
          tpu.vector_store_idx %arg11[%min3A_374, %parallel_loop3A_421], %parallel_loop3A_423 masked %lt3A_378 : memref<200x128xf32, #tpu.memory_space<vmem>>[vector<16xi32>, vector<16xi32>], vector<16xf32>, vector<16xi1>
          %parallel_loop3A_424 = vector.broadcast %parallel_loop3A_383 : i32 to vector<16xi32>
          %parallel_loop3A_425 = arith.addi %and3A_65, %parallel_loop3A_424 : vector<16xi32>
          %parallel_loop3A_426 = tpu.vector_load_idx %arg11[%min3A_374, %parallel_loop3A_425] : memref<200x128xf32, #tpu.memory_space<vmem>>[vector<16xi32>, vector<16xi32>], vector<16xf32>,
          %parallel_loop3A_427 = arith.mulf %parallel_loop3A_426, %gather3A : vector<16xf32>
          tpu.vector_store_idx %arg11[%min3A_374, %parallel_loop3A_425], %parallel_loop3A_427 masked %lt3A_378 : memref<200x128xf32, #tpu.memory_space<vmem>>[vector<16xi32>, vector<16xi32>], vector<16xf32>, vector<16xi1>
          %parallel_loop3A_428 = vector.broadcast %parallel_loop3A_383 : i32 to vector<16xi32>
          %parallel_loop3A_429 = arith.addi %and3A_71, %parallel_loop3A_428 : vector<16xi32>
          %parallel_loop3A_430 = tpu.vector_load_idx %arg11[%min3A_374, %parallel_loop3A_429] : memref<200x128xf32, #tpu.memory_space<vmem>>[vector<16xi32>, vector<16xi32>], vector<16xf32>,
          %parallel_loop3A_431 = arith.mulf %parallel_loop3A_430, %gather3A : vector<16xf32>
          tpu.vector_store_idx %arg11[%min3A_374, %parallel_loop3A_429], %parallel_loop3A_431 masked %lt3A_378 : memref<200x128xf32, #tpu.memory_space<vmem>>[vector<16xi32>, vector<16xi32>], vector<16xf32>, vector<16xi1>
          %parallel_loop3A_432 = vector.broadcast %parallel_loop3A_383 : i32 to vector<16xi32>
          %parallel_loop3A_433 = arith.addi %and3A_77, %parallel_loop3A_432 : vector<16xi32>
          %parallel_loop3A_434 = tpu.vector_load_idx %arg11[%min3A_374, %parallel_loop3A_433] : memref<200x128xf32, #tpu.memory_space<vmem>>[vector<16xi32>, vector<16xi32>], vector<16xf32>,
          %parallel_loop3A_435 = arith.mulf %parallel_loop3A_434, %gather3A : vector<16xf32>
          tpu.vector_store_idx %arg11[%min3A_374, %parallel_loop3A_433], %parallel_loop3A_435 masked %lt3A_378 : memref<200x128xf32, #tpu.memory_space<vmem>>[vector<16xi32>, vector<16xi32>], vector<16xf32>, vector<16xi1>
          %parallel_loop3A_436 = vector.broadcast %parallel_loop3A_383 : i32 to vector<16xi32>
          %parallel_loop3A_437 = arith.addi %and3A_83, %parallel_loop3A_436 : vector<16xi32>
          %parallel_loop3A_438 = tpu.vector_load_idx %arg11[%min3A_374, %parallel_loop3A_437] : memref<200x128xf32, #tpu.memory_space<vmem>>[vector<16xi32>, vector<16xi32>], vector<16xf32>,
          %parallel_loop3A_439 = arith.mulf %parallel_loop3A_438, %gather3A : vector<16xf32>
          tpu.vector_store_idx %arg11[%min3A_374, %parallel_loop3A_437], %parallel_loop3A_439 masked %lt3A_378 : memref<200x128xf32, #tpu.memory_space<vmem>>[vector<16xi32>, vector<16xi32>], vector<16xf32>, vector<16xi1>
          %parallel_loop3A_440 = vector.broadcast %parallel_loop3A_383 : i32 to vector<16xi32>
          %parallel_loop3A_441 = arith.addi %and3A_89, %parallel_loop3A_440 : vector<16xi32>
          %parallel_loop3A_442 = tpu.vector_load_idx %arg11[%min3A_374, %parallel_loop3A_441] : memref<200x128xf32, #tpu.memory_space<vmem>>[vector<16xi32>, vector<16xi32>], vector<16xf32>,
          %parallel_loop3A_443 = arith.mulf %parallel_loop3A_442, %gather3A : vector<16xf32>
          tpu.vector_store_idx %arg11[%min3A_374, %parallel_loop3A_441], %parallel_loop3A_443 masked %lt3A_378 : memref<200x128xf32, #tpu.memory_space<vmem>>[vector<16xi32>, vector<16xi32>], vector<16xf32>, vector<16xi1>
          %parallel_loop3A_444 = vector.broadcast %parallel_loop3A_383 : i32 to vector<16xi32>
          %parallel_loop3A_445 = arith.addi %and3A_95, %parallel_loop3A_444 : vector<16xi32>
          %parallel_loop3A_446 = tpu.vector_load_idx %arg11[%min3A_374, %parallel_loop3A_445] : memref<200x128xf32, #tpu.memory_space<vmem>>[vector<16xi32>, vector<16xi32>], vector<16xf32>,
          %parallel_loop3A_447 = arith.mulf %parallel_loop3A_446, %gather3A : vector<16xf32>
          tpu.vector_store_idx %arg11[%min3A_374, %parallel_loop3A_445], %parallel_loop3A_447 masked %lt3A_378 : memref<200x128xf32, #tpu.memory_space<vmem>>[vector<16xi32>, vector<16xi32>], vector<16xf32>, vector<16xi1>
        } {sc.loop_unroll_factor = 1 : i64, sc.parallel_access}
      }
      %scan3A_358 = arith.constant 13 : i32
      %add3A_359 = arith.addi %mul3A_97, %add3A_321 : i32
      %dma_start3A_360 = arith.constant 0 : i32
      %dma_start3A_361 = arith.constant 0 : i32
      %dma_start3A_362 = tpu.memref_slice %arg5[%add3A_359, %dma_start3A_360, %dma_start3A_361] : memref<1024x200x128xf32, #tpu.memory_space<hbm>> -> memref<1x200x128xf32, #tpu.memory_space<hbm>>
      %dma_start3A_363 = tpu.memref_squeeze %dma_start3A_362 : memref<1x200x128xf32, #tpu.memory_space<hbm>> -> memref<200x128xf32, #tpu.memory_space<hbm>>
      %dma_start3A_364 = arith.constant 0 : i32
      %dma_start3A_365 = arith.constant 0 : i32
      %dma_start3A_366 = tpu.memref_slice %arg5[%add3A_359, %dma_start3A_364, %dma_start3A_365] : memref<1024x200x128xf32, #tpu.memory_space<hbm>> -> memref<1x200x128xf32, #tpu.memory_space<hbm>>
      %dma_start3A_367 = tpu.memref_squeeze %dma_start3A_366 : memref<1x200x128xf32, #tpu.memory_space<hbm>> -> memref<200x128xf32, #tpu.memory_space<hbm>>
      tpu.enqueue_dma source(%arg11 : memref<200x128xf32, #tpu.memory_space<vmem>>) target(%dma_start3A_367 : memref<200x128xf32, #tpu.memory_space<hbm>>) target_semaphore(%arg20 : memref<!tpu.dma_semaphore, #tpu.memory_space<semaphore_mem>>)
    }
    %scan3A_143 = arith.constant 8 : i32
    %add3A_144 = arith.constant 32 : i32
    %add3A_145 = arith.addi %mul3A_97, %add3A_144 : i32
    %sub3A = arith.constant 4 : i32
    %sub3A_146 = arith.subi %add3A_145, %sub3A : i32
    %add3A_147 = arith.constant 2 : i32
    %add3A_148 = arith.addi %sub3A_146, %add3A_147 : i32
    %dma_wait3A = arith.constant 0 : i32
    %dma_wait3A_149 = arith.constant 0 : i32
    %dma_wait3A_150 = tpu.memref_slice %arg5[%add3A_148, %dma_wait3A, %dma_wait3A_149] : memref<1024x200x128xf32, #tpu.memory_space<hbm>> -> memref<1x200x128xf32, #tpu.memory_space<hbm>>
    %dma_wait3A_151 = tpu.memref_squeeze %dma_wait3A_150 : memref<1x200x128xf32, #tpu.memory_space<hbm>> -> memref<200x128xf32, #tpu.memory_space<hbm>>
    %dma_wait3A_152 = arith.constant 0 : i32
    %dma_wait3A_153 = arith.constant 0 : i32
    %dma_wait3A_154 = tpu.memref_slice %arg5[%add3A_148, %dma_wait3A_152, %dma_wait3A_153] : memref<1024x200x128xf32, #tpu.memory_space<hbm>> -> memref<1x200x128xf32, #tpu.memory_space<hbm>>
    %dma_wait3A_155 = tpu.memref_squeeze %dma_wait3A_154 : memref<1x200x128xf32, #tpu.memory_space<hbm>> -> memref<200x128xf32, #tpu.memory_space<hbm>>
    tpu.wait_dma2 semaphore(%arg19 : memref<!tpu.dma_semaphore, #tpu.memory_space<semaphore_mem>>) src(%arg10 : memref<200x128xf32, #tpu.memory_space<vmem>>) dst(%dma_wait3A_155 : memref<200x128xf32, #tpu.memory_space<hbm>>)
    %add3A_156 = arith.constant 32 : i32
    %add3A_157 = arith.addi %mul3A_97, %add3A_156 : i32
    %sub3A_158 = arith.constant 4 : i32
    %sub3A_159 = arith.subi %add3A_157, %sub3A_158 : i32
    %add3A_160 = arith.constant 3 : i32
    %add3A_161 = arith.addi %sub3A_159, %add3A_160 : i32
    %dma_wait3A_162 = arith.constant 0 : i32
    %dma_wait3A_163 = arith.constant 0 : i32
    %dma_wait3A_164 = tpu.memref_slice %arg5[%add3A_161, %dma_wait3A_162, %dma_wait3A_163] : memref<1024x200x128xf32, #tpu.memory_space<hbm>> -> memref<1x200x128xf32, #tpu.memory_space<hbm>>
    %dma_wait3A_165 = tpu.memref_squeeze %dma_wait3A_164 : memref<1x200x128xf32, #tpu.memory_space<hbm>> -> memref<200x128xf32, #tpu.memory_space<hbm>>
    %dma_wait3A_166 = arith.constant 0 : i32
    %dma_wait3A_167 = arith.constant 0 : i32
    %dma_wait3A_168 = tpu.memref_slice %arg5[%add3A_161, %dma_wait3A_166, %dma_wait3A_167] : memref<1024x200x128xf32, #tpu.memory_space<hbm>> -> memref<1x200x128xf32, #tpu.memory_space<hbm>>
    %dma_wait3A_169 = tpu.memref_squeeze %dma_wait3A_168 : memref<1x200x128xf32, #tpu.memory_space<hbm>> -> memref<200x128xf32, #tpu.memory_space<hbm>>
    tpu.wait_dma2 semaphore(%arg20 : memref<!tpu.dma_semaphore, #tpu.memory_space<semaphore_mem>>) src(%arg11 : memref<200x128xf32, #tpu.memory_space<vmem>>) dst(%dma_wait3A_169 : memref<200x128xf32, #tpu.memory_space<hbm>>)
    return
  }
}

</mosaic_0001>

<sc_bundles>
// kernel: kernel.3.cloned.1.call-start
scs
__scs_entry_jumppad:
0x0: {  	(pc) =	sbr.rel $0x88, $3  }
0x1: {  	(tag) =	ssettag $0x0;
	lr =	simm.s32 $0x1  }
0x2: {  	[smem:$0x3F9E] =	sst lr;
	_ =	strace $0xD0000000  }
0x3: {  	_ = 	snop  }
0x4: {  	_ = 	snop  }
0x5: {  	_ = 	snop  }
0x6: {  	_ = 	snop  }
0x7: {  	_ = 	snop  }
__scs_overlays_trampoline_lowered:
0x8: {  	[smem:$0x3FAD] =	sst s0  }
0x9: {  	[smem:$0x3FAE] =	sst s1  }
0xa: {  	[smem:$0x3FAF] =	sst s2  }
0xb: {  	[smem:$0x3FB0] =	sst s3  }
0xc: {  	[smem:$0x3FB1] =	sst s4  }
0xd: {  	[smem:$0x3FB2] =	sst s5  }
0xe: {  	[smem:$0x3FB3] =	sst s6  }
0xf: {  	[smem:$0x3FB4] =	sst s7  }
0x10: {  	[smem:$0x3FB5] =	sst s8  }
0x11: {  	[smem:$0x3FB6] =	sst s9;
	s0 =	simm.s32 @!p0 $0x0  }
0x12: {  	s1 =	sld [smem:$0x3F9C];
	s0 =	simm.s32 @p0 $0x1  }
0x13: {  	[smem:$0x3FB7] =	sst s0;
	s0 =	simm.s32 @!p1 $0x0  }
0x14: {  	s2 =	sld [smem:$0x3F9B];
	s0 =	simm.s32 @p1 $0x1  }
0x15: {  	[smem:$0x3FB8] =	sst s0;
	s0 =	simm.s32 @!p2 $0x0  }
0x16: {  	s3 =	sld [smem:$0x3FDB];
	s0 =	simm.s32 @p2 $0x1  }
0x17: {  	s4 =	simm.s32 $0x1BF5;
	[smem:$0x3FBA] =	sst s0  }
0x18: {  	s0 =	sld [smem:$0x3F9D];
	_ =	swait.ge [sflag:s4], $0x0  }
0x19: {  	s7 =	sld [smem:$0x3F9E]  }
0x1a: {  	s8 =	sadd.s32 $0xFFFFE003, lr  }
0x1b: {  	s9 =	sadd.s32 $0xFFFFFEF7, lr;
	s5 =	simm.s32 $0xFFFFFFFF;
	p2 =	slt.u32 s8, $0xFFFFF086  }
0x1c: {  	p1 =	slt.u32 s9, $0xF7A;
	s5 =	simm.s32 @!p2 $0x0  }
0x1d: {  	s5 =	simm.s32 @p1 $0x1;
	p0 =	seq.s32 s7, s2  }
0x1e: {  	s7 =	smul.u32 @!p0 $0xF7A, s2;
	p2 =	seq.s32 @!p0 s5, $0x0  }
0x1f: {  	s9 =	smul.u32 $0xF7A, s1;
	s8 =	simm.s32 @!p0 $0x1BF5;
	p2 =	por !p2, p0  }
0x20: {  	[sflag:s8] =	ssyncset.s32 @!p0 $0xFFFFF086;
	s6 =	sadd.s32 @!p0 s3, s7;
	s7 =	simm.s32 @!p0 $0x108  }
0x21: {  	s3 =	sadd.s32 s3, s9;
	s6 =	sadd.s32 @!p0 $0x88, s6;
	s7 =	simm.s32 @p2 $0x1082  }
0x22: {  	[simem:s7], [sflag:s8] =	dma.local @!p0 [hbm:s6], $0xF7A  }
0x23: {  	s9 =	sor.u32 $0xD0000000, s2;
	s6 =	simm.s32 $0x108;
	_ =	swait.ge @!p0 [sflag:s8], $0x0  }
0x24: {  	s3 =	sadd.s32 $0x88, s3;
	s6 =	simm.s32 @!p1 $0x1082;
	[sflag:s4] =	ssyncset.s32 $0xFFFFF086  }
0x25: {  	[simem:s6], [sflag:s4] =	dma.local [hbm:s3], $0xF7A  }
0x26: {  	[smem:$0x3F9E] =	sst s1;
	(tag) =	ssettag s2;
	_ =	strace s9  }
0x27: {  	s1 =	sld [smem:$0x3FAE]  }
0x28: {  	s2 =	sld [smem:$0x3FAF]  }
0x29: {  	s4 =	sld [smem:$0x3FB1]  }
0x2a: {  	p0 =	seq.s32 s5, $0x0;
	s5 =	sld [smem:$0x3FB2]  }
0x2b: {  	s6 =	sld [smem:$0x3FB3]  }
0x2c: {  	s7 =	sld [smem:$0x3FB4]  }
0x2d: {  	s3 =	simm.s32 $0x108;
	s8 =	sld [smem:$0x3FB5]  }
0x2e: {  	s3 =	simm.s32 @!p0 $0x1082;
	s9 =	sld [smem:$0x3FB6]  }
0x2f: {  	lr =	sadd.s32 s0, s3;
	s0 =	sld [smem:$0x3FAD]  }
0x30: {  	s3 =	sld [smem:$0x3FB0]  }
0x31: {  	[smem:$0x3FB9] =	sst s10  }
0x32: {  	s10 =	sld [smem:$0x3FB7];
	_ =	sdelay $0x3  }
0x33: {  	p0 =	seq.s32 s10, $0x1;
	s10 =	sld [smem:$0x3FB9];
	_ =	sdelay $0x3  }
0x34: {  	[smem:$0x3FB9] =	sst s10  }
0x35: {  	s10 =	sld [smem:$0x3FB8];
	_ =	sdelay $0x3  }
0x36: {  	p1 =	seq.s32 s10, $0x1;
	s10 =	sld [smem:$0x3FB9];
	_ =	sdelay $0x3  }
0x37: {  	[smem:$0x3FB9] =	sst s10  }
0x38: {  	s10 =	sld [smem:$0x3FBA]  }
0x39: {  	_ = 	snop;
	(pc) =	sbr.ind lr, $3  }
0x3a: {  	_ = 	snop  }
0x3b: {  	_ = 	snop  }
0x3c: {  	p2 =	seq.s32 s10, $0x1;
	s10 =	sld [smem:$0x3FB9]  }
0x3d: {  	_ =	shalt  }
0x3e: {  	_ =	shalt  }
0x3f: {  	_ =	shalt  }
0x40: {  	_ =	shalt  }
0x41: {  	_ =	shalt  }
0x42: {  	_ =	shalt  }
0x43: {  	_ =	shalt  }
0x44: {  	_ =	shalt  }
0x45: {  	_ =	shalt  }
0x46: {  	_ =	shalt  }
0x47: {  	_ =	shalt  }
0x48: {  	_ =	shalt  }
0x49: {  	_ =	shalt  }
0x4a: {  	_ =	shalt  }
0x4b: {  	_ =	shalt  }
0x4c: {  	_ =	shalt  }
0x4d: {  	_ =	shalt  }
0x4e: {  	_ =	shalt  }
0x4f: {  	_ =	shalt  }
0x50: {  	_ =	shalt  }
0x51: {  	_ =	shalt  }
0x52: {  	_ =	shalt  }
0x53: {  	_ =	shalt  }
0x54: {  	_ =	shalt  }
0x55: {  	_ =	shalt  }
0x56: {  	_ =	shalt  }
0x57: {  	_ =	shalt  }
0x58: {  	_ =	shalt  }
0x59: {  	_ =	shalt  }
0x5a: {  	_ =	shalt  }
0x5b: {  	_ =	shalt  }
0x5c: {  	_ =	shalt  }
0x5d: {  	_ =	shalt  }
0x5e: {  	_ =	shalt  }
0x5f: {  	_ =	shalt  }
0x60: {  	_ =	shalt  }
0x61: {  	_ =	shalt  }
0x62: {  	_ =	shalt  }
0x63: {  	_ =	shalt  }
0x64: {  	_ =	shalt  }
0x65: {  	_ =	shalt  }
0x66: {  	_ =	shalt  }
0x67: {  	_ =	shalt  }
0x68: {  	_ =	shalt  }
0x69: {  	_ =	shalt  }
0x6a: {  	_ =	shalt  }
0x6b: {  	_ =	shalt  }
0x6c: {  	_ =	shalt  }
0x6d: {  	_ =	shalt  }
0x6e: {  	_ =	shalt  }
0x6f: {  	_ =	shalt  }
0x70: {  	_ =	shalt  }
0x71: {  	_ =	shalt  }
0x72: {  	_ =	shalt  }
0x73: {  	_ =	shalt  }
0x74: {  	_ =	shalt  }
0x75: {  	_ =	shalt  }
0x76: {  	_ =	shalt  }
0x77: {  	_ =	shalt  }
0x78: {  	_ =	shalt  }
0x79: {  	_ =	shalt  }
0x7a: {  	_ =	shalt  }
0x7b: {  	_ =	shalt  }
0x7c: {  	_ =	shalt  }
0x7d: {  	_ =	shalt  }
0x7e: {  	_ =	shalt  }
0x7f: {  	_ =	shalt  }
0x80: {  	_ =	shalt  }
0x81: {  	_ =	shalt  }
0x82: {  	_ =	shalt  }
0x83: {  	_ =	shalt  }
0x84: {  	_ =	shalt  }
0x85: {  	_ =	shalt  }
0x86: {  	_ =	shalt  }
0x87: {  	_ =	shalt  }
.Lfunc_end0:
.L_simem_size_0:
called_computation_lowered:
.L_overlay_start_0:
0x88: {  	s2 =	sld [smem:$0x3FD9]  }
0x89: {  	s3 =	sld [smem:$0x3FFE];
	_ =	sdelay $0x1  }
0x8a: {  	s1 =	srdreg.scid  }
0x8b: {  	s0 =	sand.u32 $0x1, s1  }
0x8c: {  	s17 =	sshll.u32 s0, $0xA;
	s2 =	sadd.s32 s3, s2  }
0x8d: {  	s2 =	sadd.s32 s2, s17  }
0x8e: {  	[smem:$0x3FC5] =	sst s2  }
0x8f: {  	_ = 	snop  }
0x90: {  	s2 =	sld [smem:$0x3FC7]  }
0x91: {  	s18 =	sld [smem:$0x3FD0];
	(tm) =	ssettm $0x1  }
0x92: {  	s4 =	sld [smem:$0x3FFB];
	_ =	sdelay $0x3  }
0x93: {  	_ =	strace s4  }
0x94: {  	s4 =	sld [smem:$0x3FFC];
	_ =	sdelay $0x3  }
0x95: {  	_ =	strace s4  }
0x96: {  	s4 =	sld [smem:$0x3FFD];
	_ =	sdelay $0x3  }
0x97: {  	_ =	strace s4  }
0x98: {  	_ =	strace $0x8FFFFFFF  }
0x99: {  	s19 =	sld [smem:$0x3FDB];
	_ =	sdelay $0x1  }
0x9a: {  	s5 =	simm.s32 $_scs_section_size  }
0x9b: {  	s6 =	simm.s32 $_size__tile_overlayer_lowered;
	s7 =	simm.s32 $_tile_overlayer_lowered  }
0x9c: {  	s22 =	simm.s32 $0x1BFF;
	s21 =	sshll.u32 s7, $0x1;
	s4 =	sadd.s32 s5, s19  }
0x9d: {  	s8 =	simm.s32 $0x0;
	s20 =	sshll.u32 s6, $0x1;
	s6 =	sadd.s32 s21, s4  }
0x9e: {  	[timem:s8], [sflag:s22] =	dma.local [hbm:s6], s20  }
0x9f: {  	_ =	swait.ge [sflag:s22], s20  }
0xa0: {  	s5 =	ssub.s32 $0x0, s20;
	[sflag:s22] =	ssyncset.done $0x0  }
0xa1: {  	[sflag:s22] =	ssyncadd.s32 s5;
	_ =	sdelay $0x1  }
0xa2: {  	s23 =	simm.s32 $0x1B8B  }
0xa3: {  	_ =	swait.ge [sflag:s23], $0x1  }
0xa4: {  	[sflag:s23] =	ssyncset.done $0x0  }
0xa5: {  	s25 =	simm.s32 $0x1B8E;
	s24 =	sld [smem:$0x3FFE];
	[sflag:s23] =	ssyncadd.s32 $0xFFFFFFFF  }
0xa6: {  	s26 =	simm.s32 $execute0_lowered;
	[smem:$0x3FD2] =	sst s25  }
0xa7: {  	s6 =	sshll.u32 s26, $0x1;
	_ =	strace $0x80000046;
	[dreg:$0x1] =	wrdreg $0xFFFFFFFF  }
0xa8: {  	s28 =	simm.s32 $_size_execute0_lowered;
	s4 =	sadd.s32 s4, s6;
	[dreg:$0x0] =	wrdreg $0x0  }
0xa9: {  	s6 =	sshll.u32 s28, $0x1;
	[dreg:$0x2] =	wrdreg s4  }
0xaa: {  	[dreg:$0x3] =	wrdreg s6  }
0xab: {  	[dreg:$0x4] =	wrdreg $0xC0  }
0xac: {  	_ =	task [dreg:s8], $0x5FFFF  }
0xad: {  	[dreg:$0x1] =	wrdreg $0xFFFFFFFF  }
0xae: {  	[dreg:$0x0] =	wrdreg $0x60  }
0xaf: {  	[dreg:$0x2] =	wrdreg s24  }
0xb0: {  	[dreg:$0x3] =	wrdreg s2  }
0xb1: {  	[dreg:$0x4] =	wrdreg s18  }
0xb2: {  	[dreg:$0x5] =	wrdreg $0x1C2000  }
0xb3: {  	[dreg:$0x6] =	wrdreg $0x9  }
0xb4: {  	_ =	task.clear_ibuf [dreg:s8], $0x7FFFF;
	_ =	strace $0x90000046  }
0xb5: {  	s29 =	simm.s32 $0x9;
	_ =	strace $0x80000048  }
0xb6: {  	_ =	swait.ge [sflag:s29], $0x1  }
0xb7: {  	[sflag:s29] =	ssyncadd.s32 $0xFFFFFFFF  }
0xb8: {  	_ =	strace $0x90000048  }
0xb9: {  	_ =	sfence  }
0xba: {  	s30 =	sld [smem:$0x0];
	_ =	sdelay $0x2  }
0xbb: {  	s31 =	sshll.u32 s1, $0xD;
	s1 =	sshrl.u32 s1, $0x2  }
0xbc: {  	s3 =	sand.u32 $0x4000, s31;
	s1 =	sadd.s32 s1, s30  }
0xbd: {  	s0 =	sor.u32 s3, s0;
	s1 =	sshll.u32 s1, $0x11  }
0xbe: {  	s0 =	sor.u32 s1, s0  }
0xbf: {  	s0 =	sadd.s32 $0x8F2B, s0  }
0xc0: {  	[sflag:s0] =	ssyncadd.remote.s32 $0x1  }
0xc1: {  	_ =	sfence.sel $0xFFFF  }
0xc2: {  	[dreg:$0x0] =	wrdreg $0xFFFFFFFF;
	(pc) =	sbr.abs _section_cstart, $3  }
0xc3: {  	[dreg:$0x1] =	wrdreg $0xFFFFFFFF  }
0xc4: {  	_ =	task.clear_ibuf [dreg:s8], $0x2FFFF;
	_ =	strace $0x9FFFFFFF  }
0xc5: {  	(tm) =	ssettm $0x7FFFFFFF  }
tec
execute0_lowered:
.L_overlay_start_1:
0x0: {  	(tag) =	ssettag $0x1  }
0x1: {  	v0 =	vimm.s32 $0xFEDCBA9  }
0x2: {  	v2 =	vimm.s32 $0x87654321;
	v3 =	vimm.s32 $0x98765432;
	v4 =	vimm.s32 $0x210FEDCB  }
0x3: {  	v5 =	vimm.s32 $0xA9876543;
	v15 =	vimm.s32 $0xCBA98765;
	v17 =	vimm.s32 $0x6543210F  }
0x4: {  	v18 =	vimm.s32 $0xEDCBA987;
	v19 =	vimm.s32 $0xFEDCBA98;
	v20 =	vimm.s32 $0x76543210  }
0x5: {  	v1 =	vunpack.c.l.s4.s8 v0;
	v0 =	vlaneseq.u32;
	v3 =	vunpack.c.l.s4.s8 v3  }
0x6: {  	v4 =	vunpack.c.l.s4.s8 v4;
	v17 =	vunpack.c.l.s4.s8 v17;
	v18 =	vunpack.c.l.s4.s8 v18  }
0x7: {  	v19 =	vunpack.c.l.s4.s8 v19;
	v7 =	vunpack.c.0.s8.s32 v1;
	v1 =	vunpack.c.l.s4.s8 v2  }
0x8: {  	v2 =	vimm.s32 $0x10FEDCBA;
	v10 =	vunpack.c.0.s8.s32 v3;
	v11 =	vunpack.c.0.s8.s32 v4  }
0x9: {  	v17 =	vunpack.c.0.s8.s32 v17;
	v18 =	vunpack.c.0.s8.s32 v18;
	v2 =	vunpack.c.l.s4.s8 v2  }
0xa: {  	v19 =	vunpack.c.0.s8.s32 v19;
	v8 =	vunpack.c.0.s8.s32 v1;
	v1 =	vunpack.c.l.s4.s8 v5  }
0xb: {  	v23 =	vcombine.low v18, v17;
	v9 =	vunpack.c.0.s8.s32 v2;
	v2 =	vimm.s32 $0x3210FEDC  }
0xc: {  	v19 =	vand.u32 $0xF, v19;
	v12 =	vunpack.c.0.s8.s32 v1;
	v1 =	vunpack.c.l.s4.s8 v2  }
0xd: {  	v2 =	vimm.s32 $0xBA987654;
	v3 =	vcombine.low v8, v7;
	v63 =	vcombine.low v7, v8  }
0xe: {  	s0 =	srdreg.scid;
	s3 =	rddreg [dreg:$0x0];
	v8 =	vand.u32 $0xF, v23;
	v4 =	vcombine.low v10, v9;
	v2 =	vunpack.c.l.s4.s8 v2  }
0xf: {  	s6 =	stileid.u32;
	s1 =	rddreg [dreg:$0x2];
	s5 =	simm.s32 $0x0;
	v10 =	vcombine.low v9, v10;
	v5 =	vcombine.low v12, v11;
	v13 =	vunpack.c.0.s8.s32 v1  }
0x10: {  	s11 =	simm.s32 $0x1900;
	s12 =	simm.s32 $0x68;
	s13 =	simm.s32 $0x3200;
	v1 =	vimm.s32 $0x43210FED;
	v11 =	vcombine.low v11, v12;
	v14 =	vunpack.c.0.s8.s32 v2  }
0x11: {  	s14 =	simm.s32 $0x60;
	s17 =	simm.s32 $0x9600;
	s20 =	simm.s32 $0xFA00;
	v6 =	vunpack.c.l.s4.s8 v1;
	v2 =	vand.u32 $0xF, v4;
	v4 =	vunpack.c.l.s4.s8 v15  }
0x12: {  	s22 =	simm.s32 $0x1;
	s23 =	simm.s32 $0x15E00;
	s24 =	simm.s32 $0x19200;
	v9 =	vand.u32 $0xF, v63;
	v1 =	vand.u32 $0xF, v3;
	v10 =	vand.u32 $0xF, v10  }
0x13: {  	s25 =	simm.s32 $0x2;
	s28 =	simm.s32 $0x3;
	s0 =	sand.u32 $0x1, s0;
	v3 =	vand.u32 $0xF, v5;
	v15 =	vunpack.c.0.s8.s32 v6;
	v16 =	vunpack.c.0.s8.s32 v4  }
0x14: {  	s2 =	sshll.u32 s6, $0x6;
	s4 =	sshll.u32 s0, $0x5;
	s0 =	ssub.s32 $0x2, s0;
	v4 =	vimm.s32 $0x543210FE;
	v6 =	vimm.s32 $0xDCBA9876;
	v12 =	vcombine.low v13, v14  }
0x15: {  	[smem:$0x7FF] =	sst s5;
	s2 =	sor.u32 s4, s2;
	s26 =	sshrl.u32 s0, $0x1;
	v11 =	vand.u32 $0xF, v11;
	v4 =	vunpack.c.l.s4.s8 v4;
	v6 =	vunpack.c.l.s4.s8 v6  }
0x16: {  	p0 =	sne.s32 s6, $0x0;
	s7 =	smul.u32 $0x19, s2;
	s0 =	ssub.s32 s0, s26;
	v5 =	vcombine.low v14, v13;
	v13 =	vcombine.low v15, v16;
	v12 =	vand.u32 $0xF, v12  }
0x17: {  	s4 =	rddreg [dreg:$0x3];
	_ =	strace $0x80000047;
	s0 =	smax.u32 s0, $0x1;
	v21 =	vunpack.c.0.s8.s32 v4;
	v22 =	vunpack.c.0.s8.s32 v6;
	v6 =	vunpack.c.l.s4.s8 v20  }
0x18: {  	s3 =	sadd.s32 s7, s3;
	[dreg:$0x7] =	wrdreg s0;
	s0 =	sshrl.u32 @!p0 s4, $0x3;
	v4 =	vand.u32 $0xF, v5;
	v5 =	vcombine.low v16, v15;
	v15 =	vcombine.low v17, v18  }
0x19: {  	s29 =	simm.s32 $0x6;
	s31 =	sadd.s32 $0x400, s3;
	[dreg:$0x8] =	wrdreg s0;
	v6 =	vunpack.c.0.s8.s32 v6;
	v62 =	vcombine.low v22, v21;
	v14 =	vcombine.low v21, v22  }
0x1a: {  	s30 =	simm.s32 $0x4;
	s3 =	sadd.s32 $0x6800, s3;
	[dreg:$0x5] =	wrdreg s31;
	v13 =	vand.u32 $0xF, v13;
	v5 =	vand.u32 $0xF, v5;
	v15 =	vand.u32 $0xF, v15  }
0x1b: {  	s6 =	simm.s32 $0x0;
	s26 =	simm.s32 $0x5;
	[dreg:$0x6] =	wrdreg s3;
	v6 =	vcombine.low v19, v6;
	v7 =	vand.u32 $0xF, v62;
	v14 =	vand.u32 $0xF, v14  }
.LBB2_1:
0x1c: {  	[dreg:$0x9] =	wrdreg s6  }
0x1d: {  	s0 =	rddreg [dreg:$0x5];
	s15 =	simm.s32 $0x9  }
0x1e: {  	[tilespmem:s5], [sflag:$0x9] =	stream.linear.gather [hbm4b:s0+s5], $0x1900, $0x38;
	[tilespmem:$0x1E140] =	vst v63  }
0x1f: {  	_ =	swait.ge [sflag:s15], $0x1900  }
0x20: {  	[sflag:s15] =	ssyncset.done $0x0  }
0x21: {  	s7 =	rddreg [dreg:$0x8];
	[sflag:s15] =	ssyncadd.s32 $0xFFFFE700  }
0x22: {  	s0 =	simm.s32 @!p0 $0x1C09;
	s3 =	rddreg [dreg:$0x1]  }
0x23: {  	[spmem:s7], [sflag:s0] =	dma.local @!p0 [hbm:s3], $0x3E80  }
0x24: {  	s0 =	simm.s32 @!p0 $0x9  }
0x25: {  	_ =	swait.ge @!p0 [sflag:s0], $0x3E80  }
0x26: {  	[sflag:s0] =	ssyncset.done @!p0 $0x0  }
0x27: {  	s16 =	rddreg [dreg:$0x6];
	[sflag:s0] =	ssyncadd.s32 @!p0 $0xFFFFC180  }
0x28: {  	[tilespmem:s11], [sflag:$0x9] =	stream.linear.gather [hbm4b:s16+s5], $0x1900, $0x38;
	[tilespmem:$0x1E140] =	vst v63  }
0x29: {  	_ =	swait.ge [sflag:s15], $0x1900  }
0x2a: {  	[sflag:s15] =	ssyncset.done $0x0  }
0x2b: {  	[sflag:s15] =	ssyncadd.s32 $0xFFFFE700  }
0x2c: {  	[bflag:$0x0] =	sbarrier.arrive $0xFFFF  }
0x2d: {  	[tilespmem:s13], [sflag:$0x1] =	stream.indirect.gather [spmem:s4], $0x80, s5, s12, $0xb8;
	[tilespmem:$0x1E140] =	vst v63  }
0x2e: {  	s18 =	simm.s32 $0x6600  }
0x2f: {  	[tilespmem:s18], [sflag:$0x1] =	stream.indirect.gather [spmem:s4], $0x80, s12, s14, $0xb8;
	[tilespmem:$0x1E140] =	vst v63  }
0x30: {  	s19 =	simm.s32 $0xC8  }
0x31: {  	[tilespmem:s17], [sflag:$0x2] =	stream.indirect.gather [spmem:s4], $0x80, s19, s12, $0xb8;
	[tilespmem:$0x1E140] =	vst v63  }
0x32: {  	s21 =	simm.s32 $0x130;
	s31 =	simm.s32 $0xCA00;
	s15 =	simm.s32 $0x0  }
0x33: {  	[tilespmem:s31], [sflag:$0x2] =	stream.indirect.gather [spmem:s4], $0x80, s21, s14, $0xb8;
	[tilespmem:$0x1E140] =	vst v63  }
.LBB2_2:
0x34: {  	s19 =	sshll.u32 s15, $0x2;
	p1 =	seq.s32 s15, $0x0  }
0x35: {  	s0 =	simm.s32 @!p1 $0x7;
	s18 =	sor.u32 $0x2, s19  }
0x36: {  	_ =	swait.ge @!p1 [sflag:s0], $0x6400;
	s3 =	smul.u32 $0x320, s18  }
0x37: {  	[sflag:s0] =	ssyncset.done @!p1 $0x0  }
0x38: {  	[sflag:s0] =	ssyncadd.s32 @!p1 $0xFFFF9C00;
	s21 =	sshra.s32 s3, $0x2  }
0x39: {  	[tilespmem:s20], [sflag:$0x3] =	stream.indirect.gather [spmem:s4], $0x80, s21, s12, $0xb8;
	[tilespmem:$0x1E140] =	vst v63  }
0x3a: {  	s31 =	simm.s32 $0x12E00;
	s0 =	sadd.s32 $0x68, s21  }
0x3b: {  	[tilespmem:s31], [sflag:$0x3] =	stream.indirect.gather [spmem:s4], $0x80, s0, s14, $0xb8;
	[tilespmem:$0x1E140] =	vst v63  }
0x3c: {  	_ =	swait.ge [sflag:s22], $0x3400  }
0x3d: {  	[sflag:s22] =	ssyncset.done $0x0  }
0x3e: {  	v16 =	vmov s19;
	[sflag:s22] =	ssyncadd.s32 $0xFFFFCC00  }
0x3f: {  	v16 =	vmul.u32 $0xC8, v16;
	_ =	swait.ge [sflag:s22], $0x3000  }
0x40: {  	[sflag:s22] =	ssyncset.done $0x0  }
0x41: {  	s16 =	simm.s32 $0x0;
	s6 =	simm.s32 $0x0;
	v16 =	vbroadcast v16, $0x0;
	[sflag:s22] =	ssyncadd.s32 $0xFFFFD000  }
.LBB2_3:
0x42: {  	s0 =	sshll.u32 s6, $0x4  }
0x43: {  	v17 =	vor.u32 s0, v0  }
0x44: {  	v17 =	vmin.u32 v17, $0xC7  }
0x45: {  	v18 =	vand.u32 $0xF8, v17  }
0x46: {  	v19 =	vand.u32 $0x7, v17;
	v20 =	vadd.s32 v16, v18;
	v18 =	vshll.u32 v17, $0x7  }
0x47: {  	v17 =	vor.u32 v19, v20;
	v20 =	vor.u32 v0, v18  }
0x48: {  	v19 =	vor.u32 s16, v20;
	_ =	sdelay $0x3  }
0x49: {  	s0 =	ssub.s32 $0xC8, s0;
	v17 =	vld.idx.msk [tilespmem:v17+s11+$0x0], $0xffff  }
0x4a: {  	v21 =	vmov s0;
	v22 =	vld.idx.msk [tilespmem:v19+s13+$0x0], $0xffff  }
0x4b: {  	vm0 =	vgt.u32 v21, v0  }
0x4c: {  	v21 =	vor.u32 v1, v18  }
0x4d: {  	v23 =	vor.u32 s16, v21;
	_ =	sdelay $0x1  }
0x4e: {  	v22 =	vmul.f32 v22, v17;
	_ =	sdelay $0x1  }
0x4f: {  	[tilespmem:v19+s13+$0x0] =	vst.idx.msk vm0, v22  }
0x50: {  	v19 =	vld.idx.msk [tilespmem:v23+s13+$0x0], $0xffff;
	_ =	sdelay $0x1  }
0x51: {  	v22 =	vor.u32 v2, v18  }
0x52: {  	v25 =	vor.u32 s16, v22;
	_ =	sdelay $0x1  }
0x53: {  	v19 =	vmul.f32 v19, v17;
	_ =	sdelay $0x1  }
0x54: {  	[tilespmem:v23+s13+$0x0] =	vst.idx.msk vm0, v19  }
0x55: {  	s7 =	simm.s32 $0x10;
	v19 =	vld.idx.msk [tilespmem:v25+s13+$0x0], $0xffff  }
0x56: {  	v26 =	vor.u32 s7, v20  }
0x57: {  	v24 =	vor.u32 v3, v18  }
0x58: {  	v27 =	vor.u32 s16, v24;
	_ =	sdelay $0x1  }
0x59: {  	v19 =	vmul.f32 v19, v17  }
0x5a: {  	v28 =	vld.idx.msk [tilespmem:v26+s13+$0x0], $0xffff  }
0x5b: {  	[tilespmem:v25+s13+$0x0] =	vst.idx.msk vm0, v19  }
0x5c: {  	v19 =	vld.idx.msk [tilespmem:v27+s13+$0x0], $0xffff  }
0x5d: {  	v29 =	vor.u32 s7, v21  }
0x5e: {  	v23 =	vor.u32 v4, v18  }
0x5f: {  	v30 =	vor.u32 s16, v23;
	v25 =	vmul.f32 v28, v17;
	_ =	sdelay $0x1  }
0x60: {  	[tilespmem:v26+s13+$0x0] =	vst.idx.msk vm0, v25;
	v19 =	vmul.f32 v19, v17  }
0x61: {  	v26 =	vld.idx.msk [tilespmem:v29+s13+$0x0], $0xffff  }
0x62: {  	[tilespmem:v27+s13+$0x0] =	vst.idx.msk vm0, v19  }
0x63: {  	v19 =	vld.idx.msk [tilespmem:v30+s13+$0x0], $0xffff  }
0x64: {  	v27 =	vor.u32 s7, v22  }
0x65: {  	v25 =	vor.u32 v5, v18  }
0x66: {  	v28 =	vor.u32 s16, v25;
	v26 =	vmul.f32 v26, v17;
	_ =	sdelay $0x1  }
0x67: {  	[tilespmem:v29+s13+$0x0] =	vst.idx.msk vm0, v26;
	v19 =	vmul.f32 v19, v17  }
0x68: {  	s8 =	simm.s32 $0x20;
	v26 =	vld.idx.msk [tilespmem:v27+s13+$0x0], $0xffff  }
0x69: {  	[tilespmem:v30+s13+$0x0] =	vst.idx.msk vm0, v19;
	v19 =	vor.u32 s8, v20  }
0x6a: {  	v29 =	vld.idx.msk [tilespmem:v28+s13+$0x0], $0xffff  }
0x6b: {  	v31 =	vor.u32 s7, v24  }
0x6c: {  	v30 =	vor.u32 v7, v18  }
0x6d: {  	v32 =	vor.u32 s16, v30;
	v26 =	vmul.f32 v26, v17  }
0x6e: {  	v33 =	vld.idx.msk [tilespmem:v19+s13+$0x0], $0xffff  }
0x6f: {  	[tilespmem:v27+s13+$0x0] =	vst.idx.msk vm0, v26;
	v29 =	vmul.f32 v29, v17  }
0x70: {  	v27 =	vld.idx.msk [tilespmem:v31+s13+$0x0], $0xffff  }
0x71: {  	[tilespmem:v28+s13+$0x0] =	vst.idx.msk vm0, v29;
	v28 =	vor.u32 s8, v21  }
0x72: {  	v29 =	vld.idx.msk [tilespmem:v32+s13+$0x0], $0xffff  }
0x73: {  	v34 =	vor.u32 s7, v23;
	v33 =	vmul.f32 v33, v17  }
0x74: {  	v26 =	vor.u32 v8, v18  }
0x75: {  	v35 =	vor.u32 s16, v26;
	[tilespmem:v19+s13+$0x0] =	vst.idx.msk vm0, v33;
	v19 =	vmul.f32 v27, v17  }
0x76: {  	v27 =	vld.idx.msk [tilespmem:v28+s13+$0x0], $0xffff  }
0x77: {  	v29 =	vmul.f32 v29, v17;
	[tilespmem:v31+s13+$0x0] =	vst.idx.msk vm0, v19  }
0x78: {  	v19 =	vld.idx.msk [tilespmem:v34+s13+$0x0], $0xffff  }
0x79: {  	[tilespmem:v32+s13+$0x0] =	vst.idx.msk vm0, v29;
	v29 =	vor.u32 s8, v22  }
0x7a: {  	v32 =	vld.idx.msk [tilespmem:v35+s13+$0x0], $0xffff  }
0x7b: {  	v61 =	vor.u32 s7, v25;
	v27 =	vmul.f32 v27, v17  }
0x7c: {  	v31 =	vor.u32 v6, v18  }
0x7d: {  	v36 =	vor.u32 s16, v31;
	[tilespmem:v28+s13+$0x0] =	vst.idx.msk vm0, v27;
	v19 =	vmul.f32 v19, v17  }
0x7e: {  	s10 =	simm.s32 $0x30;
	v28 =	vld.idx.msk [tilespmem:v29+s13+$0x0], $0xffff  }
0x7f: {  	v62 =	vor.u32 s10, v20;
	v27 =	vmul.f32 v32, v17;
	[tilespmem:v34+s13+$0x0] =	vst.idx.msk vm0, v19  }
0x80: {  	v19 =	vld.idx.msk [tilespmem:v61+s13+$0x0], $0xffff  }
0x81: {  	v63 =	vor.u32 s8, v24;
	[tilespmem:v35+s13+$0x0] =	vst.idx.msk vm0, v27  }
0x82: {  	v35 =	vld.idx.msk [tilespmem:v36+s13+$0x0], $0xffff  }
0x83: {  	v37 =	vor.u32 s7, v30;
	v28 =	vmul.f32 v28, v17  }
0x84: {  	v38 =	vld.idx.msk [tilespmem:v62+s13+$0x0], $0xffff;
	v27 =	vor.u32 v9, v18  }
0x85: {  	v39 =	vor.u32 s16, v27;
	[tilespmem:v29+s13+$0x0] =	vst.idx.msk vm0, v28;
	v19 =	vmul.f32 v19, v17  }
0x86: {  	v28 =	vld.idx.msk [tilespmem:v63+s13+$0x0], $0xffff  }
0x87: {  	v44 =	vor.u32 s10, v21;
	v29 =	vmul.f32 v35, v17;
	[tilespmem:v61+s13+$0x0] =	vst.idx.msk vm0, v19  }
0x88: {  	v19 =	vld.idx.msk [tilespmem:v37+s13+$0x0], $0xffff  }
0x89: {  	v45 =	vor.u32 s8, v23;
	[tilespmem:v36+s13+$0x0] =	vst.idx.msk vm0, v29;
	v29 =	vmul.f32 v38, v17  }
0x8a: {  	v36 =	vld.idx.msk [tilespmem:v39+s13+$0x0], $0xffff  }
0x8b: {  	[tilespmem:v62+s13+$0x0] =	vst.idx.msk vm0, v29;
	v28 =	vmul.f32 v28, v17;
	v29 =	vor.u32 s7, v26  }
0x8c: {  	v32 =	vor.u32 v10, v18;
	v46 =	vld.idx.msk [tilespmem:v44+s13+$0x0], $0xffff  }
0x8d: {  	v40 =	vor.u32 s16, v32;
	[tilespmem:v63+s13+$0x0] =	vst.idx.msk vm0, v28;
	v19 =	vmul.f32 v19, v17  }
0x8e: {  	v34 =	vld.idx.msk [tilespmem:v45+s13+$0x0], $0xffff  }
0x8f: {  	v47 =	vor.u32 s10, v22;
	v28 =	vmul.f32 v36, v17;
	[tilespmem:v37+s13+$0x0] =	vst.idx.msk vm0, v19  }
0x90: {  	v19 =	vld.idx.msk [tilespmem:v29+s13+$0x0], $0xffff  }
0x91: {  	v48 =	vor.u32 s8, v25;
	[tilespmem:v39+s13+$0x0] =	vst.idx.msk vm0, v28;
	v28 =	vmul.f32 v46, v17  }
0x92: {  	v49 =	vld.idx.msk [tilespmem:v40+s13+$0x0], $0xffff  }
0x93: {  	v50 =	vor.u32 s7, v31;
	[tilespmem:v44+s13+$0x0] =	vst.idx.msk vm0, v28;
	v34 =	vmul.f32 v34, v17  }
0x94: {  	v28 =	vor.u32 v11, v18;
	v51 =	vld.idx.msk [tilespmem:v47+s13+$0x0], $0xffff  }
0x95: {  	s31 =	simm.s32 $0x40;
	v41 =	vor.u32 s16, v28;
	[tilespmem:v45+s13+$0x0] =	vst.idx.msk vm0, v34;
	v19 =	vmul.f32 v19, v17  }
0x96: {  	v52 =	vor.u32 s31, v20;
	v34 =	vld.idx.msk [tilespmem:v48+s13+$0x0], $0xffff  }
0x97: {  	v42 =	vor.u32 s10, v24;
	v38 =	vmul.f32 v49, v17;
	[tilespmem:v29+s13+$0x0] =	vst.idx.msk vm0, v19  }
0x98: {  	v19 =	vld.idx.msk [tilespmem:v50+s13+$0x0], $0xffff  }
0x99: {  	v53 =	vor.u32 s8, v30;
	[tilespmem:v40+s13+$0x0] =	vst.idx.msk vm0, v38;
	v29 =	vmul.f32 v51, v17  }
0x9a: {  	v54 =	vld.idx.msk [tilespmem:v41+s13+$0x0], $0xffff  }
0x9b: {  	v55 =	vld.idx.msk [tilespmem:v52+s13+$0x0], $0xffff;
	v56 =	vor.u32 s7, v27;
	[tilespmem:v47+s13+$0x0] =	vst.idx.msk vm0, v29;
	v34 =	vmul.f32 v34, v17  }
0x9c: {  	v29 =	vor.u32 v12, v18;
	v43 =	vld.idx.msk [tilespmem:v42+s13+$0x0], $0xffff  }
0x9d: {  	v44 =	vor.u32 s16, v29;
	[tilespmem:v48+s13+$0x0] =	vst.idx.msk vm0, v34;
	v19 =	vmul.f32 v19, v17  }
0x9e: {  	v45 =	vor.u32 s31, v21;
	v34 =	vld.idx.msk [tilespmem:v53+s13+$0x0], $0xffff  }
0x9f: {  	v47 =	vor.u32 s10, v23;
	v57 =	vmul.f32 v54, v17;
	[tilespmem:v50+s13+$0x0] =	vst.idx.msk vm0, v19  }
0xa0: {  	v19 =	vmul.f32 v55, v17;
	v35 =	vld.idx.msk [tilespmem:v56+s13+$0x0], $0xffff  }
0xa1: {  	v39 =	vor.u32 s8, v26;
	[tilespmem:v41+s13+$0x0] =	vst.idx.msk vm0, v57;
	v58 =	vmul.f32 v43, v17  }
0xa2: {  	[tilespmem:v52+s13+$0x0] =	vst.idx.msk vm0, v19;
	v19 =	vld.idx.msk [tilespmem:v44+s13+$0x0], $0xffff  }
0xa3: {  	v37 =	vor.u32 s7, v32;
	v59 =	vld.idx.msk [tilespmem:v45+s13+$0x0], $0xffff;
	[tilespmem:v42+s13+$0x0] =	vst.idx.msk vm0, v58;
	v60 =	vmul.f32 v34, v17  }
0xa4: {  	v33 =	vor.u32 v13, v18;
	v61 =	vld.idx.msk [tilespmem:v47+s13+$0x0], $0xffff  }
0xa5: {  	v34 =	vor.u32 s16, v33;
	[tilespmem:v53+s13+$0x0] =	vst.idx.msk vm0, v60;
	v35 =	vmul.f32 v35, v17  }
0xa6: {  	v42 =	vor.u32 s31, v22;
	v48 =	vld.idx.msk [tilespmem:v39+s13+$0x0], $0xffff  }
0xa7: {  	v41 =	vor.u32 s10, v25;
	v19 =	vmul.f32 v19, v17;
	[tilespmem:v56+s13+$0x0] =	vst.idx.msk vm0, v35  }
0xa8: {  	v62 =	vmul.f32 v59, v17;
	v38 =	vld.idx.msk [tilespmem:v37+s13+$0x0], $0xffff  }
0xa9: {  	v40 =	vor.u32 s8, v31;
	[tilespmem:v44+s13+$0x0] =	vst.idx.msk vm0, v19;
	v63 =	vmul.f32 v61, v17  }
0xaa: {  	[tilespmem:v45+s13+$0x0] =	vst.idx.msk vm0, v62;
	v35 =	vld.idx.msk [tilespmem:v34+s13+$0x0], $0xffff  }
0xab: {  	s3 =	simm.s32 $0x50;
	v36 =	vor.u32 s7, v28;
	v46 =	vld.idx.msk [tilespmem:v42+s13+$0x0], $0xffff;
	[tilespmem:v47+s13+$0x0] =	vst.idx.msk vm0, v63;
	v43 =	vmul.f32 v48, v17  }
0xac: {  	s9 =	simm.s32 $0x0;
	s0 =	simm.s32 $0x60;
	v19 =	vor.u32 v14, v18;
	v18 =	vor.u32 v15, v18;
	v44 =	vor.u32 s3, v20;
	v45 =	vld.idx.msk [tilespmem:v41+s13+$0x0], $0xffff  }
.LBB2_4:
0xad: {  	p2 =	sne.s32 s0, $0x70;
	[tilespmem:v39+s13+$0x0] =	vst.idx.msk vm0, v43;
	v38 =	vmul.f32 v38, v17;
	v43 =	vor.u32 s9, v19  }
0xae: {  	v47 =	vor.u32 s31, v24;
	v39 =	vld.idx.msk [tilespmem:v40+s13+$0x0], $0xffff  }
0xaf: {  	v35 =	vmul.f32 v35, v17;
	[tilespmem:v37+s13+$0x0] =	vst.idx.msk vm0, v38  }
0xb0: {  	v37 =	vmul.f32 v46, v17;
	v38 =	vor.u32 s10, v30;
	v46 =	vld.idx.msk [tilespmem:v36+s13+$0x0], $0xffff  }
0xb1: {  	v48 =	vld.idx.msk [tilespmem:v44+s13+$0x0], $0xffff;
	[tilespmem:v34+s13+$0x0] =	vst.idx.msk vm0, v35  }
0xb2: {  	v34 =	vmul.f32 v45, v17;
	v35 =	vor.u32 s8, v27;
	[tilespmem:v42+s13+$0x0] =	vst.idx.msk vm0, v37;
	v37 =	vld.idx.msk [tilespmem:v43+s13+$0x0], $0xffff  }
0xb3: {  	v42 =	vld.idx.msk [tilespmem:v47+s13+$0x0], $0xffff  }
0xb4: {  	v45 =	vor.u32 s7, v29;
	[tilespmem:v41+s13+$0x0] =	vst.idx.msk vm0, v34;
	v34 =	vmul.f32 v39, v17  }
0xb5: {  	v49 =	vor.u32 s3, v21;
	v41 =	vld.idx.msk [tilespmem:v38+s13+$0x0], $0xffff  }
0xb6: {  	v50 =	vor.u32 s9, v18;
	s9 =	smov.u32 s7;
	s7 =	smov.u32 s8;
	s8 =	smov.u32 s10;
	[tilespmem:v40+s13+$0x0] =	vst.idx.msk vm0, v34;
	v34 =	vmul.f32 v46, v17  }
0xb7: {  	s10 =	smov.u32 s31;
	v39 =	vmul.f32 v48, v17;
	v48 =	vor.u32 s31, v23;
	s31 =	smov.u32 s3;
	s3 =	smov.u32 s0;
	v40 =	vld.idx.msk [tilespmem:v35+s13+$0x0], $0xffff  }
0xb8: {  	[tilespmem:v36+s13+$0x0] =	vst.idx.msk vm0, v34;
	v34 =	vmul.f32 v37, v17  }
0xb9: {  	v36 =	vmul.f32 v42, v17;
	[tilespmem:v44+s13+$0x0] =	vst.idx.msk vm0, v39;
	v39 =	vor.u32 s8, v26;
	v44 =	vld.idx.msk [tilespmem:v45+s13+$0x0], $0xffff  }
0xba: {  	v46 =	vld.idx.msk [tilespmem:v49+s13+$0x0], $0xffff;
	[tilespmem:v43+s13+$0x0] =	vst.idx.msk vm0, v34  }
0xbb: {  	v37 =	vor.u32 s7, v32;
	v34 =	vmul.f32 v41, v17;
	[tilespmem:v47+s13+$0x0] =	vst.idx.msk vm0, v36;
	v36 =	vld.idx.msk [tilespmem:v50+s13+$0x0], $0xffff  }
0xbc: {  	v43 =	vld.idx.msk [tilespmem:v48+s13+$0x0], $0xffff  }
0xbd: {  	[tilespmem:v38+s13+$0x0] =	vst.idx.msk vm0, v34;
	v38 =	vmul.f32 v40, v17;
	v34 =	vor.u32 s9, v33  }
0xbe: {  	v42 =	vor.u32 s31, v22;
	v47 =	vld.idx.msk [tilespmem:v39+s13+$0x0], $0xffff  }
0xbf: {  	[tilespmem:v35+s13+$0x0] =	vst.idx.msk vm0, v38;
	v35 =	vmul.f32 v44, v17  }
0xc0: {  	v41 =	vor.u32 s10, v25;
	v40 =	vmul.f32 v46, v17;
	v38 =	vld.idx.msk [tilespmem:v37+s13+$0x0], $0xffff  }
.Ltmp0:
0xc1: {  	v36 =	vmul.f32 v36, v17;
	[tilespmem:v45+s13+$0x0] =	vst.idx.msk vm0, v35;
	(pc) =	sbr.rel @p2 .LBB2_4-.Ltmp0, $4  }
0xc2: {  	v43 =	vmul.f32 v43, v17;
	[tilespmem:v49+s13+$0x0] =	vst.idx.msk vm0, v40;
	v40 =	vor.u32 s8, v31;
	v35 =	vld.idx.msk [tilespmem:v34+s13+$0x0], $0xffff  }
0xc3: {  	v46 =	vld.idx.msk [tilespmem:v42+s13+$0x0], $0xffff;
	[tilespmem:v50+s13+$0x0] =	vst.idx.msk vm0, v36  }
0xc4: {  	v36 =	vor.u32 s7, v28;
	[tilespmem:v48+s13+$0x0] =	vst.idx.msk vm0, v43;
	v43 =	vmul.f32 v47, v17  }
0xc5: {  	s0 =	sadd.s32 $0x10, s0;
	v44 =	vor.u32 s3, v20;
	v45 =	vld.idx.msk [tilespmem:v41+s13+$0x0], $0xffff  }
0xc6: {  	_ =	sdelay $0x3  }
0xc7: {  	v20 =	vld.idx.msk [tilespmem:v44+s13+$0x0], $0xffff;
	_ =	sdelay $0x2  }
0xc8: {  	v21 =	vor.u32 s3, v21;
	_ =	sdelay $0x1  }
0xc9: {  	v20 =	vmul.f32 v20, v17;
	_ =	sdelay $0x1  }
0xca: {  	[tilespmem:v44+s13+$0x0] =	vst.idx.msk vm0, v20  }
0xcb: {  	v20 =	vld.idx.msk [tilespmem:v21+s13+$0x0], $0xffff;
	_ =	sdelay $0x2  }
0xcc: {  	v22 =	vor.u32 s3, v22;
	_ =	sdelay $0x1  }
0xcd: {  	v20 =	vmul.f32 v20, v17;
	_ =	sdelay $0x1  }
0xce: {  	[tilespmem:v21+s13+$0x0] =	vst.idx.msk vm0, v20  }
0xcf: {  	v20 =	vld.idx.msk [tilespmem:v22+s13+$0x0], $0xffff;
	_ =	sdelay $0x1  }
0xd0: {  	v48 =	vor.u32 s31, v24  }
0xd1: {  	v49 =	vor.u32 s3, v24  }
0xd2: {  	v50 =	vmul.f32 v46, v17  }
0xd3: {  	v20 =	vmul.f32 v20, v17  }
0xd4: {  	[tilespmem:v42+s13+$0x0] =	vst.idx.msk vm0, v50  }
0xd5: {  	v42 =	vld.idx.msk [tilespmem:v48+s13+$0x0], $0xffff;
	[tilespmem:v22+s13+$0x0] =	vst.idx.msk vm0, v20  }
0xd6: {  	v20 =	vld.idx.msk [tilespmem:v49+s13+$0x0], $0xffff;
	_ =	sdelay $0x1  }
0xd7: {  	v51 =	vor.u32 s31, v23  }
0xd8: {  	v52 =	vor.u32 s3, v23  }
0xd9: {  	v42 =	vmul.f32 v42, v17  }
0xda: {  	v20 =	vmul.f32 v20, v17  }
0xdb: {  	[tilespmem:v48+s13+$0x0] =	vst.idx.msk vm0, v42  }
0xdc: {  	v21 =	vld.idx.msk [tilespmem:v51+s13+$0x0], $0xffff;
	[tilespmem:v49+s13+$0x0] =	vst.idx.msk vm0, v20  }
0xdd: {  	v20 =	vld.idx.msk [tilespmem:v52+s13+$0x0], $0xffff;
	_ =	sdelay $0x1  }
0xde: {  	v53 =	vor.u32 s31, v25  }
0xdf: {  	v54 =	vor.u32 s3, v25  }
0xe0: {  	v21 =	vmul.f32 v21, v17  }
0xe1: {  	v20 =	vmul.f32 v20, v17  }
0xe2: {  	[tilespmem:v51+s13+$0x0] =	vst.idx.msk vm0, v21  }
0xe3: {  	v21 =	vld.idx.msk [tilespmem:v53+s13+$0x0], $0xffff;
	[tilespmem:v52+s13+$0x0] =	vst.idx.msk vm0, v20  }
0xe4: {  	v20 =	vld.idx.msk [tilespmem:v54+s13+$0x0], $0xffff  }
0xe5: {  	v55 =	vor.u32 s10, v30  }
0xe6: {  	v56 =	vor.u32 s31, v30  }
0xe7: {  	v58 =	vor.u32 s3, v30;
	v57 =	vmul.f32 v45, v17  }
0xe8: {  	v21 =	vmul.f32 v21, v17  }
0xe9: {  	[tilespmem:v41+s13+$0x0] =	vst.idx.msk vm0, v57;
	v20 =	vmul.f32 v20, v17  }
0xea: {  	v41 =	vld.idx.msk [tilespmem:v55+s13+$0x0], $0xffff;
	[tilespmem:v53+s13+$0x0] =	vst.idx.msk vm0, v21  }
0xeb: {  	v21 =	vld.idx.msk [tilespmem:v56+s13+$0x0], $0xffff;
	[tilespmem:v54+s13+$0x0] =	vst.idx.msk vm0, v20  }
0xec: {  	v20 =	vld.idx.msk [tilespmem:v58+s13+$0x0], $0xffff  }
0xed: {  	v59 =	vor.u32 s10, v26  }
0xee: {  	v60 =	vor.u32 s31, v26  }
0xef: {  	v61 =	vor.u32 s3, v26;
	v41 =	vmul.f32 v41, v17  }
0xf0: {  	v21 =	vmul.f32 v21, v17  }
0xf1: {  	[tilespmem:v55+s13+$0x0] =	vst.idx.msk vm0, v41;
	v20 =	vmul.f32 v20, v17  }
0xf2: {  	v22 =	vld.idx.msk [tilespmem:v59+s13+$0x0], $0xffff;
	[tilespmem:v56+s13+$0x0] =	vst.idx.msk vm0, v21  }
0xf3: {  	v21 =	vld.idx.msk [tilespmem:v60+s13+$0x0], $0xffff;
	[tilespmem:v58+s13+$0x0] =	vst.idx.msk vm0, v20  }
0xf4: {  	v20 =	vld.idx.msk [tilespmem:v61+s13+$0x0], $0xffff  }
0xf5: {  	v62 =	vor.u32 s10, v31  }
0xf6: {  	v63 =	vor.u32 s31, v31  }
0xf7: {  	v42 =	vor.u32 s3, v31;
	v22 =	vmul.f32 v22, v17  }
0xf8: {  	[tilespmem:v39+s13+$0x0] =	vst.idx.msk vm0, v43;
	v21 =	vmul.f32 v21, v17  }
0xf9: {  	v39 =	vld.idx.msk [tilespmem:v40+s13+$0x0], $0xffff;
	[tilespmem:v59+s13+$0x0] =	vst.idx.msk vm0, v22;
	v20 =	vmul.f32 v20, v17  }
0xfa: {  	v22 =	vld.idx.msk [tilespmem:v62+s13+$0x0], $0xffff;
	[tilespmem:v60+s13+$0x0] =	vst.idx.msk vm0, v21  }
0xfb: {  	v21 =	vld.idx.msk [tilespmem:v63+s13+$0x0], $0xffff;
	[tilespmem:v61+s13+$0x0] =	vst.idx.msk vm0, v20  }
0xfc: {  	v43 =	vor.u32 s8, v27;
	v44 =	vld.idx.msk [tilespmem:v42+s13+$0x0], $0xffff  }
0xfd: {  	v45 =	vor.u32 s10, v27  }
0xfe: {  	v47 =	vor.u32 s31, v27;
	v46 =	vmul.f32 v39, v17  }
0xff: {  	v48 =	vor.u32 s3, v27;
	v22 =	vmul.f32 v22, v17  }
0x100: {  	[tilespmem:v40+s13+$0x0] =	vst.idx.msk vm0, v46;
	v21 =	vmul.f32 v21, v17  }
0x101: {  	v26 =	vld.idx.msk [tilespmem:v43+s13+$0x0], $0xffff;
	[tilespmem:v62+s13+$0x0] =	vst.idx.msk vm0, v22;
	v49 =	vmul.f32 v44, v17  }
0x102: {  	v23 =	vld.idx.msk [tilespmem:v45+s13+$0x0], $0xffff;
	[tilespmem:v63+s13+$0x0] =	vst.idx.msk vm0, v21  }
0x103: {  	v21 =	vld.idx.msk [tilespmem:v47+s13+$0x0], $0xffff;
	[tilespmem:v42+s13+$0x0] =	vst.idx.msk vm0, v49  }
0x104: {  	v50 =	vor.u32 s8, v32;
	v51 =	vld.idx.msk [tilespmem:v48+s13+$0x0], $0xffff  }
0x105: {  	v52 =	vor.u32 s10, v32  }
0x106: {  	v26 =	vmul.f32 v26, v17;
	v53 =	vor.u32 s31, v32  }
0x107: {  	v23 =	vmul.f32 v23, v17;
	v54 =	vor.u32 s3, v32  }
0x108: {  	[tilespmem:v43+s13+$0x0] =	vst.idx.msk vm0, v26;
	v55 =	vmul.f32 v21, v17  }
0x109: {  	v56 =	vld.idx.msk [tilespmem:v50+s13+$0x0], $0xffff;
	[tilespmem:v45+s13+$0x0] =	vst.idx.msk vm0, v23;
	v57 =	vmul.f32 v51, v17  }
0x10a: {  	v58 =	vld.idx.msk [tilespmem:v52+s13+$0x0], $0xffff;
	[tilespmem:v47+s13+$0x0] =	vst.idx.msk vm0, v55  }
0x10b: {  	v20 =	vld.idx.msk [tilespmem:v53+s13+$0x0], $0xffff;
	[tilespmem:v48+s13+$0x0] =	vst.idx.msk vm0, v57  }
0x10c: {  	v59 =	vor.u32 s8, v28;
	v60 =	vld.idx.msk [tilespmem:v54+s13+$0x0], $0xffff  }
0x10d: {  	v62 =	vor.u32 s10, v28;
	v61 =	vmul.f32 v38, v17  }
0x10e: {  	v63 =	vor.u32 s31, v28;
	v21 =	vmul.f32 v56, v17  }
0x10f: {  	v39 =	vor.u32 s3, v28;
	v24 =	vmul.f32 v58, v17;
	[tilespmem:v37+s13+$0x0] =	vst.idx.msk vm0, v61  }
0x110: {  	[tilespmem:v50+s13+$0x0] =	vst.idx.msk vm0, v21;
	v40 =	vld.idx.msk [tilespmem:v36+s13+$0x0], $0xffff;
	v20 =	vmul.f32 v20, v17  }
0x111: {  	[tilespmem:v52+s13+$0x0] =	vst.idx.msk vm0, v24;
	v21 =	vld.idx.msk [tilespmem:v59+s13+$0x0], $0xffff;
	v41 =	vmul.f32 v60, v17  }
0x112: {  	v24 =	vld.idx.msk [tilespmem:v62+s13+$0x0], $0xffff;
	[tilespmem:v53+s13+$0x0] =	vst.idx.msk vm0, v20  }
0x113: {  	v42 =	vor.u32 s7, v29;
	v43 =	vld.idx.msk [tilespmem:v63+s13+$0x0], $0xffff;
	[tilespmem:v54+s13+$0x0] =	vst.idx.msk vm0, v41  }
0x114: {  	v44 =	vor.u32 s8, v29;
	v45 =	vld.idx.msk [tilespmem:v39+s13+$0x0], $0xffff  }
0x115: {  	v46 =	vor.u32 s10, v29;
	v28 =	vmul.f32 v40, v17  }
0x116: {  	v47 =	vor.u32 s31, v29;
	v21 =	vmul.f32 v21, v17  }
0x117: {  	v24 =	vmul.f32 v24, v17;
	[tilespmem:v36+s13+$0x0] =	vst.idx.msk vm0, v28;
	v48 =	vor.u32 s3, v29  }
0x118: {  	[tilespmem:v59+s13+$0x0] =	vst.idx.msk vm0, v21;
	v49 =	vld.idx.msk [tilespmem:v42+s13+$0x0], $0xffff;
	v50 =	vmul.f32 v43, v17  }
0x119: {  	[tilespmem:v62+s13+$0x0] =	vst.idx.msk vm0, v24;
	v23 =	vld.idx.msk [tilespmem:v44+s13+$0x0], $0xffff;
	v51 =	vmul.f32 v45, v17  }
0x11a: {  	v52 =	vld.idx.msk [tilespmem:v46+s13+$0x0], $0xffff;
	[tilespmem:v63+s13+$0x0] =	vst.idx.msk vm0, v50  }
0x11b: {  	v53 =	vor.u32 s7, v33;
	v54 =	vld.idx.msk [tilespmem:v47+s13+$0x0], $0xffff;
	[tilespmem:v39+s13+$0x0] =	vst.idx.msk vm0, v51  }
0x11c: {  	v55 =	vor.u32 s8, v33;
	v26 =	vld.idx.msk [tilespmem:v48+s13+$0x0], $0xffff  }
0x11d: {  	v56 =	vor.u32 s10, v33;
	v29 =	vmul.f32 v49, v17  }
0x11e: {  	v23 =	vmul.f32 v23, v17;
	v57 =	vor.u32 s31, v33  }
0x11f: {  	v59 =	vor.u32 s3, v33;
	v58 =	vmul.f32 v52, v17;
	[tilespmem:v42+s13+$0x0] =	vst.idx.msk vm0, v29  }
0x120: {  	[tilespmem:v44+s13+$0x0] =	vst.idx.msk vm0, v23;
	v29 =	vld.idx.msk [tilespmem:v53+s13+$0x0], $0xffff;
	v60 =	vmul.f32 v54, v17  }
0x121: {  	[tilespmem:v46+s13+$0x0] =	vst.idx.msk vm0, v58;
	v23 =	vld.idx.msk [tilespmem:v55+s13+$0x0], $0xffff;
	v61 =	vmul.f32 v26, v17  }
0x122: {  	v62 =	vor.u32 s9, v19;
	v63 =	vld.idx.msk [tilespmem:v56+s13+$0x0], $0xffff;
	[tilespmem:v47+s13+$0x0] =	vst.idx.msk vm0, v60  }
0x123: {  	v37 =	vor.u32 s7, v19;
	v38 =	vld.idx.msk [tilespmem:v57+s13+$0x0], $0xffff;
	[tilespmem:v48+s13+$0x0] =	vst.idx.msk vm0, v61  }
0x124: {  	v40 =	vor.u32 s8, v19;
	v39 =	vmul.f32 v35, v17;
	v41 =	vld.idx.msk [tilespmem:v59+s13+$0x0], $0xffff  }
0x125: {  	v42 =	vor.u32 s10, v19;
	v29 =	vmul.f32 v29, v17  }
0x126: {  	v44 =	vor.u32 s31, v19;
	v43 =	vmul.f32 v23, v17;
	[tilespmem:v34+s13+$0x0] =	vst.idx.msk vm0, v39  }
0x127: {  	v19 =	vor.u32 s3, v19;
	[tilespmem:v53+s13+$0x0] =	vst.idx.msk vm0, v29;
	v45 =	vmul.f32 v63, v17;
	v34 =	vld.idx.msk [tilespmem:v62+s13+$0x0], $0xffff  }
0x128: {  	[tilespmem:v55+s13+$0x0] =	vst.idx.msk vm0, v43;
	v46 =	vld.idx.msk [tilespmem:v37+s13+$0x0], $0xffff;
	v47 =	vmul.f32 v38, v17  }
0x129: {  	v24 =	vld.idx.msk [tilespmem:v40+s13+$0x0], $0xffff;
	[tilespmem:v56+s13+$0x0] =	vst.idx.msk vm0, v45;
	v48 =	vmul.f32 v41, v17  }
0x12a: {  	v49 =	vor.u32 s9, v18;
	v30 =	vld.idx.msk [tilespmem:v42+s13+$0x0], $0xffff;
	[tilespmem:v57+s13+$0x0] =	vst.idx.msk vm0, v47  }
0x12b: {  	v50 =	vor.u32 s7, v18;
	v51 =	vld.idx.msk [tilespmem:v44+s13+$0x0], $0xffff;
	[tilespmem:v59+s13+$0x0] =	vst.idx.msk vm0, v48  }
0x12c: {  	v53 =	vor.u32 s8, v18;
	v52 =	vmul.f32 v34, v17;
	v54 =	vld.idx.msk [tilespmem:v19+s13+$0x0], $0xffff  }
0x12d: {  	v55 =	vor.u32 s10, v18;
	v27 =	vmul.f32 v46, v17  }
0x12e: {  	v56 =	vmul.f32 v24, v17;
	v57 =	vor.u32 s31, v18;
	[tilespmem:v62+s13+$0x0] =	vst.idx.msk vm0, v52  }
0x12f: {  	[tilespmem:v37+s13+$0x0] =	vst.idx.msk vm0, v27;
	v58 =	vmul.f32 v30, v17;
	v18 =	vor.u32 s3, v18;
	v26 =	vld.idx.msk [tilespmem:v49+s13+$0x0], $0xffff  }
0x130: {  	[tilespmem:v40+s13+$0x0] =	vst.idx.msk vm0, v56;
	v27 =	vld.idx.msk [tilespmem:v50+s13+$0x0], $0xffff;
	v59 =	vmul.f32 v51, v17  }
0x131: {  	v28 =	vld.idx.msk [tilespmem:v53+s13+$0x0], $0xffff;
	[tilespmem:v42+s13+$0x0] =	vst.idx.msk vm0, v58;
	v60 =	vmul.f32 v54, v17  }
0x132: {  	v61 =	vld.idx.msk [tilespmem:v55+s13+$0x0], $0xffff;
	[tilespmem:v44+s13+$0x0] =	vst.idx.msk vm0, v59  }
0x133: {  	v21 =	vld.idx.msk [tilespmem:v57+s13+$0x0], $0xffff;
	[tilespmem:v19+s13+$0x0] =	vst.idx.msk vm0, v60  }
0x134: {  	v19 =	vmul.f32 v26, v17;
	v22 =	vld.idx.msk [tilespmem:v18+s13+$0x0], $0xffff  }
0x135: {  	s6 =	sadd.s32 $0x1, s6;
	v62 =	vmul.f32 v27, v17  }
0x136: {  	p2 =	sne.s32 s6, $0xD;
	[tilespmem:v49+s13+$0x0] =	vst.idx.msk vm0, v19;
	v19 =	vmul.f32 v28, v17  }
.Ltmp1:
0x137: {  	[tilespmem:v50+s13+$0x0] =	vst.idx.msk vm0, v62;
	v63 =	vmul.f32 v61, v17;
	(pc) =	sbr.rel @p2 .LBB2_3-.Ltmp1, $4  }
0x138: {  	[tilespmem:v53+s13+$0x0] =	vst.idx.msk vm0, v19;
	v19 =	vmul.f32 v21, v17  }
0x139: {  	[tilespmem:v55+s13+$0x0] =	vst.idx.msk vm0, v63;
	v17 =	vmul.f32 v22, v17  }
0x13a: {  	[tilespmem:v57+s13+$0x0] =	vst.idx.msk vm0, v19  }
0x13b: {  	[tilespmem:v18+s13+$0x0] =	vst.idx.msk vm0, v17  }
0x13c: {  	s0 =	sadd.s32 s2, s19  }
0x13d: {  	s0 =	smul.u32 $0xC80, s0;
	_ =	sdelay $0x1  }
0x13e: {  	s0 =	sadd.s32 s1, s0  }
0x13f: {  	[hbm4b:s0+s5] =	stream.linear.scatter [tilespmem:s13], [sflag:$0x5], $0x6400, $0x38;
	[tilespmem:$0x1E140] =	vst v63  }
0x140: {  	s16 =	sor.u32 $0x3, s19;
	s0 =	simm.s32 @!p1 $0x8  }
0x141: {  	s3 =	smul.u32 $0x320, s16;
	_ =	swait.ge @!p1 [sflag:s0], $0x6400  }
0x142: {  	[sflag:s0] =	ssyncset.done @!p1 $0x0  }
0x143: {  	s31 =	sshra.s32 s3, $0x2;
	[sflag:s0] =	ssyncadd.s32 @!p1 $0xFFFF9C00  }
0x144: {  	[tilespmem:s23], [sflag:$0x4] =	stream.indirect.gather [spmem:s4], $0x80, s31, s12, $0xb8;
	[tilespmem:$0x1E140] =	vst v63  }
0x145: {  	s0 =	sadd.s32 $0x68, s31  }
0x146: {  	[tilespmem:s24], [sflag:$0x4] =	stream.indirect.gather [spmem:s4], $0x80, s0, s14, $0xb8;
	[tilespmem:$0x1E140] =	vst v63  }
0x147: {  	_ =	swait.ge [sflag:s25], $0x3400  }
0x148: {  	s19 =	sor.u32 $0x1, s19;
	[sflag:s25] =	ssyncset.done $0x0  }
0x149: {  	v16 =	vmov s19;
	[sflag:s25] =	ssyncadd.s32 $0xFFFFCC00  }
0x14a: {  	v16 =	vmul.u32 $0xC8, v16;
	_ =	swait.ge [sflag:s25], $0x3000  }
0x14b: {  	[sflag:s25] =	ssyncset.done $0x0  }
0x14c: {  	s6 =	simm.s32 $0x0;
	s7 =	simm.s32 $0x0;
	v16 =	vbroadcast v16, $0x0;
	[sflag:s25] =	ssyncadd.s32 $0xFFFFD000  }
.LBB2_7:
0x14d: {  	s0 =	sshll.u32 s7, $0x4  }
0x14e: {  	v17 =	vor.u32 s0, v0  }
0x14f: {  	v17 =	vmin.u32 v17, $0xC7  }
0x150: {  	v18 =	vand.u32 $0xF8, v17  }
0x151: {  	v19 =	vand.u32 $0x7, v17;
	v20 =	vadd.s32 v16, v18;
	v18 =	vshll.u32 v17, $0x7  }
0x152: {  	v17 =	vor.u32 v19, v20;
	v20 =	vor.u32 v0, v18  }
0x153: {  	v19 =	vor.u32 s6, v20;
	_ =	sdelay $0x3  }
0x154: {  	s0 =	ssub.s32 $0xC8, s0;
	v17 =	vld.idx.msk [tilespmem:v17+s11+$0x0], $0xffff  }
0x155: {  	v21 =	vmov s0;
	v22 =	vld.idx.msk [tilespmem:v19+s17+$0x0], $0xffff  }
0x156: {  	vm0 =	vgt.u32 v21, v0  }
0x157: {  	v21 =	vor.u32 v1, v18  }
0x158: {  	v23 =	vor.u32 s6, v21;
	_ =	sdelay $0x1  }
0x159: {  	v22 =	vmul.f32 v22, v17;
	_ =	sdelay $0x1  }
0x15a: {  	[tilespmem:v19+s17+$0x0] =	vst.idx.msk vm0, v22  }
0x15b: {  	v19 =	vld.idx.msk [tilespmem:v23+s17+$0x0], $0xffff;
	_ =	sdelay $0x1  }
0x15c: {  	v22 =	vor.u32 v2, v18  }
0x15d: {  	v25 =	vor.u32 s6, v22;
	_ =	sdelay $0x1  }
0x15e: {  	v19 =	vmul.f32 v19, v17;
	_ =	sdelay $0x1  }
0x15f: {  	[tilespmem:v23+s17+$0x0] =	vst.idx.msk vm0, v19  }
0x160: {  	s8 =	simm.s32 $0x10;
	v19 =	vld.idx.msk [tilespmem:v25+s17+$0x0], $0xffff  }
0x161: {  	v26 =	vor.u32 s8, v20  }
0x162: {  	v24 =	vor.u32 v3, v18  }
0x163: {  	v27 =	vor.u32 s6, v24;
	_ =	sdelay $0x1  }
0x164: {  	v19 =	vmul.f32 v19, v17  }
0x165: {  	v28 =	vld.idx.msk [tilespmem:v26+s17+$0x0], $0xffff  }
0x166: {  	[tilespmem:v25+s17+$0x0] =	vst.idx.msk vm0, v19  }
0x167: {  	v19 =	vld.idx.msk [tilespmem:v27+s17+$0x0], $0xffff  }
0x168: {  	v29 =	vor.u32 s8, v21  }
0x169: {  	v23 =	vor.u32 v4, v18  }
0x16a: {  	v30 =	vor.u32 s6, v23;
	v25 =	vmul.f32 v28, v17;
	_ =	sdelay $0x1  }
0x16b: {  	[tilespmem:v26+s17+$0x0] =	vst.idx.msk vm0, v25;
	v19 =	vmul.f32 v19, v17  }
0x16c: {  	v26 =	vld.idx.msk [tilespmem:v29+s17+$0x0], $0xffff  }
0x16d: {  	[tilespmem:v27+s17+$0x0] =	vst.idx.msk vm0, v19  }
0x16e: {  	v19 =	vld.idx.msk [tilespmem:v30+s17+$0x0], $0xffff  }
0x16f: {  	v27 =	vor.u32 s8, v22  }
0x170: {  	v25 =	vor.u32 v5, v18  }
0x171: {  	v28 =	vor.u32 s6, v25;
	v26 =	vmul.f32 v26, v17;
	_ =	sdelay $0x1  }
0x172: {  	[tilespmem:v29+s17+$0x0] =	vst.idx.msk vm0, v26;
	v19 =	vmul.f32 v19, v17  }
0x173: {  	s10 =	simm.s32 $0x20;
	v26 =	vld.idx.msk [tilespmem:v27+s17+$0x0], $0xffff  }
0x174: {  	[tilespmem:v30+s17+$0x0] =	vst.idx.msk vm0, v19;
	v19 =	vor.u32 s10, v20  }
0x175: {  	v29 =	vld.idx.msk [tilespmem:v28+s17+$0x0], $0xffff  }
0x176: {  	v31 =	vor.u32 s8, v24  }
0x177: {  	v30 =	vor.u32 v7, v18  }
0x178: {  	v32 =	vor.u32 s6, v30;
	v26 =	vmul.f32 v26, v17  }
0x179: {  	v33 =	vld.idx.msk [tilespmem:v19+s17+$0x0], $0xffff  }
0x17a: {  	[tilespmem:v27+s17+$0x0] =	vst.idx.msk vm0, v26;
	v29 =	vmul.f32 v29, v17  }
0x17b: {  	v27 =	vld.idx.msk [tilespmem:v31+s17+$0x0], $0xffff  }
0x17c: {  	[tilespmem:v28+s17+$0x0] =	vst.idx.msk vm0, v29;
	v28 =	vor.u32 s10, v21  }
0x17d: {  	v29 =	vld.idx.msk [tilespmem:v32+s17+$0x0], $0xffff  }
0x17e: {  	v34 =	vor.u32 s8, v23;
	v33 =	vmul.f32 v33, v17  }
0x17f: {  	v26 =	vor.u32 v8, v18  }
0x180: {  	v35 =	vor.u32 s6, v26;
	[tilespmem:v19+s17+$0x0] =	vst.idx.msk vm0, v33;
	v19 =	vmul.f32 v27, v17  }
0x181: {  	v27 =	vld.idx.msk [tilespmem:v28+s17+$0x0], $0xffff  }
0x182: {  	v29 =	vmul.f32 v29, v17;
	[tilespmem:v31+s17+$0x0] =	vst.idx.msk vm0, v19  }
0x183: {  	v19 =	vld.idx.msk [tilespmem:v34+s17+$0x0], $0xffff  }
0x184: {  	[tilespmem:v32+s17+$0x0] =	vst.idx.msk vm0, v29;
	v29 =	vor.u32 s10, v22  }
0x185: {  	v32 =	vld.idx.msk [tilespmem:v35+s17+$0x0], $0xffff  }
0x186: {  	v61 =	vor.u32 s8, v25;
	v27 =	vmul.f32 v27, v17  }
0x187: {  	v31 =	vor.u32 v6, v18  }
0x188: {  	v36 =	vor.u32 s6, v31;
	[tilespmem:v28+s17+$0x0] =	vst.idx.msk vm0, v27;
	v19 =	vmul.f32 v19, v17  }
0x189: {  	s31 =	simm.s32 $0x30;
	v28 =	vld.idx.msk [tilespmem:v29+s17+$0x0], $0xffff  }
0x18a: {  	v62 =	vor.u32 s31, v20;
	v27 =	vmul.f32 v32, v17;
	[tilespmem:v34+s17+$0x0] =	vst.idx.msk vm0, v19  }
0x18b: {  	v19 =	vld.idx.msk [tilespmem:v61+s17+$0x0], $0xffff  }
0x18c: {  	v63 =	vor.u32 s10, v24;
	[tilespmem:v35+s17+$0x0] =	vst.idx.msk vm0, v27  }
0x18d: {  	v35 =	vld.idx.msk [tilespmem:v36+s17+$0x0], $0xffff  }
0x18e: {  	v37 =	vor.u32 s8, v30;
	v28 =	vmul.f32 v28, v17  }
0x18f: {  	v38 =	vld.idx.msk [tilespmem:v62+s17+$0x0], $0xffff;
	v27 =	vor.u32 v9, v18  }
0x190: {  	v39 =	vor.u32 s6, v27;
	[tilespmem:v29+s17+$0x0] =	vst.idx.msk vm0, v28;
	v19 =	vmul.f32 v19, v17  }
0x191: {  	v28 =	vld.idx.msk [tilespmem:v63+s17+$0x0], $0xffff  }
0x192: {  	v44 =	vor.u32 s31, v21;
	v29 =	vmul.f32 v35, v17;
	[tilespmem:v61+s17+$0x0] =	vst.idx.msk vm0, v19  }
0x193: {  	v19 =	vld.idx.msk [tilespmem:v37+s17+$0x0], $0xffff  }
0x194: {  	v45 =	vor.u32 s10, v23;
	[tilespmem:v36+s17+$0x0] =	vst.idx.msk vm0, v29;
	v29 =	vmul.f32 v38, v17  }
0x195: {  	v36 =	vld.idx.msk [tilespmem:v39+s17+$0x0], $0xffff  }
0x196: {  	[tilespmem:v62+s17+$0x0] =	vst.idx.msk vm0, v29;
	v28 =	vmul.f32 v28, v17;
	v29 =	vor.u32 s8, v26  }
0x197: {  	v32 =	vor.u32 v10, v18;
	v46 =	vld.idx.msk [tilespmem:v44+s17+$0x0], $0xffff  }
0x198: {  	v40 =	vor.u32 s6, v32;
	[tilespmem:v63+s17+$0x0] =	vst.idx.msk vm0, v28;
	v19 =	vmul.f32 v19, v17  }
0x199: {  	v34 =	vld.idx.msk [tilespmem:v45+s17+$0x0], $0xffff  }
0x19a: {  	v47 =	vor.u32 s31, v22;
	v28 =	vmul.f32 v36, v17;
	[tilespmem:v37+s17+$0x0] =	vst.idx.msk vm0, v19  }
0x19b: {  	v19 =	vld.idx.msk [tilespmem:v29+s17+$0x0], $0xffff  }
0x19c: {  	v48 =	vor.u32 s10, v25;
	[tilespmem:v39+s17+$0x0] =	vst.idx.msk vm0, v28;
	v28 =	vmul.f32 v46, v17  }
0x19d: {  	v49 =	vld.idx.msk [tilespmem:v40+s17+$0x0], $0xffff  }
0x19e: {  	v50 =	vor.u32 s8, v31;
	[tilespmem:v44+s17+$0x0] =	vst.idx.msk vm0, v28;
	v34 =	vmul.f32 v34, v17  }
0x19f: {  	v28 =	vor.u32 v11, v18;
	v51 =	vld.idx.msk [tilespmem:v47+s17+$0x0], $0xffff  }
0x1a0: {  	s3 =	simm.s32 $0x40;
	v41 =	vor.u32 s6, v28;
	[tilespmem:v45+s17+$0x0] =	vst.idx.msk vm0, v34;
	v19 =	vmul.f32 v19, v17  }
0x1a1: {  	v52 =	vor.u32 s3, v20;
	v34 =	vld.idx.msk [tilespmem:v48+s17+$0x0], $0xffff  }
0x1a2: {  	v42 =	vor.u32 s31, v24;
	v38 =	vmul.f32 v49, v17;
	[tilespmem:v29+s17+$0x0] =	vst.idx.msk vm0, v19  }
0x1a3: {  	v19 =	vld.idx.msk [tilespmem:v50+s17+$0x0], $0xffff  }
0x1a4: {  	v53 =	vor.u32 s10, v30;
	[tilespmem:v40+s17+$0x0] =	vst.idx.msk vm0, v38;
	v29 =	vmul.f32 v51, v17  }
0x1a5: {  	v54 =	vld.idx.msk [tilespmem:v41+s17+$0x0], $0xffff  }
0x1a6: {  	v55 =	vld.idx.msk [tilespmem:v52+s17+$0x0], $0xffff;
	v56 =	vor.u32 s8, v27;
	[tilespmem:v47+s17+$0x0] =	vst.idx.msk vm0, v29;
	v34 =	vmul.f32 v34, v17  }
0x1a7: {  	v29 =	vor.u32 v12, v18;
	v43 =	vld.idx.msk [tilespmem:v42+s17+$0x0], $0xffff  }
0x1a8: {  	v44 =	vor.u32 s6, v29;
	[tilespmem:v48+s17+$0x0] =	vst.idx.msk vm0, v34;
	v19 =	vmul.f32 v19, v17  }
0x1a9: {  	v45 =	vor.u32 s3, v21;
	v34 =	vld.idx.msk [tilespmem:v53+s17+$0x0], $0xffff  }
0x1aa: {  	v47 =	vor.u32 s31, v23;
	v57 =	vmul.f32 v54, v17;
	[tilespmem:v50+s17+$0x0] =	vst.idx.msk vm0, v19  }
0x1ab: {  	v19 =	vmul.f32 v55, v17;
	v35 =	vld.idx.msk [tilespmem:v56+s17+$0x0], $0xffff  }
0x1ac: {  	v39 =	vor.u32 s10, v26;
	[tilespmem:v41+s17+$0x0] =	vst.idx.msk vm0, v57;
	v58 =	vmul.f32 v43, v17  }
0x1ad: {  	[tilespmem:v52+s17+$0x0] =	vst.idx.msk vm0, v19;
	v19 =	vld.idx.msk [tilespmem:v44+s17+$0x0], $0xffff  }
0x1ae: {  	v37 =	vor.u32 s8, v32;
	v59 =	vld.idx.msk [tilespmem:v45+s17+$0x0], $0xffff;
	[tilespmem:v42+s17+$0x0] =	vst.idx.msk vm0, v58;
	v60 =	vmul.f32 v34, v17  }
0x1af: {  	v33 =	vor.u32 v13, v18;
	v61 =	vld.idx.msk [tilespmem:v47+s17+$0x0], $0xffff  }
0x1b0: {  	v34 =	vor.u32 s6, v33;
	[tilespmem:v53+s17+$0x0] =	vst.idx.msk vm0, v60;
	v35 =	vmul.f32 v35, v17  }
0x1b1: {  	v42 =	vor.u32 s3, v22;
	v48 =	vld.idx.msk [tilespmem:v39+s17+$0x0], $0xffff  }
0x1b2: {  	v41 =	vor.u32 s31, v25;
	v19 =	vmul.f32 v19, v17;
	[tilespmem:v56+s17+$0x0] =	vst.idx.msk vm0, v35  }
0x1b3: {  	v62 =	vmul.f32 v59, v17;
	v38 =	vld.idx.msk [tilespmem:v37+s17+$0x0], $0xffff  }
0x1b4: {  	v40 =	vor.u32 s10, v31;
	[tilespmem:v44+s17+$0x0] =	vst.idx.msk vm0, v19;
	v63 =	vmul.f32 v61, v17  }
0x1b5: {  	[tilespmem:v45+s17+$0x0] =	vst.idx.msk vm0, v62;
	v35 =	vld.idx.msk [tilespmem:v34+s17+$0x0], $0xffff  }
0x1b6: {  	s9 =	simm.s32 $0x50;
	v36 =	vor.u32 s8, v28;
	v46 =	vld.idx.msk [tilespmem:v42+s17+$0x0], $0xffff;
	[tilespmem:v47+s17+$0x0] =	vst.idx.msk vm0, v63;
	v43 =	vmul.f32 v48, v17  }
0x1b7: {  	s21 =	simm.s32 $0x60;
	s0 =	simm.s32 $0x0;
	v19 =	vor.u32 v14, v18;
	v18 =	vor.u32 v15, v18;
	v44 =	vor.u32 s9, v20;
	v45 =	vld.idx.msk [tilespmem:v41+s17+$0x0], $0xffff  }
.LBB2_8:
0x1b8: {  	p1 =	sne.s32 s21, $0x70;
	[tilespmem:v39+s17+$0x0] =	vst.idx.msk vm0, v43;
	v38 =	vmul.f32 v38, v17;
	v43 =	vor.u32 s0, v19  }
0x1b9: {  	v47 =	vor.u32 s3, v24;
	v39 =	vld.idx.msk [tilespmem:v40+s17+$0x0], $0xffff  }
0x1ba: {  	v35 =	vmul.f32 v35, v17;
	[tilespmem:v37+s17+$0x0] =	vst.idx.msk vm0, v38  }
0x1bb: {  	v37 =	vmul.f32 v46, v17;
	v38 =	vor.u32 s31, v30;
	v46 =	vld.idx.msk [tilespmem:v36+s17+$0x0], $0xffff  }
0x1bc: {  	v48 =	vld.idx.msk [tilespmem:v44+s17+$0x0], $0xffff;
	[tilespmem:v34+s17+$0x0] =	vst.idx.msk vm0, v35  }
0x1bd: {  	v34 =	vmul.f32 v45, v17;
	v35 =	vor.u32 s10, v27;
	[tilespmem:v42+s17+$0x0] =	vst.idx.msk vm0, v37;
	v37 =	vld.idx.msk [tilespmem:v43+s17+$0x0], $0xffff  }
0x1be: {  	v42 =	vld.idx.msk [tilespmem:v47+s17+$0x0], $0xffff  }
0x1bf: {  	v45 =	vor.u32 s8, v29;
	[tilespmem:v41+s17+$0x0] =	vst.idx.msk vm0, v34;
	v34 =	vmul.f32 v39, v17  }
0x1c0: {  	v49 =	vor.u32 s9, v21;
	v41 =	vld.idx.msk [tilespmem:v38+s17+$0x0], $0xffff  }
0x1c1: {  	v50 =	vor.u32 s0, v18;
	s0 =	smov.u32 s8;
	s8 =	smov.u32 s10;
	s10 =	smov.u32 s31;
	[tilespmem:v40+s17+$0x0] =	vst.idx.msk vm0, v34;
	v34 =	vmul.f32 v46, v17  }
0x1c2: {  	s31 =	smov.u32 s3;
	v39 =	vmul.f32 v48, v17;
	v48 =	vor.u32 s3, v23;
	s3 =	smov.u32 s9;
	s9 =	smov.u32 s21;
	v40 =	vld.idx.msk [tilespmem:v35+s17+$0x0], $0xffff  }
0x1c3: {  	[tilespmem:v36+s17+$0x0] =	vst.idx.msk vm0, v34;
	v34 =	vmul.f32 v37, v17  }
0x1c4: {  	v36 =	vmul.f32 v42, v17;
	[tilespmem:v44+s17+$0x0] =	vst.idx.msk vm0, v39;
	v39 =	vor.u32 s10, v26;
	v44 =	vld.idx.msk [tilespmem:v45+s17+$0x0], $0xffff  }
0x1c5: {  	v46 =	vld.idx.msk [tilespmem:v49+s17+$0x0], $0xffff;
	[tilespmem:v43+s17+$0x0] =	vst.idx.msk vm0, v34  }
0x1c6: {  	v37 =	vor.u32 s8, v32;
	v34 =	vmul.f32 v41, v17;
	[tilespmem:v47+s17+$0x0] =	vst.idx.msk vm0, v36;
	v36 =	vld.idx.msk [tilespmem:v50+s17+$0x0], $0xffff  }
0x1c7: {  	v43 =	vld.idx.msk [tilespmem:v48+s17+$0x0], $0xffff  }
0x1c8: {  	[tilespmem:v38+s17+$0x0] =	vst.idx.msk vm0, v34;
	v38 =	vmul.f32 v40, v17;
	v34 =	vor.u32 s0, v33  }
0x1c9: {  	v42 =	vor.u32 s3, v22;
	v47 =	vld.idx.msk [tilespmem:v39+s17+$0x0], $0xffff  }
0x1ca: {  	[tilespmem:v35+s17+$0x0] =	vst.idx.msk vm0, v38;
	v35 =	vmul.f32 v44, v17  }
0x1cb: {  	v41 =	vor.u32 s31, v25;
	v40 =	vmul.f32 v46, v17;
	v38 =	vld.idx.msk [tilespmem:v37+s17+$0x0], $0xffff  }
.Ltmp2:
0x1cc: {  	v36 =	vmul.f32 v36, v17;
	[tilespmem:v45+s17+$0x0] =	vst.idx.msk vm0, v35;
	(pc) =	sbr.rel @p1 .LBB2_8-.Ltmp2, $4  }
0x1cd: {  	v43 =	vmul.f32 v43, v17;
	[tilespmem:v49+s17+$0x0] =	vst.idx.msk vm0, v40;
	v40 =	vor.u32 s10, v31;
	v35 =	vld.idx.msk [tilespmem:v34+s17+$0x0], $0xffff  }
0x1ce: {  	v46 =	vld.idx.msk [tilespmem:v42+s17+$0x0], $0xffff;
	[tilespmem:v50+s17+$0x0] =	vst.idx.msk vm0, v36  }
0x1cf: {  	v36 =	vor.u32 s8, v28;
	[tilespmem:v48+s17+$0x0] =	vst.idx.msk vm0, v43;
	v43 =	vmul.f32 v47, v17  }
0x1d0: {  	s21 =	sadd.s32 $0x10, s21;
	v44 =	vor.u32 s9, v20;
	v45 =	vld.idx.msk [tilespmem:v41+s17+$0x0], $0xffff  }
0x1d1: {  	_ =	sdelay $0x3  }
0x1d2: {  	v20 =	vld.idx.msk [tilespmem:v44+s17+$0x0], $0xffff;
	_ =	sdelay $0x2  }
0x1d3: {  	v21 =	vor.u32 s9, v21;
	_ =	sdelay $0x1  }
0x1d4: {  	v20 =	vmul.f32 v20, v17;
	_ =	sdelay $0x1  }
0x1d5: {  	[tilespmem:v44+s17+$0x0] =	vst.idx.msk vm0, v20  }
0x1d6: {  	v20 =	vld.idx.msk [tilespmem:v21+s17+$0x0], $0xffff;
	_ =	sdelay $0x2  }
0x1d7: {  	v22 =	vor.u32 s9, v22;
	_ =	sdelay $0x1  }
0x1d8: {  	v20 =	vmul.f32 v20, v17;
	_ =	sdelay $0x1  }
0x1d9: {  	[tilespmem:v21+s17+$0x0] =	vst.idx.msk vm0, v20  }
0x1da: {  	v20 =	vld.idx.msk [tilespmem:v22+s17+$0x0], $0xffff;
	_ =	sdelay $0x1  }
0x1db: {  	v48 =	vor.u32 s3, v24  }
0x1dc: {  	v49 =	vor.u32 s9, v24  }
0x1dd: {  	v50 =	vmul.f32 v46, v17  }
0x1de: {  	v20 =	vmul.f32 v20, v17  }
0x1df: {  	[tilespmem:v42+s17+$0x0] =	vst.idx.msk vm0, v50  }
0x1e0: {  	v42 =	vld.idx.msk [tilespmem:v48+s17+$0x0], $0xffff;
	[tilespmem:v22+s17+$0x0] =	vst.idx.msk vm0, v20  }
0x1e1: {  	v20 =	vld.idx.msk [tilespmem:v49+s17+$0x0], $0xffff;
	_ =	sdelay $0x1  }
0x1e2: {  	v51 =	vor.u32 s3, v23  }
0x1e3: {  	v52 =	vor.u32 s9, v23  }
0x1e4: {  	v42 =	vmul.f32 v42, v17  }
0x1e5: {  	v20 =	vmul.f32 v20, v17  }
0x1e6: {  	[tilespmem:v48+s17+$0x0] =	vst.idx.msk vm0, v42  }
0x1e7: {  	v21 =	vld.idx.msk [tilespmem:v51+s17+$0x0], $0xffff;
	[tilespmem:v49+s17+$0x0] =	vst.idx.msk vm0, v20  }
0x1e8: {  	v20 =	vld.idx.msk [tilespmem:v52+s17+$0x0], $0xffff;
	_ =	sdelay $0x1  }
0x1e9: {  	v53 =	vor.u32 s3, v25  }
0x1ea: {  	v54 =	vor.u32 s9, v25  }
0x1eb: {  	v21 =	vmul.f32 v21, v17  }
0x1ec: {  	v20 =	vmul.f32 v20, v17  }
0x1ed: {  	[tilespmem:v51+s17+$0x0] =	vst.idx.msk vm0, v21  }
0x1ee: {  	v21 =	vld.idx.msk [tilespmem:v53+s17+$0x0], $0xffff;
	[tilespmem:v52+s17+$0x0] =	vst.idx.msk vm0, v20  }
0x1ef: {  	v20 =	vld.idx.msk [tilespmem:v54+s17+$0x0], $0xffff  }
0x1f0: {  	v55 =	vor.u32 s31, v30  }
0x1f1: {  	v56 =	vor.u32 s3, v30  }
0x1f2: {  	v58 =	vor.u32 s9, v30;
	v57 =	vmul.f32 v45, v17  }
0x1f3: {  	v21 =	vmul.f32 v21, v17  }
0x1f4: {  	[tilespmem:v41+s17+$0x0] =	vst.idx.msk vm0, v57;
	v20 =	vmul.f32 v20, v17  }
0x1f5: {  	v41 =	vld.idx.msk [tilespmem:v55+s17+$0x0], $0xffff;
	[tilespmem:v53+s17+$0x0] =	vst.idx.msk vm0, v21  }
0x1f6: {  	v21 =	vld.idx.msk [tilespmem:v56+s17+$0x0], $0xffff;
	[tilespmem:v54+s17+$0x0] =	vst.idx.msk vm0, v20  }
0x1f7: {  	v20 =	vld.idx.msk [tilespmem:v58+s17+$0x0], $0xffff  }
0x1f8: {  	v59 =	vor.u32 s31, v26  }
0x1f9: {  	v60 =	vor.u32 s3, v26  }
0x1fa: {  	v61 =	vor.u32 s9, v26;
	v41 =	vmul.f32 v41, v17  }
0x1fb: {  	v21 =	vmul.f32 v21, v17  }
0x1fc: {  	[tilespmem:v55+s17+$0x0] =	vst.idx.msk vm0, v41;
	v20 =	vmul.f32 v20, v17  }
0x1fd: {  	v22 =	vld.idx.msk [tilespmem:v59+s17+$0x0], $0xffff;
	[tilespmem:v56+s17+$0x0] =	vst.idx.msk vm0, v21  }
0x1fe: {  	v21 =	vld.idx.msk [tilespmem:v60+s17+$0x0], $0xffff;
	[tilespmem:v58+s17+$0x0] =	vst.idx.msk vm0, v20  }
0x1ff: {  	v20 =	vld.idx.msk [tilespmem:v61+s17+$0x0], $0xffff  }
0x200: {  	v62 =	vor.u32 s31, v31  }
0x201: {  	v63 =	vor.u32 s3, v31  }
0x202: {  	v42 =	vor.u32 s9, v31;
	v22 =	vmul.f32 v22, v17  }
0x203: {  	[tilespmem:v39+s17+$0x0] =	vst.idx.msk vm0, v43;
	v21 =	vmul.f32 v21, v17  }
0x204: {  	v39 =	vld.idx.msk [tilespmem:v40+s17+$0x0], $0xffff;
	[tilespmem:v59+s17+$0x0] =	vst.idx.msk vm0, v22;
	v20 =	vmul.f32 v20, v17  }
0x205: {  	v22 =	vld.idx.msk [tilespmem:v62+s17+$0x0], $0xffff;
	[tilespmem:v60+s17+$0x0] =	vst.idx.msk vm0, v21  }
0x206: {  	v21 =	vld.idx.msk [tilespmem:v63+s17+$0x0], $0xffff;
	[tilespmem:v61+s17+$0x0] =	vst.idx.msk vm0, v20  }
0x207: {  	v43 =	vor.u32 s10, v27;
	v44 =	vld.idx.msk [tilespmem:v42+s17+$0x0], $0xffff  }
0x208: {  	v45 =	vor.u32 s31, v27  }
0x209: {  	v47 =	vor.u32 s3, v27;
	v46 =	vmul.f32 v39, v17  }
0x20a: {  	v48 =	vor.u32 s9, v27;
	v22 =	vmul.f32 v22, v17  }
0x20b: {  	[tilespmem:v40+s17+$0x0] =	vst.idx.msk vm0, v46;
	v21 =	vmul.f32 v21, v17  }
0x20c: {  	v26 =	vld.idx.msk [tilespmem:v43+s17+$0x0], $0xffff;
	[tilespmem:v62+s17+$0x0] =	vst.idx.msk vm0, v22;
	v49 =	vmul.f32 v44, v17  }
0x20d: {  	v23 =	vld.idx.msk [tilespmem:v45+s17+$0x0], $0xffff;
	[tilespmem:v63+s17+$0x0] =	vst.idx.msk vm0, v21  }
0x20e: {  	v21 =	vld.idx.msk [tilespmem:v47+s17+$0x0], $0xffff;
	[tilespmem:v42+s17+$0x0] =	vst.idx.msk vm0, v49  }
0x20f: {  	v50 =	vor.u32 s10, v32;
	v51 =	vld.idx.msk [tilespmem:v48+s17+$0x0], $0xffff  }
0x210: {  	v52 =	vor.u32 s31, v32  }
0x211: {  	v26 =	vmul.f32 v26, v17;
	v53 =	vor.u32 s3, v32  }
0x212: {  	v23 =	vmul.f32 v23, v17;
	v54 =	vor.u32 s9, v32  }
0x213: {  	[tilespmem:v43+s17+$0x0] =	vst.idx.msk vm0, v26;
	v55 =	vmul.f32 v21, v17  }
0x214: {  	v56 =	vld.idx.msk [tilespmem:v50+s17+$0x0], $0xffff;
	[tilespmem:v45+s17+$0x0] =	vst.idx.msk vm0, v23;
	v57 =	vmul.f32 v51, v17  }
0x215: {  	v58 =	vld.idx.msk [tilespmem:v52+s17+$0x0], $0xffff;
	[tilespmem:v47+s17+$0x0] =	vst.idx.msk vm0, v55  }
0x216: {  	v20 =	vld.idx.msk [tilespmem:v53+s17+$0x0], $0xffff;
	[tilespmem:v48+s17+$0x0] =	vst.idx.msk vm0, v57  }
0x217: {  	v59 =	vor.u32 s10, v28;
	v60 =	vld.idx.msk [tilespmem:v54+s17+$0x0], $0xffff  }
0x218: {  	v62 =	vor.u32 s31, v28;
	v61 =	vmul.f32 v38, v17  }
0x219: {  	v63 =	vor.u32 s3, v28;
	v21 =	vmul.f32 v56, v17  }
0x21a: {  	v39 =	vor.u32 s9, v28;
	v24 =	vmul.f32 v58, v17;
	[tilespmem:v37+s17+$0x0] =	vst.idx.msk vm0, v61  }
0x21b: {  	[tilespmem:v50+s17+$0x0] =	vst.idx.msk vm0, v21;
	v40 =	vld.idx.msk [tilespmem:v36+s17+$0x0], $0xffff;
	v20 =	vmul.f32 v20, v17  }
0x21c: {  	[tilespmem:v52+s17+$0x0] =	vst.idx.msk vm0, v24;
	v21 =	vld.idx.msk [tilespmem:v59+s17+$0x0], $0xffff;
	v41 =	vmul.f32 v60, v17  }
0x21d: {  	v24 =	vld.idx.msk [tilespmem:v62+s17+$0x0], $0xffff;
	[tilespmem:v53+s17+$0x0] =	vst.idx.msk vm0, v20  }
0x21e: {  	v42 =	vor.u32 s8, v29;
	v43 =	vld.idx.msk [tilespmem:v63+s17+$0x0], $0xffff;
	[tilespmem:v54+s17+$0x0] =	vst.idx.msk vm0, v41  }
0x21f: {  	v44 =	vor.u32 s10, v29;
	v45 =	vld.idx.msk [tilespmem:v39+s17+$0x0], $0xffff  }
0x220: {  	v46 =	vor.u32 s31, v29;
	v28 =	vmul.f32 v40, v17  }
0x221: {  	v47 =	vor.u32 s3, v29;
	v21 =	vmul.f32 v21, v17  }
0x222: {  	v24 =	vmul.f32 v24, v17;
	[tilespmem:v36+s17+$0x0] =	vst.idx.msk vm0, v28;
	v48 =	vor.u32 s9, v29  }
0x223: {  	[tilespmem:v59+s17+$0x0] =	vst.idx.msk vm0, v21;
	v49 =	vld.idx.msk [tilespmem:v42+s17+$0x0], $0xffff;
	v50 =	vmul.f32 v43, v17  }
0x224: {  	[tilespmem:v62+s17+$0x0] =	vst.idx.msk vm0, v24;
	v23 =	vld.idx.msk [tilespmem:v44+s17+$0x0], $0xffff;
	v51 =	vmul.f32 v45, v17  }
0x225: {  	v52 =	vld.idx.msk [tilespmem:v46+s17+$0x0], $0xffff;
	[tilespmem:v63+s17+$0x0] =	vst.idx.msk vm0, v50  }
0x226: {  	v53 =	vor.u32 s8, v33;
	v54 =	vld.idx.msk [tilespmem:v47+s17+$0x0], $0xffff;
	[tilespmem:v39+s17+$0x0] =	vst.idx.msk vm0, v51  }
0x227: {  	v55 =	vor.u32 s10, v33;
	v26 =	vld.idx.msk [tilespmem:v48+s17+$0x0], $0xffff  }
0x228: {  	v56 =	vor.u32 s31, v33;
	v29 =	vmul.f32 v49, v17  }
0x229: {  	v23 =	vmul.f32 v23, v17;
	v57 =	vor.u32 s3, v33  }
0x22a: {  	v59 =	vor.u32 s9, v33;
	v58 =	vmul.f32 v52, v17;
	[tilespmem:v42+s17+$0x0] =	vst.idx.msk vm0, v29  }
0x22b: {  	[tilespmem:v44+s17+$0x0] =	vst.idx.msk vm0, v23;
	v29 =	vld.idx.msk [tilespmem:v53+s17+$0x0], $0xffff;
	v60 =	vmul.f32 v54, v17  }
0x22c: {  	[tilespmem:v46+s17+$0x0] =	vst.idx.msk vm0, v58;
	v23 =	vld.idx.msk [tilespmem:v55+s17+$0x0], $0xffff;
	v61 =	vmul.f32 v26, v17  }
0x22d: {  	v62 =	vor.u32 s0, v19;
	v63 =	vld.idx.msk [tilespmem:v56+s17+$0x0], $0xffff;
	[tilespmem:v47+s17+$0x0] =	vst.idx.msk vm0, v60  }
0x22e: {  	v37 =	vor.u32 s8, v19;
	v38 =	vld.idx.msk [tilespmem:v57+s17+$0x0], $0xffff;
	[tilespmem:v48+s17+$0x0] =	vst.idx.msk vm0, v61  }
0x22f: {  	v40 =	vor.u32 s10, v19;
	v39 =	vmul.f32 v35, v17;
	v41 =	vld.idx.msk [tilespmem:v59+s17+$0x0], $0xffff  }
0x230: {  	v42 =	vor.u32 s31, v19;
	v29 =	vmul.f32 v29, v17  }
0x231: {  	v44 =	vor.u32 s3, v19;
	v43 =	vmul.f32 v23, v17;
	[tilespmem:v34+s17+$0x0] =	vst.idx.msk vm0, v39  }
0x232: {  	v19 =	vor.u32 s9, v19;
	[tilespmem:v53+s17+$0x0] =	vst.idx.msk vm0, v29;
	v45 =	vmul.f32 v63, v17;
	v34 =	vld.idx.msk [tilespmem:v62+s17+$0x0], $0xffff  }
0x233: {  	[tilespmem:v55+s17+$0x0] =	vst.idx.msk vm0, v43;
	v46 =	vld.idx.msk [tilespmem:v37+s17+$0x0], $0xffff;
	v47 =	vmul.f32 v38, v17  }
0x234: {  	v24 =	vld.idx.msk [tilespmem:v40+s17+$0x0], $0xffff;
	[tilespmem:v56+s17+$0x0] =	vst.idx.msk vm0, v45;
	v48 =	vmul.f32 v41, v17  }
0x235: {  	v49 =	vor.u32 s0, v18;
	v30 =	vld.idx.msk [tilespmem:v42+s17+$0x0], $0xffff;
	[tilespmem:v57+s17+$0x0] =	vst.idx.msk vm0, v47  }
0x236: {  	v50 =	vor.u32 s8, v18;
	v51 =	vld.idx.msk [tilespmem:v44+s17+$0x0], $0xffff;
	[tilespmem:v59+s17+$0x0] =	vst.idx.msk vm0, v48  }
0x237: {  	v53 =	vor.u32 s10, v18;
	v52 =	vmul.f32 v34, v17;
	v54 =	vld.idx.msk [tilespmem:v19+s17+$0x0], $0xffff  }
0x238: {  	v55 =	vor.u32 s31, v18;
	v27 =	vmul.f32 v46, v17  }
0x239: {  	v56 =	vmul.f32 v24, v17;
	v57 =	vor.u32 s3, v18;
	[tilespmem:v62+s17+$0x0] =	vst.idx.msk vm0, v52  }
0x23a: {  	[tilespmem:v37+s17+$0x0] =	vst.idx.msk vm0, v27;
	v58 =	vmul.f32 v30, v17;
	v18 =	vor.u32 s9, v18;
	v26 =	vld.idx.msk [tilespmem:v49+s17+$0x0], $0xffff  }
0x23b: {  	[tilespmem:v40+s17+$0x0] =	vst.idx.msk vm0, v56;
	v27 =	vld.idx.msk [tilespmem:v50+s17+$0x0], $0xffff;
	v59 =	vmul.f32 v51, v17  }
0x23c: {  	v28 =	vld.idx.msk [tilespmem:v53+s17+$0x0], $0xffff;
	[tilespmem:v42+s17+$0x0] =	vst.idx.msk vm0, v58;
	v60 =	vmul.f32 v54, v17  }
0x23d: {  	v61 =	vld.idx.msk [tilespmem:v55+s17+$0x0], $0xffff;
	[tilespmem:v44+s17+$0x0] =	vst.idx.msk vm0, v59  }
0x23e: {  	v21 =	vld.idx.msk [tilespmem:v57+s17+$0x0], $0xffff;
	[tilespmem:v19+s17+$0x0] =	vst.idx.msk vm0, v60  }
0x23f: {  	v19 =	vmul.f32 v26, v17;
	v22 =	vld.idx.msk [tilespmem:v18+s17+$0x0], $0xffff  }
0x240: {  	s7 =	sadd.s32 $0x1, s7;
	v62 =	vmul.f32 v27, v17  }
0x241: {  	p1 =	sne.s32 s7, $0xD;
	[tilespmem:v49+s17+$0x0] =	vst.idx.msk vm0, v19;
	v19 =	vmul.f32 v28, v17  }
.Ltmp3:
0x242: {  	[tilespmem:v50+s17+$0x0] =	vst.idx.msk vm0, v62;
	v63 =	vmul.f32 v61, v17;
	(pc) =	sbr.rel @p1 .LBB2_7-.Ltmp3, $4  }
0x243: {  	[tilespmem:v53+s17+$0x0] =	vst.idx.msk vm0, v19;
	v19 =	vmul.f32 v21, v17  }
0x244: {  	[tilespmem:v55+s17+$0x0] =	vst.idx.msk vm0, v63;
	v17 =	vmul.f32 v22, v17  }
0x245: {  	[tilespmem:v57+s17+$0x0] =	vst.idx.msk vm0, v19  }
0x246: {  	[tilespmem:v18+s17+$0x0] =	vst.idx.msk vm0, v17  }
0x247: {  	s0 =	sadd.s32 s2, s19  }
0x248: {  	s0 =	smul.u32 $0xC80, s0;
	_ =	sdelay $0x1  }
0x249: {  	p1 =	seq.s32 s15, $0x7;
	s0 =	sadd.s32 s1, s0  }
0x24a: {  	[hbm4b:s0+s5] =	stream.linear.scatter [tilespmem:s17], [sflag:$0x6], $0x6400, $0x38;
	[tilespmem:$0x1E140] =	vst v63  }
0x24b: {  	s0 =	smul.u32 @!p1 $0xC80, s15  }
0x24c: {  	_ =	swait.ge [sflag:s26], $0x6400  }
0x24d: {  	s3 =	simm.s32 @!p1 $0x68;
	[sflag:s26] =	ssyncset.done $0x0;
	s19 =	sshra.s32 @!p1 s0, $0x2  }
0x24e: {  	s6 =	simm.s32 @!p1 $0x3200;
	[sflag:s26] =	ssyncadd.s32 $0xFFFF9C00;
	s0 =	sadd.s32 @!p1 $0x320, s19  }
0x24f: {  	[tilespmem:s6], [sflag:$0x1] =	stream.indirect.gather @!p1 [spmem:s4], $0x80, s0, s3, $0xb8;
	[tilespmem:$0x1E140] =	vst v63  }
0x250: {  	s0 =	sadd.s32 @!p1 $0x388, s19;
	s3 =	simm.s32 @!p1 $0x60;
	s6 =	simm.s32 @!p1 $0x6600  }
0x251: {  	[tilespmem:s6], [sflag:$0x1] =	stream.indirect.gather @!p1 [spmem:s4], $0x80, s0, s3, $0xb8;
	[tilespmem:$0x1E140] =	vst v63  }
0x252: {  	_ =	swait.ge [sflag:s28], $0x3400  }
0x253: {  	[sflag:s28] =	ssyncset.done $0x0  }
0x254: {  	v16 =	vmov s18;
	[sflag:s28] =	ssyncadd.s32 $0xFFFFCC00  }
0x255: {  	v16 =	vmul.u32 $0xC8, v16;
	_ =	swait.ge [sflag:s28], $0x3000  }
0x256: {  	[sflag:s28] =	ssyncset.done $0x0  }
0x257: {  	s7 =	simm.s32 $0x0;
	v16 =	vbroadcast v16, $0x0;
	s6 =	simm.s32 $0x0;
	[sflag:s28] =	ssyncadd.s32 $0xFFFFD000  }
.LBB2_11:
0x258: {  	s0 =	sshll.u32 s7, $0x4  }
0x259: {  	v17 =	vor.u32 s0, v0  }
0x25a: {  	v17 =	vmin.u32 v17, $0xC7  }
0x25b: {  	v18 =	vand.u32 $0xF8, v17  }
0x25c: {  	v19 =	vand.u32 $0x7, v17;
	v20 =	vadd.s32 v16, v18;
	v18 =	vshll.u32 v17, $0x7  }
0x25d: {  	v17 =	vor.u32 v19, v20;
	v20 =	vor.u32 v0, v18  }
0x25e: {  	v19 =	vor.u32 s6, v20;
	_ =	sdelay $0x3  }
0x25f: {  	s0 =	ssub.s32 $0xC8, s0;
	v17 =	vld.idx.msk [tilespmem:v17+s11+$0x0], $0xffff  }
0x260: {  	v21 =	vmov s0;
	v22 =	vld.idx.msk [tilespmem:v19+s20+$0x0], $0xffff  }
0x261: {  	vm0 =	vgt.u32 v21, v0  }
0x262: {  	v21 =	vor.u32 v1, v18  }
0x263: {  	v23 =	vor.u32 s6, v21;
	_ =	sdelay $0x1  }
0x264: {  	v22 =	vmul.f32 v22, v17;
	_ =	sdelay $0x1  }
0x265: {  	[tilespmem:v19+s20+$0x0] =	vst.idx.msk vm0, v22  }
0x266: {  	v19 =	vld.idx.msk [tilespmem:v23+s20+$0x0], $0xffff;
	_ =	sdelay $0x1  }
0x267: {  	v22 =	vor.u32 v2, v18  }
0x268: {  	v25 =	vor.u32 s6, v22;
	_ =	sdelay $0x1  }
0x269: {  	v19 =	vmul.f32 v19, v17;
	_ =	sdelay $0x1  }
0x26a: {  	[tilespmem:v23+s20+$0x0] =	vst.idx.msk vm0, v19  }
0x26b: {  	s8 =	simm.s32 $0x10;
	v19 =	vld.idx.msk [tilespmem:v25+s20+$0x0], $0xffff  }
0x26c: {  	v26 =	vor.u32 s8, v20  }
0x26d: {  	v24 =	vor.u32 v3, v18  }
0x26e: {  	v27 =	vor.u32 s6, v24;
	_ =	sdelay $0x1  }
0x26f: {  	v19 =	vmul.f32 v19, v17  }
0x270: {  	v28 =	vld.idx.msk [tilespmem:v26+s20+$0x0], $0xffff  }
0x271: {  	[tilespmem:v25+s20+$0x0] =	vst.idx.msk vm0, v19  }
0x272: {  	v19 =	vld.idx.msk [tilespmem:v27+s20+$0x0], $0xffff  }
0x273: {  	v29 =	vor.u32 s8, v21  }
0x274: {  	v23 =	vor.u32 v4, v18  }
0x275: {  	v30 =	vor.u32 s6, v23;
	v25 =	vmul.f32 v28, v17;
	_ =	sdelay $0x1  }
0x276: {  	[tilespmem:v26+s20+$0x0] =	vst.idx.msk vm0, v25;
	v19 =	vmul.f32 v19, v17  }
0x277: {  	v26 =	vld.idx.msk [tilespmem:v29+s20+$0x0], $0xffff  }
0x278: {  	[tilespmem:v27+s20+$0x0] =	vst.idx.msk vm0, v19  }
0x279: {  	v19 =	vld.idx.msk [tilespmem:v30+s20+$0x0], $0xffff  }
0x27a: {  	v27 =	vor.u32 s8, v22  }
0x27b: {  	v25 =	vor.u32 v5, v18  }
0x27c: {  	v28 =	vor.u32 s6, v25;
	v26 =	vmul.f32 v26, v17;
	_ =	sdelay $0x1  }
0x27d: {  	[tilespmem:v29+s20+$0x0] =	vst.idx.msk vm0, v26;
	v19 =	vmul.f32 v19, v17  }
0x27e: {  	s10 =	simm.s32 $0x20;
	v26 =	vld.idx.msk [tilespmem:v27+s20+$0x0], $0xffff  }
0x27f: {  	[tilespmem:v30+s20+$0x0] =	vst.idx.msk vm0, v19;
	v19 =	vor.u32 s10, v20  }
0x280: {  	v29 =	vld.idx.msk [tilespmem:v28+s20+$0x0], $0xffff  }
0x281: {  	v31 =	vor.u32 s8, v24  }
0x282: {  	v30 =	vor.u32 v7, v18  }
0x283: {  	v32 =	vor.u32 s6, v30;
	v26 =	vmul.f32 v26, v17  }
0x284: {  	v33 =	vld.idx.msk [tilespmem:v19+s20+$0x0], $0xffff  }
0x285: {  	[tilespmem:v27+s20+$0x0] =	vst.idx.msk vm0, v26;
	v29 =	vmul.f32 v29, v17  }
0x286: {  	v27 =	vld.idx.msk [tilespmem:v31+s20+$0x0], $0xffff  }
0x287: {  	[tilespmem:v28+s20+$0x0] =	vst.idx.msk vm0, v29;
	v28 =	vor.u32 s10, v21  }
0x288: {  	v29 =	vld.idx.msk [tilespmem:v32+s20+$0x0], $0xffff  }
0x289: {  	v34 =	vor.u32 s8, v23;
	v33 =	vmul.f32 v33, v17  }
0x28a: {  	v26 =	vor.u32 v8, v18  }
0x28b: {  	v35 =	vor.u32 s6, v26;
	[tilespmem:v19+s20+$0x0] =	vst.idx.msk vm0, v33;
	v19 =	vmul.f32 v27, v17  }
0x28c: {  	v27 =	vld.idx.msk [tilespmem:v28+s20+$0x0], $0xffff  }
0x28d: {  	v29 =	vmul.f32 v29, v17;
	[tilespmem:v31+s20+$0x0] =	vst.idx.msk vm0, v19  }
0x28e: {  	v19 =	vld.idx.msk [tilespmem:v34+s20+$0x0], $0xffff  }
0x28f: {  	[tilespmem:v32+s20+$0x0] =	vst.idx.msk vm0, v29;
	v29 =	vor.u32 s10, v22  }
0x290: {  	v32 =	vld.idx.msk [tilespmem:v35+s20+$0x0], $0xffff  }
0x291: {  	v61 =	vor.u32 s8, v25;
	v27 =	vmul.f32 v27, v17  }
0x292: {  	v31 =	vor.u32 v6, v18  }
0x293: {  	v36 =	vor.u32 s6, v31;
	[tilespmem:v28+s20+$0x0] =	vst.idx.msk vm0, v27;
	v19 =	vmul.f32 v19, v17  }
0x294: {  	s31 =	simm.s32 $0x30;
	v28 =	vld.idx.msk [tilespmem:v29+s20+$0x0], $0xffff  }
0x295: {  	v62 =	vor.u32 s31, v20;
	v27 =	vmul.f32 v32, v17;
	[tilespmem:v34+s20+$0x0] =	vst.idx.msk vm0, v19  }
0x296: {  	v19 =	vld.idx.msk [tilespmem:v61+s20+$0x0], $0xffff  }
0x297: {  	v63 =	vor.u32 s10, v24;
	[tilespmem:v35+s20+$0x0] =	vst.idx.msk vm0, v27  }
0x298: {  	v35 =	vld.idx.msk [tilespmem:v36+s20+$0x0], $0xffff  }
0x299: {  	v37 =	vor.u32 s8, v30;
	v28 =	vmul.f32 v28, v17  }
0x29a: {  	v38 =	vld.idx.msk [tilespmem:v62+s20+$0x0], $0xffff;
	v27 =	vor.u32 v9, v18  }
0x29b: {  	v39 =	vor.u32 s6, v27;
	[tilespmem:v29+s20+$0x0] =	vst.idx.msk vm0, v28;
	v19 =	vmul.f32 v19, v17  }
0x29c: {  	v28 =	vld.idx.msk [tilespmem:v63+s20+$0x0], $0xffff  }
0x29d: {  	v44 =	vor.u32 s31, v21;
	v29 =	vmul.f32 v35, v17;
	[tilespmem:v61+s20+$0x0] =	vst.idx.msk vm0, v19  }
0x29e: {  	v19 =	vld.idx.msk [tilespmem:v37+s20+$0x0], $0xffff  }
0x29f: {  	v45 =	vor.u32 s10, v23;
	[tilespmem:v36+s20+$0x0] =	vst.idx.msk vm0, v29;
	v29 =	vmul.f32 v38, v17  }
0x2a0: {  	v36 =	vld.idx.msk [tilespmem:v39+s20+$0x0], $0xffff  }
0x2a1: {  	[tilespmem:v62+s20+$0x0] =	vst.idx.msk vm0, v29;
	v28 =	vmul.f32 v28, v17;
	v29 =	vor.u32 s8, v26  }
0x2a2: {  	v32 =	vor.u32 v10, v18;
	v46 =	vld.idx.msk [tilespmem:v44+s20+$0x0], $0xffff  }
0x2a3: {  	v40 =	vor.u32 s6, v32;
	[tilespmem:v63+s20+$0x0] =	vst.idx.msk vm0, v28;
	v19 =	vmul.f32 v19, v17  }
0x2a4: {  	v34 =	vld.idx.msk [tilespmem:v45+s20+$0x0], $0xffff  }
0x2a5: {  	v47 =	vor.u32 s31, v22;
	v28 =	vmul.f32 v36, v17;
	[tilespmem:v37+s20+$0x0] =	vst.idx.msk vm0, v19  }
0x2a6: {  	v19 =	vld.idx.msk [tilespmem:v29+s20+$0x0], $0xffff  }
0x2a7: {  	v48 =	vor.u32 s10, v25;
	[tilespmem:v39+s20+$0x0] =	vst.idx.msk vm0, v28;
	v28 =	vmul.f32 v46, v17  }
0x2a8: {  	v49 =	vld.idx.msk [tilespmem:v40+s20+$0x0], $0xffff  }
0x2a9: {  	v50 =	vor.u32 s8, v31;
	[tilespmem:v44+s20+$0x0] =	vst.idx.msk vm0, v28;
	v34 =	vmul.f32 v34, v17  }
0x2aa: {  	v28 =	vor.u32 v11, v18;
	v51 =	vld.idx.msk [tilespmem:v47+s20+$0x0], $0xffff  }
0x2ab: {  	s3 =	simm.s32 $0x40;
	v41 =	vor.u32 s6, v28;
	[tilespmem:v45+s20+$0x0] =	vst.idx.msk vm0, v34;
	v19 =	vmul.f32 v19, v17  }
0x2ac: {  	v52 =	vor.u32 s3, v20;
	v34 =	vld.idx.msk [tilespmem:v48+s20+$0x0], $0xffff  }
0x2ad: {  	v42 =	vor.u32 s31, v24;
	v38 =	vmul.f32 v49, v17;
	[tilespmem:v29+s20+$0x0] =	vst.idx.msk vm0, v19  }
0x2ae: {  	v19 =	vld.idx.msk [tilespmem:v50+s20+$0x0], $0xffff  }
0x2af: {  	v53 =	vor.u32 s10, v30;
	[tilespmem:v40+s20+$0x0] =	vst.idx.msk vm0, v38;
	v29 =	vmul.f32 v51, v17  }
0x2b0: {  	v54 =	vld.idx.msk [tilespmem:v41+s20+$0x0], $0xffff  }
0x2b1: {  	v55 =	vld.idx.msk [tilespmem:v52+s20+$0x0], $0xffff;
	v56 =	vor.u32 s8, v27;
	[tilespmem:v47+s20+$0x0] =	vst.idx.msk vm0, v29;
	v34 =	vmul.f32 v34, v17  }
0x2b2: {  	v29 =	vor.u32 v12, v18;
	v43 =	vld.idx.msk [tilespmem:v42+s20+$0x0], $0xffff  }
0x2b3: {  	v44 =	vor.u32 s6, v29;
	[tilespmem:v48+s20+$0x0] =	vst.idx.msk vm0, v34;
	v19 =	vmul.f32 v19, v17  }
0x2b4: {  	v45 =	vor.u32 s3, v21;
	v34 =	vld.idx.msk [tilespmem:v53+s20+$0x0], $0xffff  }
0x2b5: {  	v47 =	vor.u32 s31, v23;
	v57 =	vmul.f32 v54, v17;
	[tilespmem:v50+s20+$0x0] =	vst.idx.msk vm0, v19  }
0x2b6: {  	v19 =	vmul.f32 v55, v17;
	v35 =	vld.idx.msk [tilespmem:v56+s20+$0x0], $0xffff  }
0x2b7: {  	v39 =	vor.u32 s10, v26;
	[tilespmem:v41+s20+$0x0] =	vst.idx.msk vm0, v57;
	v58 =	vmul.f32 v43, v17  }
0x2b8: {  	[tilespmem:v52+s20+$0x0] =	vst.idx.msk vm0, v19;
	v19 =	vld.idx.msk [tilespmem:v44+s20+$0x0], $0xffff  }
0x2b9: {  	v37 =	vor.u32 s8, v32;
	v59 =	vld.idx.msk [tilespmem:v45+s20+$0x0], $0xffff;
	[tilespmem:v42+s20+$0x0] =	vst.idx.msk vm0, v58;
	v60 =	vmul.f32 v34, v17  }
0x2ba: {  	v33 =	vor.u32 v13, v18;
	v61 =	vld.idx.msk [tilespmem:v47+s20+$0x0], $0xffff  }
0x2bb: {  	v34 =	vor.u32 s6, v33;
	[tilespmem:v53+s20+$0x0] =	vst.idx.msk vm0, v60;
	v35 =	vmul.f32 v35, v17  }
0x2bc: {  	v42 =	vor.u32 s3, v22;
	v48 =	vld.idx.msk [tilespmem:v39+s20+$0x0], $0xffff  }
0x2bd: {  	v41 =	vor.u32 s31, v25;
	v19 =	vmul.f32 v19, v17;
	[tilespmem:v56+s20+$0x0] =	vst.idx.msk vm0, v35  }
0x2be: {  	v62 =	vmul.f32 v59, v17;
	v38 =	vld.idx.msk [tilespmem:v37+s20+$0x0], $0xffff  }
0x2bf: {  	v40 =	vor.u32 s10, v31;
	[tilespmem:v44+s20+$0x0] =	vst.idx.msk vm0, v19;
	v63 =	vmul.f32 v61, v17  }
0x2c0: {  	[tilespmem:v45+s20+$0x0] =	vst.idx.msk vm0, v62;
	v35 =	vld.idx.msk [tilespmem:v34+s20+$0x0], $0xffff  }
0x2c1: {  	s9 =	simm.s32 $0x50;
	v36 =	vor.u32 s8, v28;
	v46 =	vld.idx.msk [tilespmem:v42+s20+$0x0], $0xffff;
	[tilespmem:v47+s20+$0x0] =	vst.idx.msk vm0, v63;
	v43 =	vmul.f32 v48, v17  }
0x2c2: {  	s21 =	simm.s32 $0x60;
	s0 =	simm.s32 $0x0;
	v19 =	vor.u32 v14, v18;
	v18 =	vor.u32 v15, v18;
	v44 =	vor.u32 s9, v20;
	v45 =	vld.idx.msk [tilespmem:v41+s20+$0x0], $0xffff  }
.LBB2_12:
0x2c3: {  	p2 =	sne.s32 s21, $0x70;
	[tilespmem:v39+s20+$0x0] =	vst.idx.msk vm0, v43;
	v38 =	vmul.f32 v38, v17;
	v43 =	vor.u32 s0, v19  }
0x2c4: {  	v47 =	vor.u32 s3, v24;
	v39 =	vld.idx.msk [tilespmem:v40+s20+$0x0], $0xffff  }
0x2c5: {  	v35 =	vmul.f32 v35, v17;
	[tilespmem:v37+s20+$0x0] =	vst.idx.msk vm0, v38  }
0x2c6: {  	v37 =	vmul.f32 v46, v17;
	v38 =	vor.u32 s31, v30;
	v46 =	vld.idx.msk [tilespmem:v36+s20+$0x0], $0xffff  }
0x2c7: {  	v48 =	vld.idx.msk [tilespmem:v44+s20+$0x0], $0xffff;
	[tilespmem:v34+s20+$0x0] =	vst.idx.msk vm0, v35  }
0x2c8: {  	v34 =	vmul.f32 v45, v17;
	v35 =	vor.u32 s10, v27;
	[tilespmem:v42+s20+$0x0] =	vst.idx.msk vm0, v37;
	v37 =	vld.idx.msk [tilespmem:v43+s20+$0x0], $0xffff  }
0x2c9: {  	v42 =	vld.idx.msk [tilespmem:v47+s20+$0x0], $0xffff  }
0x2ca: {  	v45 =	vor.u32 s8, v29;
	[tilespmem:v41+s20+$0x0] =	vst.idx.msk vm0, v34;
	v34 =	vmul.f32 v39, v17  }
0x2cb: {  	v49 =	vor.u32 s9, v21;
	v41 =	vld.idx.msk [tilespmem:v38+s20+$0x0], $0xffff  }
0x2cc: {  	v50 =	vor.u32 s0, v18;
	s0 =	smov.u32 s8;
	s8 =	smov.u32 s10;
	s10 =	smov.u32 s31;
	[tilespmem:v40+s20+$0x0] =	vst.idx.msk vm0, v34;
	v34 =	vmul.f32 v46, v17  }
0x2cd: {  	s31 =	smov.u32 s3;
	v39 =	vmul.f32 v48, v17;
	v48 =	vor.u32 s3, v23;
	s3 =	smov.u32 s9;
	s9 =	smov.u32 s21;
	v40 =	vld.idx.msk [tilespmem:v35+s20+$0x0], $0xffff  }
0x2ce: {  	[tilespmem:v36+s20+$0x0] =	vst.idx.msk vm0, v34;
	v34 =	vmul.f32 v37, v17  }
0x2cf: {  	v36 =	vmul.f32 v42, v17;
	[tilespmem:v44+s20+$0x0] =	vst.idx.msk vm0, v39;
	v39 =	vor.u32 s10, v26;
	v44 =	vld.idx.msk [tilespmem:v45+s20+$0x0], $0xffff  }
0x2d0: {  	v46 =	vld.idx.msk [tilespmem:v49+s20+$0x0], $0xffff;
	[tilespmem:v43+s20+$0x0] =	vst.idx.msk vm0, v34  }
0x2d1: {  	v37 =	vor.u32 s8, v32;
	v34 =	vmul.f32 v41, v17;
	[tilespmem:v47+s20+$0x0] =	vst.idx.msk vm0, v36;
	v36 =	vld.idx.msk [tilespmem:v50+s20+$0x0], $0xffff  }
0x2d2: {  	v43 =	vld.idx.msk [tilespmem:v48+s20+$0x0], $0xffff  }
0x2d3: {  	[tilespmem:v38+s20+$0x0] =	vst.idx.msk vm0, v34;
	v38 =	vmul.f32 v40, v17;
	v34 =	vor.u32 s0, v33  }
0x2d4: {  	v42 =	vor.u32 s3, v22;
	v47 =	vld.idx.msk [tilespmem:v39+s20+$0x0], $0xffff  }
0x2d5: {  	[tilespmem:v35+s20+$0x0] =	vst.idx.msk vm0, v38;
	v35 =	vmul.f32 v44, v17  }
0x2d6: {  	v41 =	vor.u32 s31, v25;
	v40 =	vmul.f32 v46, v17;
	v38 =	vld.idx.msk [tilespmem:v37+s20+$0x0], $0xffff  }
.Ltmp4:
0x2d7: {  	v36 =	vmul.f32 v36, v17;
	[tilespmem:v45+s20+$0x0] =	vst.idx.msk vm0, v35;
	(pc) =	sbr.rel @p2 .LBB2_12-.Ltmp4, $4  }
0x2d8: {  	v43 =	vmul.f32 v43, v17;
	[tilespmem:v49+s20+$0x0] =	vst.idx.msk vm0, v40;
	v40 =	vor.u32 s10, v31;
	v35 =	vld.idx.msk [tilespmem:v34+s20+$0x0], $0xffff  }
0x2d9: {  	v46 =	vld.idx.msk [tilespmem:v42+s20+$0x0], $0xffff;
	[tilespmem:v50+s20+$0x0] =	vst.idx.msk vm0, v36  }
0x2da: {  	v36 =	vor.u32 s8, v28;
	[tilespmem:v48+s20+$0x0] =	vst.idx.msk vm0, v43;
	v43 =	vmul.f32 v47, v17  }
0x2db: {  	s21 =	sadd.s32 $0x10, s21;
	v44 =	vor.u32 s9, v20;
	v45 =	vld.idx.msk [tilespmem:v41+s20+$0x0], $0xffff  }
0x2dc: {  	_ =	sdelay $0x3  }
0x2dd: {  	v20 =	vld.idx.msk [tilespmem:v44+s20+$0x0], $0xffff;
	_ =	sdelay $0x2  }
0x2de: {  	v21 =	vor.u32 s9, v21;
	_ =	sdelay $0x1  }
0x2df: {  	v20 =	vmul.f32 v20, v17;
	_ =	sdelay $0x1  }
0x2e0: {  	[tilespmem:v44+s20+$0x0] =	vst.idx.msk vm0, v20  }
0x2e1: {  	v20 =	vld.idx.msk [tilespmem:v21+s20+$0x0], $0xffff;
	_ =	sdelay $0x2  }
0x2e2: {  	v22 =	vor.u32 s9, v22;
	_ =	sdelay $0x1  }
0x2e3: {  	v20 =	vmul.f32 v20, v17;
	_ =	sdelay $0x1  }
0x2e4: {  	[tilespmem:v21+s20+$0x0] =	vst.idx.msk vm0, v20  }
0x2e5: {  	v20 =	vld.idx.msk [tilespmem:v22+s20+$0x0], $0xffff;
	_ =	sdelay $0x1  }
0x2e6: {  	v48 =	vor.u32 s3, v24  }
0x2e7: {  	v49 =	vor.u32 s9, v24  }
0x2e8: {  	v50 =	vmul.f32 v46, v17  }
0x2e9: {  	v20 =	vmul.f32 v20, v17  }
0x2ea: {  	[tilespmem:v42+s20+$0x0] =	vst.idx.msk vm0, v50  }
0x2eb: {  	v42 =	vld.idx.msk [tilespmem:v48+s20+$0x0], $0xffff;
	[tilespmem:v22+s20+$0x0] =	vst.idx.msk vm0, v20  }
0x2ec: {  	v20 =	vld.idx.msk [tilespmem:v49+s20+$0x0], $0xffff;
	_ =	sdelay $0x1  }
0x2ed: {  	v51 =	vor.u32 s3, v23  }
0x2ee: {  	v52 =	vor.u32 s9, v23  }
0x2ef: {  	v42 =	vmul.f32 v42, v17  }
0x2f0: {  	v20 =	vmul.f32 v20, v17  }
0x2f1: {  	[tilespmem:v48+s20+$0x0] =	vst.idx.msk vm0, v42  }
0x2f2: {  	v21 =	vld.idx.msk [tilespmem:v51+s20+$0x0], $0xffff;
	[tilespmem:v49+s20+$0x0] =	vst.idx.msk vm0, v20  }
0x2f3: {  	v20 =	vld.idx.msk [tilespmem:v52+s20+$0x0], $0xffff;
	_ =	sdelay $0x1  }
0x2f4: {  	v53 =	vor.u32 s3, v25  }
0x2f5: {  	v54 =	vor.u32 s9, v25  }
0x2f6: {  	v21 =	vmul.f32 v21, v17  }
0x2f7: {  	v20 =	vmul.f32 v20, v17  }
0x2f8: {  	[tilespmem:v51+s20+$0x0] =	vst.idx.msk vm0, v21  }
0x2f9: {  	v21 =	vld.idx.msk [tilespmem:v53+s20+$0x0], $0xffff;
	[tilespmem:v52+s20+$0x0] =	vst.idx.msk vm0, v20  }
0x2fa: {  	v20 =	vld.idx.msk [tilespmem:v54+s20+$0x0], $0xffff  }
0x2fb: {  	v55 =	vor.u32 s31, v30  }
0x2fc: {  	v56 =	vor.u32 s3, v30  }
0x2fd: {  	v58 =	vor.u32 s9, v30;
	v57 =	vmul.f32 v45, v17  }
0x2fe: {  	v21 =	vmul.f32 v21, v17  }
0x2ff: {  	[tilespmem:v41+s20+$0x0] =	vst.idx.msk vm0, v57;
	v20 =	vmul.f32 v20, v17  }
0x300: {  	v41 =	vld.idx.msk [tilespmem:v55+s20+$0x0], $0xffff;
	[tilespmem:v53+s20+$0x0] =	vst.idx.msk vm0, v21  }
0x301: {  	v21 =	vld.idx.msk [tilespmem:v56+s20+$0x0], $0xffff;
	[tilespmem:v54+s20+$0x0] =	vst.idx.msk vm0, v20  }
0x302: {  	v20 =	vld.idx.msk [tilespmem:v58+s20+$0x0], $0xffff  }
0x303: {  	v59 =	vor.u32 s31, v26  }
0x304: {  	v60 =	vor.u32 s3, v26  }
0x305: {  	v61 =	vor.u32 s9, v26;
	v41 =	vmul.f32 v41, v17  }
0x306: {  	v21 =	vmul.f32 v21, v17  }
0x307: {  	[tilespmem:v55+s20+$0x0] =	vst.idx.msk vm0, v41;
	v20 =	vmul.f32 v20, v17  }
0x308: {  	v22 =	vld.idx.msk [tilespmem:v59+s20+$0x0], $0xffff;
	[tilespmem:v56+s20+$0x0] =	vst.idx.msk vm0, v21  }
0x309: {  	v21 =	vld.idx.msk [tilespmem:v60+s20+$0x0], $0xffff;
	[tilespmem:v58+s20+$0x0] =	vst.idx.msk vm0, v20  }
0x30a: {  	v20 =	vld.idx.msk [tilespmem:v61+s20+$0x0], $0xffff  }
0x30b: {  	v62 =	vor.u32 s31, v31  }
0x30c: {  	v63 =	vor.u32 s3, v31  }
0x30d: {  	v42 =	vor.u32 s9, v31;
	v22 =	vmul.f32 v22, v17  }
0x30e: {  	[tilespmem:v39+s20+$0x0] =	vst.idx.msk vm0, v43;
	v21 =	vmul.f32 v21, v17  }
0x30f: {  	v39 =	vld.idx.msk [tilespmem:v40+s20+$0x0], $0xffff;
	[tilespmem:v59+s20+$0x0] =	vst.idx.msk vm0, v22;
	v20 =	vmul.f32 v20, v17  }
0x310: {  	v22 =	vld.idx.msk [tilespmem:v62+s20+$0x0], $0xffff;
	[tilespmem:v60+s20+$0x0] =	vst.idx.msk vm0, v21  }
0x311: {  	v21 =	vld.idx.msk [tilespmem:v63+s20+$0x0], $0xffff;
	[tilespmem:v61+s20+$0x0] =	vst.idx.msk vm0, v20  }
0x312: {  	v43 =	vor.u32 s10, v27;
	v44 =	vld.idx.msk [tilespmem:v42+s20+$0x0], $0xffff  }
0x313: {  	v45 =	vor.u32 s31, v27  }
0x314: {  	v47 =	vor.u32 s3, v27;
	v46 =	vmul.f32 v39, v17  }
0x315: {  	v48 =	vor.u32 s9, v27;
	v22 =	vmul.f32 v22, v17  }
0x316: {  	[tilespmem:v40+s20+$0x0] =	vst.idx.msk vm0, v46;
	v21 =	vmul.f32 v21, v17  }
0x317: {  	v26 =	vld.idx.msk [tilespmem:v43+s20+$0x0], $0xffff;
	[tilespmem:v62+s20+$0x0] =	vst.idx.msk vm0, v22;
	v49 =	vmul.f32 v44, v17  }
0x318: {  	v23 =	vld.idx.msk [tilespmem:v45+s20+$0x0], $0xffff;
	[tilespmem:v63+s20+$0x0] =	vst.idx.msk vm0, v21  }
0x319: {  	v21 =	vld.idx.msk [tilespmem:v47+s20+$0x0], $0xffff;
	[tilespmem:v42+s20+$0x0] =	vst.idx.msk vm0, v49  }
0x31a: {  	v50 =	vor.u32 s10, v32;
	v51 =	vld.idx.msk [tilespmem:v48+s20+$0x0], $0xffff  }
0x31b: {  	v52 =	vor.u32 s31, v32  }
0x31c: {  	v26 =	vmul.f32 v26, v17;
	v53 =	vor.u32 s3, v32  }
0x31d: {  	v23 =	vmul.f32 v23, v17;
	v54 =	vor.u32 s9, v32  }
0x31e: {  	[tilespmem:v43+s20+$0x0] =	vst.idx.msk vm0, v26;
	v55 =	vmul.f32 v21, v17  }
0x31f: {  	v56 =	vld.idx.msk [tilespmem:v50+s20+$0x0], $0xffff;
	[tilespmem:v45+s20+$0x0] =	vst.idx.msk vm0, v23;
	v57 =	vmul.f32 v51, v17  }
0x320: {  	v58 =	vld.idx.msk [tilespmem:v52+s20+$0x0], $0xffff;
	[tilespmem:v47+s20+$0x0] =	vst.idx.msk vm0, v55  }
0x321: {  	v20 =	vld.idx.msk [tilespmem:v53+s20+$0x0], $0xffff;
	[tilespmem:v48+s20+$0x0] =	vst.idx.msk vm0, v57  }
0x322: {  	v59 =	vor.u32 s10, v28;
	v60 =	vld.idx.msk [tilespmem:v54+s20+$0x0], $0xffff  }
0x323: {  	v62 =	vor.u32 s31, v28;
	v61 =	vmul.f32 v38, v17  }
0x324: {  	v63 =	vor.u32 s3, v28;
	v21 =	vmul.f32 v56, v17  }
0x325: {  	v39 =	vor.u32 s9, v28;
	v24 =	vmul.f32 v58, v17;
	[tilespmem:v37+s20+$0x0] =	vst.idx.msk vm0, v61  }
0x326: {  	[tilespmem:v50+s20+$0x0] =	vst.idx.msk vm0, v21;
	v40 =	vld.idx.msk [tilespmem:v36+s20+$0x0], $0xffff;
	v20 =	vmul.f32 v20, v17  }
0x327: {  	[tilespmem:v52+s20+$0x0] =	vst.idx.msk vm0, v24;
	v21 =	vld.idx.msk [tilespmem:v59+s20+$0x0], $0xffff;
	v41 =	vmul.f32 v60, v17  }
0x328: {  	v24 =	vld.idx.msk [tilespmem:v62+s20+$0x0], $0xffff;
	[tilespmem:v53+s20+$0x0] =	vst.idx.msk vm0, v20  }
0x329: {  	v42 =	vor.u32 s8, v29;
	v43 =	vld.idx.msk [tilespmem:v63+s20+$0x0], $0xffff;
	[tilespmem:v54+s20+$0x0] =	vst.idx.msk vm0, v41  }
0x32a: {  	v44 =	vor.u32 s10, v29;
	v45 =	vld.idx.msk [tilespmem:v39+s20+$0x0], $0xffff  }
0x32b: {  	v46 =	vor.u32 s31, v29;
	v28 =	vmul.f32 v40, v17  }
0x32c: {  	v47 =	vor.u32 s3, v29;
	v21 =	vmul.f32 v21, v17  }
0x32d: {  	v24 =	vmul.f32 v24, v17;
	[tilespmem:v36+s20+$0x0] =	vst.idx.msk vm0, v28;
	v48 =	vor.u32 s9, v29  }
0x32e: {  	[tilespmem:v59+s20+$0x0] =	vst.idx.msk vm0, v21;
	v49 =	vld.idx.msk [tilespmem:v42+s20+$0x0], $0xffff;
	v50 =	vmul.f32 v43, v17  }
0x32f: {  	[tilespmem:v62+s20+$0x0] =	vst.idx.msk vm0, v24;
	v23 =	vld.idx.msk [tilespmem:v44+s20+$0x0], $0xffff;
	v51 =	vmul.f32 v45, v17  }
0x330: {  	v52 =	vld.idx.msk [tilespmem:v46+s20+$0x0], $0xffff;
	[tilespmem:v63+s20+$0x0] =	vst.idx.msk vm0, v50  }
0x331: {  	v53 =	vor.u32 s8, v33;
	v54 =	vld.idx.msk [tilespmem:v47+s20+$0x0], $0xffff;
	[tilespmem:v39+s20+$0x0] =	vst.idx.msk vm0, v51  }
0x332: {  	v55 =	vor.u32 s10, v33;
	v26 =	vld.idx.msk [tilespmem:v48+s20+$0x0], $0xffff  }
0x333: {  	v56 =	vor.u32 s31, v33;
	v29 =	vmul.f32 v49, v17  }
0x334: {  	v23 =	vmul.f32 v23, v17;
	v57 =	vor.u32 s3, v33  }
0x335: {  	v59 =	vor.u32 s9, v33;
	v58 =	vmul.f32 v52, v17;
	[tilespmem:v42+s20+$0x0] =	vst.idx.msk vm0, v29  }
0x336: {  	[tilespmem:v44+s20+$0x0] =	vst.idx.msk vm0, v23;
	v29 =	vld.idx.msk [tilespmem:v53+s20+$0x0], $0xffff;
	v60 =	vmul.f32 v54, v17  }
0x337: {  	[tilespmem:v46+s20+$0x0] =	vst.idx.msk vm0, v58;
	v23 =	vld.idx.msk [tilespmem:v55+s20+$0x0], $0xffff;
	v61 =	vmul.f32 v26, v17  }
0x338: {  	v62 =	vor.u32 s0, v19;
	v63 =	vld.idx.msk [tilespmem:v56+s20+$0x0], $0xffff;
	[tilespmem:v47+s20+$0x0] =	vst.idx.msk vm0, v60  }
0x339: {  	v37 =	vor.u32 s8, v19;
	v38 =	vld.idx.msk [tilespmem:v57+s20+$0x0], $0xffff;
	[tilespmem:v48+s20+$0x0] =	vst.idx.msk vm0, v61  }
0x33a: {  	v40 =	vor.u32 s10, v19;
	v39 =	vmul.f32 v35, v17;
	v41 =	vld.idx.msk [tilespmem:v59+s20+$0x0], $0xffff  }
0x33b: {  	v42 =	vor.u32 s31, v19;
	v29 =	vmul.f32 v29, v17  }
0x33c: {  	v44 =	vor.u32 s3, v19;
	v43 =	vmul.f32 v23, v17;
	[tilespmem:v34+s20+$0x0] =	vst.idx.msk vm0, v39  }
0x33d: {  	v19 =	vor.u32 s9, v19;
	[tilespmem:v53+s20+$0x0] =	vst.idx.msk vm0, v29;
	v45 =	vmul.f32 v63, v17;
	v34 =	vld.idx.msk [tilespmem:v62+s20+$0x0], $0xffff  }
0x33e: {  	[tilespmem:v55+s20+$0x0] =	vst.idx.msk vm0, v43;
	v46 =	vld.idx.msk [tilespmem:v37+s20+$0x0], $0xffff;
	v47 =	vmul.f32 v38, v17  }
0x33f: {  	v24 =	vld.idx.msk [tilespmem:v40+s20+$0x0], $0xffff;
	[tilespmem:v56+s20+$0x0] =	vst.idx.msk vm0, v45;
	v48 =	vmul.f32 v41, v17  }
0x340: {  	v49 =	vor.u32 s0, v18;
	v30 =	vld.idx.msk [tilespmem:v42+s20+$0x0], $0xffff;
	[tilespmem:v57+s20+$0x0] =	vst.idx.msk vm0, v47  }
0x341: {  	v50 =	vor.u32 s8, v18;
	v51 =	vld.idx.msk [tilespmem:v44+s20+$0x0], $0xffff;
	[tilespmem:v59+s20+$0x0] =	vst.idx.msk vm0, v48  }
0x342: {  	v53 =	vor.u32 s10, v18;
	v52 =	vmul.f32 v34, v17;
	v54 =	vld.idx.msk [tilespmem:v19+s20+$0x0], $0xffff  }
0x343: {  	v55 =	vor.u32 s31, v18;
	v27 =	vmul.f32 v46, v17  }
0x344: {  	v56 =	vmul.f32 v24, v17;
	v57 =	vor.u32 s3, v18;
	[tilespmem:v62+s20+$0x0] =	vst.idx.msk vm0, v52  }
0x345: {  	[tilespmem:v37+s20+$0x0] =	vst.idx.msk vm0, v27;
	v58 =	vmul.f32 v30, v17;
	v18 =	vor.u32 s9, v18;
	v26 =	vld.idx.msk [tilespmem:v49+s20+$0x0], $0xffff  }
0x346: {  	[tilespmem:v40+s20+$0x0] =	vst.idx.msk vm0, v56;
	v27 =	vld.idx.msk [tilespmem:v50+s20+$0x0], $0xffff;
	v59 =	vmul.f32 v51, v17  }
0x347: {  	v28 =	vld.idx.msk [tilespmem:v53+s20+$0x0], $0xffff;
	[tilespmem:v42+s20+$0x0] =	vst.idx.msk vm0, v58;
	v60 =	vmul.f32 v54, v17  }
0x348: {  	v61 =	vld.idx.msk [tilespmem:v55+s20+$0x0], $0xffff;
	[tilespmem:v44+s20+$0x0] =	vst.idx.msk vm0, v59  }
0x349: {  	v21 =	vld.idx.msk [tilespmem:v57+s20+$0x0], $0xffff;
	[tilespmem:v19+s20+$0x0] =	vst.idx.msk vm0, v60  }
0x34a: {  	v19 =	vmul.f32 v26, v17;
	v22 =	vld.idx.msk [tilespmem:v18+s20+$0x0], $0xffff  }
0x34b: {  	s7 =	sadd.s32 $0x1, s7;
	v62 =	vmul.f32 v27, v17  }
0x34c: {  	p2 =	sne.s32 s7, $0xD;
	[tilespmem:v49+s20+$0x0] =	vst.idx.msk vm0, v19;
	v19 =	vmul.f32 v28, v17  }
.Ltmp5:
0x34d: {  	[tilespmem:v50+s20+$0x0] =	vst.idx.msk vm0, v62;
	v63 =	vmul.f32 v61, v17;
	(pc) =	sbr.rel @p2 .LBB2_11-.Ltmp5, $4  }
0x34e: {  	[tilespmem:v53+s20+$0x0] =	vst.idx.msk vm0, v19;
	v19 =	vmul.f32 v21, v17  }
0x34f: {  	[tilespmem:v55+s20+$0x0] =	vst.idx.msk vm0, v63;
	v17 =	vmul.f32 v22, v17  }
0x350: {  	[tilespmem:v57+s20+$0x0] =	vst.idx.msk vm0, v19  }
0x351: {  	[tilespmem:v18+s20+$0x0] =	vst.idx.msk vm0, v17  }
0x352: {  	s0 =	sadd.s32 s2, s18  }
0x353: {  	s0 =	smul.u32 $0xC80, s0;
	_ =	sdelay $0x1  }
0x354: {  	s0 =	sadd.s32 s1, s0  }
0x355: {  	[hbm4b:s0+s5] =	stream.linear.scatter [tilespmem:s20], [sflag:$0x7], $0x6400, $0x38;
	[tilespmem:$0x1E140] =	vst v63  }
0x356: {  	_ =	swait.ge [sflag:s29], $0x6400  }
0x357: {  	s3 =	simm.s32 @!p1 $0x68;
	[sflag:s29] =	ssyncset.done $0x0  }
0x358: {  	s6 =	simm.s32 @!p1 $0x9600;
	s0 =	sadd.s32 @!p1 $0x3E8, s19;
	[sflag:s29] =	ssyncadd.s32 $0xFFFF9C00  }
0x359: {  	[tilespmem:s6], [sflag:$0x2] =	stream.indirect.gather @!p1 [spmem:s4], $0x80, s0, s3, $0xb8;
	[tilespmem:$0x1E140] =	vst v63  }
0x35a: {  	s0 =	sadd.s32 @!p1 $0x450, s19;
	s3 =	simm.s32 @!p1 $0x60;
	s6 =	simm.s32 @!p1 $0xCA00  }
0x35b: {  	[tilespmem:s6], [sflag:$0x2] =	stream.indirect.gather @!p1 [spmem:s4], $0x80, s0, s3, $0xb8;
	[tilespmem:$0x1E140] =	vst v63  }
0x35c: {  	_ =	swait.ge [sflag:s30], $0x3400  }
0x35d: {  	[sflag:s30] =	ssyncset.done $0x0  }
0x35e: {  	v16 =	vmov s16;
	[sflag:s30] =	ssyncadd.s32 $0xFFFFCC00  }
0x35f: {  	v16 =	vmul.u32 $0xC8, v16;
	_ =	swait.ge [sflag:s30], $0x3000  }
0x360: {  	[sflag:s30] =	ssyncset.done $0x0  }
0x361: {  	s7 =	simm.s32 $0x0;
	v16 =	vbroadcast v16, $0x0;
	s6 =	simm.s32 $0x0;
	[sflag:s30] =	ssyncadd.s32 $0xFFFFD000  }
.LBB2_15:
0x362: {  	s0 =	sshll.u32 s7, $0x4  }
0x363: {  	v17 =	vor.u32 s0, v0  }
0x364: {  	v17 =	vmin.u32 v17, $0xC7  }
0x365: {  	v18 =	vand.u32 $0xF8, v17  }
0x366: {  	v19 =	vand.u32 $0x7, v17;
	v20 =	vadd.s32 v16, v18;
	v18 =	vshll.u32 v17, $0x7  }
0x367: {  	v17 =	vor.u32 v19, v20;
	v20 =	vor.u32 v0, v18  }
0x368: {  	v19 =	vor.u32 s6, v20;
	_ =	sdelay $0x3  }
0x369: {  	s0 =	ssub.s32 $0xC8, s0;
	v17 =	vld.idx.msk [tilespmem:v17+s11+$0x0], $0xffff  }
0x36a: {  	v21 =	vmov s0;
	v22 =	vld.idx.msk [tilespmem:v19+s23+$0x0], $0xffff  }
0x36b: {  	vm0 =	vgt.u32 v21, v0  }
0x36c: {  	v21 =	vor.u32 v1, v18  }
0x36d: {  	v23 =	vor.u32 s6, v21;
	_ =	sdelay $0x1  }
0x36e: {  	v22 =	vmul.f32 v22, v17;
	_ =	sdelay $0x1  }
0x36f: {  	[tilespmem:v19+s23+$0x0] =	vst.idx.msk vm0, v22  }
0x370: {  	v19 =	vld.idx.msk [tilespmem:v23+s23+$0x0], $0xffff;
	_ =	sdelay $0x1  }
0x371: {  	v22 =	vor.u32 v2, v18  }
0x372: {  	v25 =	vor.u32 s6, v22;
	_ =	sdelay $0x1  }
0x373: {  	v19 =	vmul.f32 v19, v17;
	_ =	sdelay $0x1  }
0x374: {  	[tilespmem:v23+s23+$0x0] =	vst.idx.msk vm0, v19  }
0x375: {  	s8 =	simm.s32 $0x10;
	v19 =	vld.idx.msk [tilespmem:v25+s23+$0x0], $0xffff  }
0x376: {  	v26 =	vor.u32 s8, v20  }
0x377: {  	v24 =	vor.u32 v3, v18  }
0x378: {  	v27 =	vor.u32 s6, v24;
	_ =	sdelay $0x1  }
0x379: {  	v19 =	vmul.f32 v19, v17  }
0x37a: {  	v28 =	vld.idx.msk [tilespmem:v26+s23+$0x0], $0xffff  }
0x37b: {  	[tilespmem:v25+s23+$0x0] =	vst.idx.msk vm0, v19  }
0x37c: {  	v19 =	vld.idx.msk [tilespmem:v27+s23+$0x0], $0xffff  }
0x37d: {  	v29 =	vor.u32 s8, v21  }
0x37e: {  	v23 =	vor.u32 v4, v18  }
0x37f: {  	v30 =	vor.u32 s6, v23;
	v25 =	vmul.f32 v28, v17;
	_ =	sdelay $0x1  }
0x380: {  	[tilespmem:v26+s23+$0x0] =	vst.idx.msk vm0, v25;
	v19 =	vmul.f32 v19, v17  }
0x381: {  	v26 =	vld.idx.msk [tilespmem:v29+s23+$0x0], $0xffff  }
0x382: {  	[tilespmem:v27+s23+$0x0] =	vst.idx.msk vm0, v19  }
0x383: {  	v19 =	vld.idx.msk [tilespmem:v30+s23+$0x0], $0xffff  }
0x384: {  	v27 =	vor.u32 s8, v22  }
0x385: {  	v25 =	vor.u32 v5, v18  }
0x386: {  	v28 =	vor.u32 s6, v25;
	v26 =	vmul.f32 v26, v17;
	_ =	sdelay $0x1  }
0x387: {  	[tilespmem:v29+s23+$0x0] =	vst.idx.msk vm0, v26;
	v19 =	vmul.f32 v19, v17  }
0x388: {  	s10 =	simm.s32 $0x20;
	v26 =	vld.idx.msk [tilespmem:v27+s23+$0x0], $0xffff  }
0x389: {  	[tilespmem:v30+s23+$0x0] =	vst.idx.msk vm0, v19;
	v19 =	vor.u32 s10, v20  }
0x38a: {  	v29 =	vld.idx.msk [tilespmem:v28+s23+$0x0], $0xffff  }
0x38b: {  	v31 =	vor.u32 s8, v24  }
0x38c: {  	v30 =	vor.u32 v7, v18  }
0x38d: {  	v32 =	vor.u32 s6, v30;
	v26 =	vmul.f32 v26, v17  }
0x38e: {  	v33 =	vld.idx.msk [tilespmem:v19+s23+$0x0], $0xffff  }
0x38f: {  	[tilespmem:v27+s23+$0x0] =	vst.idx.msk vm0, v26;
	v29 =	vmul.f32 v29, v17  }
0x390: {  	v27 =	vld.idx.msk [tilespmem:v31+s23+$0x0], $0xffff  }
0x391: {  	[tilespmem:v28+s23+$0x0] =	vst.idx.msk vm0, v29;
	v28 =	vor.u32 s10, v21  }
0x392: {  	v29 =	vld.idx.msk [tilespmem:v32+s23+$0x0], $0xffff  }
0x393: {  	v34 =	vor.u32 s8, v23;
	v33 =	vmul.f32 v33, v17  }
0x394: {  	v26 =	vor.u32 v8, v18  }
0x395: {  	v35 =	vor.u32 s6, v26;
	[tilespmem:v19+s23+$0x0] =	vst.idx.msk vm0, v33;
	v19 =	vmul.f32 v27, v17  }
0x396: {  	v27 =	vld.idx.msk [tilespmem:v28+s23+$0x0], $0xffff  }
0x397: {  	v29 =	vmul.f32 v29, v17;
	[tilespmem:v31+s23+$0x0] =	vst.idx.msk vm0, v19  }
0x398: {  	v19 =	vld.idx.msk [tilespmem:v34+s23+$0x0], $0xffff  }
0x399: {  	[tilespmem:v32+s23+$0x0] =	vst.idx.msk vm0, v29;
	v29 =	vor.u32 s10, v22  }
0x39a: {  	v32 =	vld.idx.msk [tilespmem:v35+s23+$0x0], $0xffff  }
0x39b: {  	v61 =	vor.u32 s8, v25;
	v27 =	vmul.f32 v27, v17  }
0x39c: {  	v31 =	vor.u32 v6, v18  }
0x39d: {  	v36 =	vor.u32 s6, v31;
	[tilespmem:v28+s23+$0x0] =	vst.idx.msk vm0, v27;
	v19 =	vmul.f32 v19, v17  }
0x39e: {  	s18 =	simm.s32 $0x30;
	v28 =	vld.idx.msk [tilespmem:v29+s23+$0x0], $0xffff  }
0x39f: {  	v62 =	vor.u32 s18, v20;
	v27 =	vmul.f32 v32, v17;
	[tilespmem:v34+s23+$0x0] =	vst.idx.msk vm0, v19  }
0x3a0: {  	v19 =	vld.idx.msk [tilespmem:v61+s23+$0x0], $0xffff  }
0x3a1: {  	v63 =	vor.u32 s10, v24;
	[tilespmem:v35+s23+$0x0] =	vst.idx.msk vm0, v27  }
0x3a2: {  	v35 =	vld.idx.msk [tilespmem:v36+s23+$0x0], $0xffff  }
0x3a3: {  	v37 =	vor.u32 s8, v30;
	v28 =	vmul.f32 v28, v17  }
0x3a4: {  	v38 =	vld.idx.msk [tilespmem:v62+s23+$0x0], $0xffff;
	v27 =	vor.u32 v9, v18  }
0x3a5: {  	v39 =	vor.u32 s6, v27;
	[tilespmem:v29+s23+$0x0] =	vst.idx.msk vm0, v28;
	v19 =	vmul.f32 v19, v17  }
0x3a6: {  	v28 =	vld.idx.msk [tilespmem:v63+s23+$0x0], $0xffff  }
0x3a7: {  	v44 =	vor.u32 s18, v21;
	v29 =	vmul.f32 v35, v17;
	[tilespmem:v61+s23+$0x0] =	vst.idx.msk vm0, v19  }
0x3a8: {  	v19 =	vld.idx.msk [tilespmem:v37+s23+$0x0], $0xffff  }
0x3a9: {  	v45 =	vor.u32 s10, v23;
	[tilespmem:v36+s23+$0x0] =	vst.idx.msk vm0, v29;
	v29 =	vmul.f32 v38, v17  }
0x3aa: {  	v36 =	vld.idx.msk [tilespmem:v39+s23+$0x0], $0xffff  }
0x3ab: {  	[tilespmem:v62+s23+$0x0] =	vst.idx.msk vm0, v29;
	v28 =	vmul.f32 v28, v17;
	v29 =	vor.u32 s8, v26  }
0x3ac: {  	v32 =	vor.u32 v10, v18;
	v46 =	vld.idx.msk [tilespmem:v44+s23+$0x0], $0xffff  }
0x3ad: {  	v40 =	vor.u32 s6, v32;
	[tilespmem:v63+s23+$0x0] =	vst.idx.msk vm0, v28;
	v19 =	vmul.f32 v19, v17  }
0x3ae: {  	v34 =	vld.idx.msk [tilespmem:v45+s23+$0x0], $0xffff  }
0x3af: {  	v47 =	vor.u32 s18, v22;
	v28 =	vmul.f32 v36, v17;
	[tilespmem:v37+s23+$0x0] =	vst.idx.msk vm0, v19  }
0x3b0: {  	v19 =	vld.idx.msk [tilespmem:v29+s23+$0x0], $0xffff  }
0x3b1: {  	v48 =	vor.u32 s10, v25;
	[tilespmem:v39+s23+$0x0] =	vst.idx.msk vm0, v28;
	v28 =	vmul.f32 v46, v17  }
0x3b2: {  	v49 =	vld.idx.msk [tilespmem:v40+s23+$0x0], $0xffff  }
0x3b3: {  	v50 =	vor.u32 s8, v31;
	[tilespmem:v44+s23+$0x0] =	vst.idx.msk vm0, v28;
	v34 =	vmul.f32 v34, v17  }
0x3b4: {  	v28 =	vor.u32 v11, v18;
	v51 =	vld.idx.msk [tilespmem:v47+s23+$0x0], $0xffff  }
0x3b5: {  	s3 =	simm.s32 $0x40;
	v41 =	vor.u32 s6, v28;
	[tilespmem:v45+s23+$0x0] =	vst.idx.msk vm0, v34;
	v19 =	vmul.f32 v19, v17  }
0x3b6: {  	v52 =	vor.u32 s3, v20;
	v34 =	vld.idx.msk [tilespmem:v48+s23+$0x0], $0xffff  }
0x3b7: {  	v42 =	vor.u32 s18, v24;
	v38 =	vmul.f32 v49, v17;
	[tilespmem:v29+s23+$0x0] =	vst.idx.msk vm0, v19  }
0x3b8: {  	v19 =	vld.idx.msk [tilespmem:v50+s23+$0x0], $0xffff  }
0x3b9: {  	v53 =	vor.u32 s10, v30;
	[tilespmem:v40+s23+$0x0] =	vst.idx.msk vm0, v38;
	v29 =	vmul.f32 v51, v17  }
0x3ba: {  	v54 =	vld.idx.msk [tilespmem:v41+s23+$0x0], $0xffff  }
0x3bb: {  	v55 =	vld.idx.msk [tilespmem:v52+s23+$0x0], $0xffff;
	v56 =	vor.u32 s8, v27;
	[tilespmem:v47+s23+$0x0] =	vst.idx.msk vm0, v29;
	v34 =	vmul.f32 v34, v17  }
0x3bc: {  	v29 =	vor.u32 v12, v18;
	v43 =	vld.idx.msk [tilespmem:v42+s23+$0x0], $0xffff  }
0x3bd: {  	v44 =	vor.u32 s6, v29;
	[tilespmem:v48+s23+$0x0] =	vst.idx.msk vm0, v34;
	v19 =	vmul.f32 v19, v17  }
0x3be: {  	v45 =	vor.u32 s3, v21;
	v34 =	vld.idx.msk [tilespmem:v53+s23+$0x0], $0xffff  }
0x3bf: {  	v47 =	vor.u32 s18, v23;
	v57 =	vmul.f32 v54, v17;
	[tilespmem:v50+s23+$0x0] =	vst.idx.msk vm0, v19  }
0x3c0: {  	v19 =	vmul.f32 v55, v17;
	v35 =	vld.idx.msk [tilespmem:v56+s23+$0x0], $0xffff  }
0x3c1: {  	v39 =	vor.u32 s10, v26;
	[tilespmem:v41+s23+$0x0] =	vst.idx.msk vm0, v57;
	v58 =	vmul.f32 v43, v17  }
0x3c2: {  	[tilespmem:v52+s23+$0x0] =	vst.idx.msk vm0, v19;
	v19 =	vld.idx.msk [tilespmem:v44+s23+$0x0], $0xffff  }
0x3c3: {  	v37 =	vor.u32 s8, v32;
	v59 =	vld.idx.msk [tilespmem:v45+s23+$0x0], $0xffff;
	[tilespmem:v42+s23+$0x0] =	vst.idx.msk vm0, v58;
	v60 =	vmul.f32 v34, v17  }
0x3c4: {  	v33 =	vor.u32 v13, v18;
	v61 =	vld.idx.msk [tilespmem:v47+s23+$0x0], $0xffff  }
0x3c5: {  	v34 =	vor.u32 s6, v33;
	[tilespmem:v53+s23+$0x0] =	vst.idx.msk vm0, v60;
	v35 =	vmul.f32 v35, v17  }
0x3c6: {  	v42 =	vor.u32 s3, v22;
	v48 =	vld.idx.msk [tilespmem:v39+s23+$0x0], $0xffff  }
0x3c7: {  	v41 =	vor.u32 s18, v25;
	v19 =	vmul.f32 v19, v17;
	[tilespmem:v56+s23+$0x0] =	vst.idx.msk vm0, v35  }
0x3c8: {  	v62 =	vmul.f32 v59, v17;
	v38 =	vld.idx.msk [tilespmem:v37+s23+$0x0], $0xffff  }
0x3c9: {  	v40 =	vor.u32 s10, v31;
	[tilespmem:v44+s23+$0x0] =	vst.idx.msk vm0, v19;
	v63 =	vmul.f32 v61, v17  }
0x3ca: {  	[tilespmem:v45+s23+$0x0] =	vst.idx.msk vm0, v62;
	v35 =	vld.idx.msk [tilespmem:v34+s23+$0x0], $0xffff  }
0x3cb: {  	s9 =	simm.s32 $0x50;
	v36 =	vor.u32 s8, v28;
	v46 =	vld.idx.msk [tilespmem:v42+s23+$0x0], $0xffff;
	[tilespmem:v47+s23+$0x0] =	vst.idx.msk vm0, v63;
	v43 =	vmul.f32 v48, v17  }
0x3cc: {  	s19 =	simm.s32 $0x60;
	s0 =	simm.s32 $0x0;
	v19 =	vor.u32 v14, v18;
	v18 =	vor.u32 v15, v18;
	v44 =	vor.u32 s9, v20;
	v45 =	vld.idx.msk [tilespmem:v41+s23+$0x0], $0xffff  }
.LBB2_16:
0x3cd: {  	p1 =	sne.s32 s19, $0x70;
	[tilespmem:v39+s23+$0x0] =	vst.idx.msk vm0, v43;
	v38 =	vmul.f32 v38, v17;
	v43 =	vor.u32 s0, v19  }
0x3ce: {  	v47 =	vor.u32 s3, v24;
	v39 =	vld.idx.msk [tilespmem:v40+s23+$0x0], $0xffff  }
0x3cf: {  	v35 =	vmul.f32 v35, v17;
	[tilespmem:v37+s23+$0x0] =	vst.idx.msk vm0, v38  }
0x3d0: {  	v37 =	vmul.f32 v46, v17;
	v38 =	vor.u32 s18, v30;
	v46 =	vld.idx.msk [tilespmem:v36+s23+$0x0], $0xffff  }
0x3d1: {  	v48 =	vld.idx.msk [tilespmem:v44+s23+$0x0], $0xffff;
	[tilespmem:v34+s23+$0x0] =	vst.idx.msk vm0, v35  }
0x3d2: {  	v34 =	vmul.f32 v45, v17;
	v35 =	vor.u32 s10, v27;
	[tilespmem:v42+s23+$0x0] =	vst.idx.msk vm0, v37;
	v37 =	vld.idx.msk [tilespmem:v43+s23+$0x0], $0xffff  }
0x3d3: {  	v42 =	vld.idx.msk [tilespmem:v47+s23+$0x0], $0xffff  }
0x3d4: {  	v45 =	vor.u32 s8, v29;
	[tilespmem:v41+s23+$0x0] =	vst.idx.msk vm0, v34;
	v34 =	vmul.f32 v39, v17  }
0x3d5: {  	v49 =	vor.u32 s9, v21;
	v41 =	vld.idx.msk [tilespmem:v38+s23+$0x0], $0xffff  }
0x3d6: {  	v50 =	vor.u32 s0, v18;
	s0 =	smov.u32 s8;
	s8 =	smov.u32 s10;
	s10 =	smov.u32 s18;
	[tilespmem:v40+s23+$0x0] =	vst.idx.msk vm0, v34;
	v34 =	vmul.f32 v46, v17  }
0x3d7: {  	s18 =	smov.u32 s3;
	v39 =	vmul.f32 v48, v17;
	v48 =	vor.u32 s3, v23;
	s3 =	smov.u32 s9;
	s9 =	smov.u32 s19;
	v40 =	vld.idx.msk [tilespmem:v35+s23+$0x0], $0xffff  }
0x3d8: {  	[tilespmem:v36+s23+$0x0] =	vst.idx.msk vm0, v34;
	v34 =	vmul.f32 v37, v17  }
0x3d9: {  	v36 =	vmul.f32 v42, v17;
	[tilespmem:v44+s23+$0x0] =	vst.idx.msk vm0, v39;
	v39 =	vor.u32 s10, v26;
	v44 =	vld.idx.msk [tilespmem:v45+s23+$0x0], $0xffff  }
0x3da: {  	v46 =	vld.idx.msk [tilespmem:v49+s23+$0x0], $0xffff;
	[tilespmem:v43+s23+$0x0] =	vst.idx.msk vm0, v34  }
0x3db: {  	v37 =	vor.u32 s8, v32;
	v34 =	vmul.f32 v41, v17;
	[tilespmem:v47+s23+$0x0] =	vst.idx.msk vm0, v36;
	v36 =	vld.idx.msk [tilespmem:v50+s23+$0x0], $0xffff  }
0x3dc: {  	v43 =	vld.idx.msk [tilespmem:v48+s23+$0x0], $0xffff  }
0x3dd: {  	[tilespmem:v38+s23+$0x0] =	vst.idx.msk vm0, v34;
	v38 =	vmul.f32 v40, v17;
	v34 =	vor.u32 s0, v33  }
0x3de: {  	v42 =	vor.u32 s3, v22;
	v47 =	vld.idx.msk [tilespmem:v39+s23+$0x0], $0xffff  }
0x3df: {  	[tilespmem:v35+s23+$0x0] =	vst.idx.msk vm0, v38;
	v35 =	vmul.f32 v44, v17  }
0x3e0: {  	v41 =	vor.u32 s18, v25;
	v40 =	vmul.f32 v46, v17;
	v38 =	vld.idx.msk [tilespmem:v37+s23+$0x0], $0xffff  }
.Ltmp6:
0x3e1: {  	v36 =	vmul.f32 v36, v17;
	[tilespmem:v45+s23+$0x0] =	vst.idx.msk vm0, v35;
	(pc) =	sbr.rel @p1 .LBB2_16-.Ltmp6, $4  }
0x3e2: {  	v43 =	vmul.f32 v43, v17;
	[tilespmem:v49+s23+$0x0] =	vst.idx.msk vm0, v40;
	v40 =	vor.u32 s10, v31;
	v35 =	vld.idx.msk [tilespmem:v34+s23+$0x0], $0xffff  }
0x3e3: {  	v46 =	vld.idx.msk [tilespmem:v42+s23+$0x0], $0xffff;
	[tilespmem:v50+s23+$0x0] =	vst.idx.msk vm0, v36  }
0x3e4: {  	v36 =	vor.u32 s8, v28;
	[tilespmem:v48+s23+$0x0] =	vst.idx.msk vm0, v43;
	v43 =	vmul.f32 v47, v17  }
0x3e5: {  	s19 =	sadd.s32 $0x10, s19;
	v44 =	vor.u32 s9, v20;
	v45 =	vld.idx.msk [tilespmem:v41+s23+$0x0], $0xffff  }
0x3e6: {  	_ =	sdelay $0x3  }
0x3e7: {  	v20 =	vld.idx.msk [tilespmem:v44+s23+$0x0], $0xffff;
	_ =	sdelay $0x2  }
0x3e8: {  	v21 =	vor.u32 s9, v21;
	_ =	sdelay $0x1  }
0x3e9: {  	v20 =	vmul.f32 v20, v17;
	_ =	sdelay $0x1  }
0x3ea: {  	[tilespmem:v44+s23+$0x0] =	vst.idx.msk vm0, v20  }
0x3eb: {  	v20 =	vld.idx.msk [tilespmem:v21+s23+$0x0], $0xffff;
	_ =	sdelay $0x2  }
0x3ec: {  	v22 =	vor.u32 s9, v22;
	_ =	sdelay $0x1  }
0x3ed: {  	v20 =	vmul.f32 v20, v17;
	_ =	sdelay $0x1  }
0x3ee: {  	[tilespmem:v21+s23+$0x0] =	vst.idx.msk vm0, v20  }
0x3ef: {  	v20 =	vld.idx.msk [tilespmem:v22+s23+$0x0], $0xffff;
	_ =	sdelay $0x1  }
0x3f0: {  	v48 =	vor.u32 s3, v24  }
0x3f1: {  	v49 =	vor.u32 s9, v24  }
0x3f2: {  	v50 =	vmul.f32 v46, v17  }
0x3f3: {  	v20 =	vmul.f32 v20, v17  }
0x3f4: {  	[tilespmem:v42+s23+$0x0] =	vst.idx.msk vm0, v50  }
0x3f5: {  	v42 =	vld.idx.msk [tilespmem:v48+s23+$0x0], $0xffff;
	[tilespmem:v22+s23+$0x0] =	vst.idx.msk vm0, v20  }
0x3f6: {  	v20 =	vld.idx.msk [tilespmem:v49+s23+$0x0], $0xffff;
	_ =	sdelay $0x1  }
0x3f7: {  	v51 =	vor.u32 s3, v23  }
0x3f8: {  	v52 =	vor.u32 s9, v23  }
0x3f9: {  	v42 =	vmul.f32 v42, v17  }
0x3fa: {  	v20 =	vmul.f32 v20, v17  }
0x3fb: {  	[tilespmem:v48+s23+$0x0] =	vst.idx.msk vm0, v42  }
0x3fc: {  	v21 =	vld.idx.msk [tilespmem:v51+s23+$0x0], $0xffff;
	[tilespmem:v49+s23+$0x0] =	vst.idx.msk vm0, v20  }
0x3fd: {  	v20 =	vld.idx.msk [tilespmem:v52+s23+$0x0], $0xffff;
	_ =	sdelay $0x1  }
0x3fe: {  	v53 =	vor.u32 s3, v25  }
0x3ff: {  	v54 =	vor.u32 s9, v25  }
0x400: {  	v21 =	vmul.f32 v21, v17  }
0x401: {  	v20 =	vmul.f32 v20, v17  }
0x402: {  	[tilespmem:v51+s23+$0x0] =	vst.idx.msk vm0, v21  }
0x403: {  	v21 =	vld.idx.msk [tilespmem:v53+s23+$0x0], $0xffff;
	[tilespmem:v52+s23+$0x0] =	vst.idx.msk vm0, v20  }
0x404: {  	v20 =	vld.idx.msk [tilespmem:v54+s23+$0x0], $0xffff  }
0x405: {  	v55 =	vor.u32 s18, v30  }
0x406: {  	v56 =	vor.u32 s3, v30  }
0x407: {  	v58 =	vor.u32 s9, v30;
	v57 =	vmul.f32 v45, v17  }
0x408: {  	v21 =	vmul.f32 v21, v17  }
0x409: {  	[tilespmem:v41+s23+$0x0] =	vst.idx.msk vm0, v57;
	v20 =	vmul.f32 v20, v17  }
0x40a: {  	v41 =	vld.idx.msk [tilespmem:v55+s23+$0x0], $0xffff;
	[tilespmem:v53+s23+$0x0] =	vst.idx.msk vm0, v21  }
0x40b: {  	v21 =	vld.idx.msk [tilespmem:v56+s23+$0x0], $0xffff;
	[tilespmem:v54+s23+$0x0] =	vst.idx.msk vm0, v20  }
0x40c: {  	v20 =	vld.idx.msk [tilespmem:v58+s23+$0x0], $0xffff  }
0x40d: {  	v59 =	vor.u32 s18, v26  }
0x40e: {  	v60 =	vor.u32 s3, v26  }
0x40f: {  	v61 =	vor.u32 s9, v26;
	v41 =	vmul.f32 v41, v17  }
0x410: {  	v21 =	vmul.f32 v21, v17  }
0x411: {  	[tilespmem:v55+s23+$0x0] =	vst.idx.msk vm0, v41;
	v20 =	vmul.f32 v20, v17  }
0x412: {  	v22 =	vld.idx.msk [tilespmem:v59+s23+$0x0], $0xffff;
	[tilespmem:v56+s23+$0x0] =	vst.idx.msk vm0, v21  }
0x413: {  	v21 =	vld.idx.msk [tilespmem:v60+s23+$0x0], $0xffff;
	[tilespmem:v58+s23+$0x0] =	vst.idx.msk vm0, v20  }
0x414: {  	v20 =	vld.idx.msk [tilespmem:v61+s23+$0x0], $0xffff  }
0x415: {  	v62 =	vor.u32 s18, v31  }
0x416: {  	v63 =	vor.u32 s3, v31  }
0x417: {  	v42 =	vor.u32 s9, v31;
	v22 =	vmul.f32 v22, v17  }
0x418: {  	[tilespmem:v39+s23+$0x0] =	vst.idx.msk vm0, v43;
	v21 =	vmul.f32 v21, v17  }
0x419: {  	v39 =	vld.idx.msk [tilespmem:v40+s23+$0x0], $0xffff;
	[tilespmem:v59+s23+$0x0] =	vst.idx.msk vm0, v22;
	v20 =	vmul.f32 v20, v17  }
0x41a: {  	v22 =	vld.idx.msk [tilespmem:v62+s23+$0x0], $0xffff;
	[tilespmem:v60+s23+$0x0] =	vst.idx.msk vm0, v21  }
0x41b: {  	v21 =	vld.idx.msk [tilespmem:v63+s23+$0x0], $0xffff;
	[tilespmem:v61+s23+$0x0] =	vst.idx.msk vm0, v20  }
0x41c: {  	v43 =	vor.u32 s10, v27;
	v44 =	vld.idx.msk [tilespmem:v42+s23+$0x0], $0xffff  }
0x41d: {  	v45 =	vor.u32 s18, v27  }
0x41e: {  	v47 =	vor.u32 s3, v27;
	v46 =	vmul.f32 v39, v17  }
0x41f: {  	v48 =	vor.u32 s9, v27;
	v22 =	vmul.f32 v22, v17  }
0x420: {  	[tilespmem:v40+s23+$0x0] =	vst.idx.msk vm0, v46;
	v21 =	vmul.f32 v21, v17  }
0x421: {  	v26 =	vld.idx.msk [tilespmem:v43+s23+$0x0], $0xffff;
	[tilespmem:v62+s23+$0x0] =	vst.idx.msk vm0, v22;
	v49 =	vmul.f32 v44, v17  }
0x422: {  	v23 =	vld.idx.msk [tilespmem:v45+s23+$0x0], $0xffff;
	[tilespmem:v63+s23+$0x0] =	vst.idx.msk vm0, v21  }
0x423: {  	v21 =	vld.idx.msk [tilespmem:v47+s23+$0x0], $0xffff;
	[tilespmem:v42+s23+$0x0] =	vst.idx.msk vm0, v49  }
0x424: {  	v50 =	vor.u32 s10, v32;
	v51 =	vld.idx.msk [tilespmem:v48+s23+$0x0], $0xffff  }
0x425: {  	v52 =	vor.u32 s18, v32  }
0x426: {  	v26 =	vmul.f32 v26, v17;
	v53 =	vor.u32 s3, v32  }
0x427: {  	v23 =	vmul.f32 v23, v17;
	v54 =	vor.u32 s9, v32  }
0x428: {  	[tilespmem:v43+s23+$0x0] =	vst.idx.msk vm0, v26;
	v55 =	vmul.f32 v21, v17  }
0x429: {  	v56 =	vld.idx.msk [tilespmem:v50+s23+$0x0], $0xffff;
	[tilespmem:v45+s23+$0x0] =	vst.idx.msk vm0, v23;
	v57 =	vmul.f32 v51, v17  }
0x42a: {  	v58 =	vld.idx.msk [tilespmem:v52+s23+$0x0], $0xffff;
	[tilespmem:v47+s23+$0x0] =	vst.idx.msk vm0, v55  }
0x42b: {  	v20 =	vld.idx.msk [tilespmem:v53+s23+$0x0], $0xffff;
	[tilespmem:v48+s23+$0x0] =	vst.idx.msk vm0, v57  }
0x42c: {  	v59 =	vor.u32 s10, v28;
	v60 =	vld.idx.msk [tilespmem:v54+s23+$0x0], $0xffff  }
0x42d: {  	v62 =	vor.u32 s18, v28;
	v61 =	vmul.f32 v38, v17  }
0x42e: {  	v63 =	vor.u32 s3, v28;
	v21 =	vmul.f32 v56, v17  }
0x42f: {  	v39 =	vor.u32 s9, v28;
	v24 =	vmul.f32 v58, v17;
	[tilespmem:v37+s23+$0x0] =	vst.idx.msk vm0, v61  }
0x430: {  	[tilespmem:v50+s23+$0x0] =	vst.idx.msk vm0, v21;
	v40 =	vld.idx.msk [tilespmem:v36+s23+$0x0], $0xffff;
	v20 =	vmul.f32 v20, v17  }
0x431: {  	[tilespmem:v52+s23+$0x0] =	vst.idx.msk vm0, v24;
	v21 =	vld.idx.msk [tilespmem:v59+s23+$0x0], $0xffff;
	v41 =	vmul.f32 v60, v17  }
0x432: {  	v24 =	vld.idx.msk [tilespmem:v62+s23+$0x0], $0xffff;
	[tilespmem:v53+s23+$0x0] =	vst.idx.msk vm0, v20  }
0x433: {  	v42 =	vor.u32 s8, v29;
	v43 =	vld.idx.msk [tilespmem:v63+s23+$0x0], $0xffff;
	[tilespmem:v54+s23+$0x0] =	vst.idx.msk vm0, v41  }
0x434: {  	v44 =	vor.u32 s10, v29;
	v45 =	vld.idx.msk [tilespmem:v39+s23+$0x0], $0xffff  }
0x435: {  	v46 =	vor.u32 s18, v29;
	v28 =	vmul.f32 v40, v17  }
0x436: {  	v47 =	vor.u32 s3, v29;
	v21 =	vmul.f32 v21, v17  }
0x437: {  	v24 =	vmul.f32 v24, v17;
	[tilespmem:v36+s23+$0x0] =	vst.idx.msk vm0, v28;
	v48 =	vor.u32 s9, v29  }
0x438: {  	[tilespmem:v59+s23+$0x0] =	vst.idx.msk vm0, v21;
	v49 =	vld.idx.msk [tilespmem:v42+s23+$0x0], $0xffff;
	v50 =	vmul.f32 v43, v17  }
0x439: {  	[tilespmem:v62+s23+$0x0] =	vst.idx.msk vm0, v24;
	v23 =	vld.idx.msk [tilespmem:v44+s23+$0x0], $0xffff;
	v51 =	vmul.f32 v45, v17  }
0x43a: {  	v52 =	vld.idx.msk [tilespmem:v46+s23+$0x0], $0xffff;
	[tilespmem:v63+s23+$0x0] =	vst.idx.msk vm0, v50  }
0x43b: {  	v53 =	vor.u32 s8, v33;
	v54 =	vld.idx.msk [tilespmem:v47+s23+$0x0], $0xffff;
	[tilespmem:v39+s23+$0x0] =	vst.idx.msk vm0, v51  }
0x43c: {  	v55 =	vor.u32 s10, v33;
	v26 =	vld.idx.msk [tilespmem:v48+s23+$0x0], $0xffff  }
0x43d: {  	v56 =	vor.u32 s18, v33;
	v29 =	vmul.f32 v49, v17  }
0x43e: {  	v23 =	vmul.f32 v23, v17;
	v57 =	vor.u32 s3, v33  }
0x43f: {  	v59 =	vor.u32 s9, v33;
	v58 =	vmul.f32 v52, v17;
	[tilespmem:v42+s23+$0x0] =	vst.idx.msk vm0, v29  }
0x440: {  	[tilespmem:v44+s23+$0x0] =	vst.idx.msk vm0, v23;
	v29 =	vld.idx.msk [tilespmem:v53+s23+$0x0], $0xffff;
	v60 =	vmul.f32 v54, v17  }
0x441: {  	[tilespmem:v46+s23+$0x0] =	vst.idx.msk vm0, v58;
	v23 =	vld.idx.msk [tilespmem:v55+s23+$0x0], $0xffff;
	v61 =	vmul.f32 v26, v17  }
0x442: {  	v62 =	vor.u32 s0, v19;
	v63 =	vld.idx.msk [tilespmem:v56+s23+$0x0], $0xffff;
	[tilespmem:v47+s23+$0x0] =	vst.idx.msk vm0, v60  }
0x443: {  	v37 =	vor.u32 s8, v19;
	v38 =	vld.idx.msk [tilespmem:v57+s23+$0x0], $0xffff;
	[tilespmem:v48+s23+$0x0] =	vst.idx.msk vm0, v61  }
0x444: {  	v40 =	vor.u32 s10, v19;
	v39 =	vmul.f32 v35, v17;
	v41 =	vld.idx.msk [tilespmem:v59+s23+$0x0], $0xffff  }
0x445: {  	v42 =	vor.u32 s18, v19;
	v29 =	vmul.f32 v29, v17  }
0x446: {  	v44 =	vor.u32 s3, v19;
	v43 =	vmul.f32 v23, v17;
	[tilespmem:v34+s23+$0x0] =	vst.idx.msk vm0, v39  }
0x447: {  	v19 =	vor.u32 s9, v19;
	[tilespmem:v53+s23+$0x0] =	vst.idx.msk vm0, v29;
	v45 =	vmul.f32 v63, v17;
	v34 =	vld.idx.msk [tilespmem:v62+s23+$0x0], $0xffff  }
0x448: {  	[tilespmem:v55+s23+$0x0] =	vst.idx.msk vm0, v43;
	v46 =	vld.idx.msk [tilespmem:v37+s23+$0x0], $0xffff;
	v47 =	vmul.f32 v38, v17  }
0x449: {  	v24 =	vld.idx.msk [tilespmem:v40+s23+$0x0], $0xffff;
	[tilespmem:v56+s23+$0x0] =	vst.idx.msk vm0, v45;
	v48 =	vmul.f32 v41, v17  }
0x44a: {  	v49 =	vor.u32 s0, v18;
	v30 =	vld.idx.msk [tilespmem:v42+s23+$0x0], $0xffff;
	[tilespmem:v57+s23+$0x0] =	vst.idx.msk vm0, v47  }
0x44b: {  	v50 =	vor.u32 s8, v18;
	v51 =	vld.idx.msk [tilespmem:v44+s23+$0x0], $0xffff;
	[tilespmem:v59+s23+$0x0] =	vst.idx.msk vm0, v48  }
0x44c: {  	v53 =	vor.u32 s10, v18;
	v52 =	vmul.f32 v34, v17;
	v54 =	vld.idx.msk [tilespmem:v19+s23+$0x0], $0xffff  }
0x44d: {  	v55 =	vor.u32 s18, v18;
	v27 =	vmul.f32 v46, v17  }
0x44e: {  	v56 =	vmul.f32 v24, v17;
	v57 =	vor.u32 s3, v18;
	[tilespmem:v62+s23+$0x0] =	vst.idx.msk vm0, v52  }
0x44f: {  	[tilespmem:v37+s23+$0x0] =	vst.idx.msk vm0, v27;
	v58 =	vmul.f32 v30, v17;
	v18 =	vor.u32 s9, v18;
	v26 =	vld.idx.msk [tilespmem:v49+s23+$0x0], $0xffff  }
0x450: {  	[tilespmem:v40+s23+$0x0] =	vst.idx.msk vm0, v56;
	v27 =	vld.idx.msk [tilespmem:v50+s23+$0x0], $0xffff;
	v59 =	vmul.f32 v51, v17  }
0x451: {  	v28 =	vld.idx.msk [tilespmem:v53+s23+$0x0], $0xffff;
	[tilespmem:v42+s23+$0x0] =	vst.idx.msk vm0, v58;
	v60 =	vmul.f32 v54, v17  }
0x452: {  	v61 =	vld.idx.msk [tilespmem:v55+s23+$0x0], $0xffff;
	[tilespmem:v44+s23+$0x0] =	vst.idx.msk vm0, v59  }
0x453: {  	v21 =	vld.idx.msk [tilespmem:v57+s23+$0x0], $0xffff;
	[tilespmem:v19+s23+$0x0] =	vst.idx.msk vm0, v60  }
0x454: {  	v19 =	vmul.f32 v26, v17;
	v22 =	vld.idx.msk [tilespmem:v18+s23+$0x0], $0xffff  }
0x455: {  	s7 =	sadd.s32 $0x1, s7;
	v62 =	vmul.f32 v27, v17  }
0x456: {  	p1 =	sne.s32 s7, $0xD;
	[tilespmem:v49+s23+$0x0] =	vst.idx.msk vm0, v19;
	v19 =	vmul.f32 v28, v17  }
.Ltmp7:
0x457: {  	[tilespmem:v50+s23+$0x0] =	vst.idx.msk vm0, v62;
	v63 =	vmul.f32 v61, v17;
	(pc) =	sbr.rel @p1 .LBB2_15-.Ltmp7, $4  }
0x458: {  	[tilespmem:v53+s23+$0x0] =	vst.idx.msk vm0, v19;
	v19 =	vmul.f32 v21, v17  }
0x459: {  	[tilespmem:v55+s23+$0x0] =	vst.idx.msk vm0, v63;
	v17 =	vmul.f32 v22, v17  }
0x45a: {  	[tilespmem:v57+s23+$0x0] =	vst.idx.msk vm0, v19  }
0x45b: {  	[tilespmem:v18+s23+$0x0] =	vst.idx.msk vm0, v17  }
0x45c: {  	s15 =	sadd.s32 $0x1, s15  }
0x45d: {  	p1 =	sne.s32 s15, $0x8  }
.Ltmp8:
0x45e: {  	s0 =	sadd.s32 s2, s16;
	(pc) =	sbr.rel @p1 .LBB2_2-.Ltmp8, $3  }
0x45f: {  	s0 =	smul.u32 $0xC80, s0;
	_ =	sdelay $0x1  }
0x460: {  	s0 =	sadd.s32 s1, s0  }
0x461: {  	[hbm4b:s0+s5] =	stream.linear.scatter [tilespmem:s23], [sflag:$0x8], $0x6400, $0x38;
	[tilespmem:$0x1E140] =	vst v63  }
0x462: {  	s0 =	simm.s32 $0x7  }
0x463: {  	_ =	swait.ge [sflag:s0], $0x6400  }
0x464: {  	[sflag:s0] =	ssyncset.done $0x0  }
0x465: {  	s3 =	simm.s32 $0x8;
	[sflag:s0] =	ssyncadd.s32 $0xFFFF9C00  }
0x466: {  	_ =	swait.ge [sflag:s3], $0x6400  }
0x467: {  	s6 =	rddreg [dreg:$0x9]  }
0x468: {  	s31 =	rddreg [dreg:$0x7];
	s6 =	sadd.s32 $0x1, s6  }
0x469: {  	p1 =	sne.s32 s6, s31  }
.Ltmp9:
0x46a: {  	_ = 	snop;
	(pc) =	sbr.rel @p1 .LBB2_1-.Ltmp9, $3  }
0x46b: {  	_ =	sdelay $0x1  }
0x46c: {  	[sflag:s3] =	ssyncset.done $0x0  }
0x46d: {  	[sflag:s3] =	ssyncadd.s32 $0xFFFF9C00  }
0x46e: {  	_ =	sfence.sel $0x180000  }
0x46f: {  	[bflag:$0x0] =	sbarrier.arrive $0xFFFF  }
0x470: {  	_ =	strace $0x90000047  }
0x471: {  	[bflag:$0x2] =	sbarrier.arrive $0xFFFF  }
0x472: {  	s0 =	rddreg [dreg:$0x4]  }
0x473: {  	s0 =	sadd.s32 @!p0 $0x100000, s0  }
0x474: {  	[sflag:s0] =	ssyncadd.tile.s32 @!p0 $0x1;
	_ =	shalt  }
.Lfunc_end2:
_tile_overlayer_lowered:
.L_overlay_start_2:
0x475: {  	(tag) =	ssettag $0x2  }
0x476: {  	s0 =	rddreg [dreg:$0x0];
	s2 =	stileid.u32  }
0x477: {  	s1 =	rddreg [dreg:$0x1];
	p0 =	sne.s32 s2, $0x0  }
0x478: {  	s3 =	rddreg [dreg:$0x2];
	[bflag:$0x3] =	sbarrier.arrive $0xFFFF;
	s2 =	simm.s32 @!p0 $0x1C09  }
0x479: {  	[timem:s3], [sflag:s2] =	dma.local @!p0 [hbm:s0], s1  }
0x47a: {  	s0 =	simm.s32 @!p0 $0x9  }
0x47b: {  	_ =	swait.ge @!p0 [sflag:s0], s1  }
0x47c: {  	s1 =	ssub.s32 @!p0 $0x0, s1;
	[sflag:s0] =	ssyncset.done @!p0 $0x0  }
0x47d: {  	[sflag:s0] =	ssyncadd.s32 @!p0 s1  }
0x47e: {  	[bflag:$0x3] =	sbarrier.arrive $0xFFFF  }
0x47f: {  	_ =	shalt  }

</sc_bundles>
